<compile_context>
chip_gen: v7x
topology: tpu7x:2x2x1
jax: 0.10.2.dev20260603
libtpu: 0.0.44.dev20260713+nightly
codegen_flags: <defaults>
</compile_context>

<pallas_src>
import functools

import numpy as np

import jax
import jax.numpy as jnp
from jax import lax
from jax.experimental import pallas as pl
from jax.experimental.pallas import tpu as pltpu
from jax.experimental.pallas import tpu_sc as plsc

_N = 10000
_E = 320000
_H = 128
_DIN = 128
_L = 4
_NPG = 200
_B = _N // _NPG

_NTILES = 32
_CH = 128
_NCH = 79
_PT = _CH * _NCH
_EPAD = _NTILES * _PT
_NPAD = 10240
_RPT = _NPAD // 16


def _sc_scatter_body(m_hbm, zeros_hbm, src_hbm, dst_hbm, out_hbm,
                     src_v, dst_v, rows_v, acc_sh, sem):
    cid = lax.axis_index("c")
    sid = lax.axis_index("s")
    wid = cid * 16 + sid
    r0 = sid * _RPT
    pltpu.sync_copy(zeros_hbm.at[pl.ds(r0, _RPT)], acc_sh.at[pl.ds(r0, _RPT)])
    pltpu.sync_copy(src_hbm.at[wid], src_v)
    pltpu.sync_copy(dst_hbm.at[wid], dst_v)
    plsc.subcore_barrier()

    def body(j):
        pltpu.async_copy(m_hbm.at[src_v.at[j]], rows_v, sem).wait()
        pltpu.sync_copy(rows_v, acc_sh.at[dst_v.at[j]], add=True)

    pl.loop(0, _NCH)(body)
    plsc.subcore_barrier()
    for k in range(_RPT // _CH):
        rr = r0 + k * _CH
        pltpu.sync_copy(acc_sh.at[pl.ds(rr, _CH)], rows_v)
        pltpu.sync_copy(rows_v, out_hbm.at[cid, pl.ds(rr, _CH)])


@functools.cache
def _get_sc_scatter():
    return pl.kernel(
        _sc_scatter_body,
        out_type=jax.ShapeDtypeStruct((2, _NPAD, _H), jnp.float32),
        mesh=plsc.VectorSubcoreMesh(core_axis_name="c", subcore_axis_name="s"),
        scratch_types=[
            pltpu.VMEM((_NCH, _CH), jnp.int32),
            pltpu.VMEM((_NCH, _CH), jnp.int32),
            pltpu.VMEM((_CH, _H), jnp.float32),
            pltpu.VMEM_SHARED((_NPAD, _H), jnp.float32),
            pltpu.SemaphoreType.DMA,
        ],
    )


_NB = 1000
_NG = _N // _NB


def _mm_body(x_ref, w_ref, o_ref):
    o_ref[...] = jnp.dot(x_ref[...], w_ref[...],
                         preferred_element_type=jnp.float32)


_m0 = pl.pallas_call(
    _mm_body,
    grid=(_NG,),
    in_specs=[
        pl.BlockSpec((_NB, _H), lambda i: (i, 0)),
        pl.BlockSpec((_H, _H), lambda i: (0, 0)),
    ],
    out_specs=pl.BlockSpec((_NB, _H), lambda i: (i, 0)),
    out_shape=jax.ShapeDtypeStruct((_N, _H), jnp.float32),
)


def _gru_body(h_ref, agg_ref, wih_ref, whh_ref, bih_ref, bhh_ref, wnext_ref,
              hout_ref, mout_ref):
    h = h_ref[...]
    agg = agg_ref[0] + agg_ref[1]
    gi = jnp.dot(agg, wih_ref[...], preferred_element_type=jnp.float32)
    gi = gi + bih_ref[...]
    gh = jnp.dot(h, whh_ref[...], preferred_element_type=jnp.float32)
    gh = gh + bhh_ref[...]
    r = jax.nn.sigmoid(gi[:, :_H] + gh[:, :_H])
    z = jax.nn.sigmoid(gi[:, _H:2 * _H] + gh[:, _H:2 * _H])
    n = jnp.tanh(gi[:, 2 * _H:] + r * gh[:, 2 * _H:])
    hn = (1.0 - z) * n + z * h
    hout_ref[...] = hn
    mout_ref[...] = jnp.dot(hn, wnext_ref[...],
                            preferred_element_type=jnp.float32)


_gru = pl.pallas_call(
    _gru_body,
    grid=(_NG,),
    in_specs=[
        pl.BlockSpec((_NB, _H), lambda i: (i, 0)),
        pl.BlockSpec((2, _NB, _H), lambda i: (0, i, 0)),
        pl.BlockSpec((_H, 3 * _H), lambda i: (0, 0)),
        pl.BlockSpec((_H, 3 * _H), lambda i: (0, 0)),
        pl.BlockSpec((1, 3 * _H), lambda i: (0, 0)),
        pl.BlockSpec((1, 3 * _H), lambda i: (0, 0)),
        pl.BlockSpec((_H, _H), lambda i: (0, 0)),
    ],
    out_specs=[
        pl.BlockSpec((_NB, _H), lambda i: (i, 0)),
        pl.BlockSpec((_NB, _H), lambda i: (i, 0)),
    ],
    out_shape=[
        jax.ShapeDtypeStruct((_N, _H), jnp.float32),
        jax.ShapeDtypeStruct((_N, _H), jnp.float32),
    ],
)


def _pool_mats(t_in, k, s):
    t_out = (t_in - k) // s + 1
    mats = np.zeros((k, t_out, t_in), np.float32)
    for off in range(k):
        for t in range(t_out):
            mats[off, t, s * t + off] = 1.0
    return mats


def _conv_path_2d(z, w1, b1, s1, w2, b2, s2, w3, b3, u):
    t1 = z.shape[0] - 2
    acc = None
    for k in range(3):
        c = jnp.dot(z[k:k + t1, :], w1[k],
                    preferred_element_type=jnp.float32)
        acc = c if acc is None else acc + c
    y1 = jnp.maximum(acc + b1, 0.0)
    p = None
    for off in range(s1.shape[0]):
        sel = jnp.dot(s1[off], y1, preferred_element_type=jnp.float32)
        p = sel if p is None else jnp.maximum(p, sel)
    y2 = jnp.maximum(jnp.dot(p, w2, preferred_element_type=jnp.float32)
                     + b2, 0.0)
    q = None
    for off in range(s2.shape[0]):
        sel = jnp.dot(s2[off], y2, preferred_element_type=jnp.float32)
        q = sel if q is None else jnp.maximum(q, sel)
    t4 = q.shape[0] - 2
    acc3 = None
    for k in range(3):
        c = jnp.dot(q[k:k + t4, :], w3[k],
                    preferred_element_type=jnp.float32)
        acc3 = c if acc3 is None else acc3 + c
    y3 = jnp.maximum(acc3 + b3, 0.0)
    return jnp.dot(u, y3, preferred_element_type=jnp.float32)


def _head_body(zw_ref, zn_ref,
               w1w_ref, b1w_ref, s1w_ref, w2w_ref, b2w_ref, s2w_ref,
               w3w_ref, b3w_ref, uw_ref, mw_ref, mwb_ref,
               w1n_ref, b1n_ref, s1n_ref, w2n_ref, b2n_ref, s2n_ref,
               w3n_ref, b3n_ref, un_ref, mn_ref, mnb_ref,
               out_ref):
    yw = _conv_path_2d(zw_ref[0], w1w_ref[...], b1w_ref[...], s1w_ref[...],
                       w2w_ref[...], b2w_ref[...], s2w_ref[...],
                       w3w_ref[...], b3w_ref[...], uw_ref[...])
    yn = _conv_path_2d(zn_ref[0], w1n_ref[...], b1n_ref[...], s1n_ref[...],
                       w2n_ref[...], b2n_ref[...], s2n_ref[...],
                       w3n_ref[...], b3n_ref[...], un_ref[...])
    ywh = jnp.dot(mw_ref[...], yw, preferred_element_type=jnp.float32)
    ywh = ywh + mwb_ref[...]
    ynh = jnp.dot(mn_ref[...], yn, preferred_element_type=jnp.float32)
    ynh = ynh + mnb_ref[...]
    sig = jax.nn.sigmoid(ywh * ynh)
    out_ref[...] = jnp.broadcast_to(sig[None], (1, 1, 128))


def _full(shape):
    return pl.BlockSpec(shape, lambda b: tuple(0 for _ in shape))


_head = pl.pallas_call(
    _head_body,
    grid=(_B,),
    in_specs=[
        pl.BlockSpec((1, _H + _DIN, _NPG), lambda b: (b, 0, 0)),
        pl.BlockSpec((1, _H, _NPG), lambda b: (b, 0, 0)),
        _full((3, _NPG, 100)), _full((1, 100)), _full((3, 126, 254)),
        _full((100, 50)), _full((1, 50)), _full((2, 63, 126)),
        _full((3, 50, 1)), _full((1, 1)), _full((31, 61)),
        _full((1, 31)), _full((1, 1)),
        _full((3, _NPG, 100)), _full((1, 100)), _full((3, 62, 126)),
        _full((100, 50)), _full((1, 50)), _full((2, 31, 62)),
        _full((3, 50, 1)), _full((1, 1)), _full((15, 29)),
        _full((1, 15)), _full((1, 1)),
    ],
    out_specs=pl.BlockSpec((1, 1, 128), lambda b: (b, 0, 0)),
    out_shape=jax.ShapeDtypeStruct((_B, 1, 128), jnp.float32),
)


_S1W = _pool_mats(254, 3, 2)
_S2W = _pool_mats(126, 2, 2)
_UW = _pool_mats(61, 1, 2)[0]
_S1N = _pool_mats(126, 3, 2)
_S2N = _pool_mats(62, 2, 2)
_UN = _pool_mats(29, 1, 2)[0]


def kernel(x, edge_index, ggnn_w, gru_w_ih, gru_w_hh, gru_b_ih, gru_b_hh,
           cw1_w, cw1_b, cw2_w, cw2_b, cw3_w, cw3_b,
           cn1_w, cn1_b, cn2_w, cn2_b, cn3_w, cn3_b,
           mw_w, mw_b, mn_w, mn_b):
    src, dst = edge_index[0], edge_index[1]
    pad = _EPAD - _E
    srcp = jnp.concatenate([src, jnp.zeros((pad,), jnp.int32)])
    dstp = jnp.concatenate([dst, jnp.full((pad,), _N, jnp.int32)])
    srcp = srcp.reshape(_NTILES, _NCH, _CH)
    dstp = dstp.reshape(_NTILES, _NCH, _CH)
    zeros_acc = jnp.zeros((_NPAD, _H), jnp.float32)

    wih_t = gru_w_ih.T
    whh_t = gru_w_hh.T
    bih = gru_b_ih.reshape(1, 3 * _H)
    bhh = gru_b_hh.reshape(1, 3 * _H)

    h = x
    m = _m0(x, ggnn_w[0])
    for i in range(_L):
        parts = _get_sc_scatter()(m, zeros_acc, srcp, dstp)
        w_next = ggnn_w[(i + 1) % _L]
        h, m = _gru(h, parts, wih_t, whh_t, bih, bhh, w_next)

    xc = jnp.concatenate([h, x], axis=-1)
    zw = xc.reshape(_B, _NPG, _H + _DIN).transpose(0, 2, 1)
    zn = h.reshape(_B, _NPG, _H).transpose(0, 2, 1)

    w1w = cw1_w.transpose(2, 1, 0)
    w2w = cw2_w[:, :, 0].T
    w3w = cw3_w.transpose(2, 1, 0)
    w1n = cn1_w.transpose(2, 1, 0)
    w2n = cn2_w[:, :, 0].T
    w3n = cn3_w.transpose(2, 1, 0)

    out = _head(
        zw, zn,
        w1w, cw1_b.reshape(1, 100), jnp.asarray(_S1W),
        w2w, cw2_b.reshape(1, 50), jnp.asarray(_S2W),
        w3w, cw3_b.reshape(1, 1), jnp.asarray(_UW),
        mw_w, mw_b.reshape(1, 1),
        w1n, cn1_b.reshape(1, 100), jnp.asarray(_S1N),
        w2n, cn2_b.reshape(1, 50), jnp.asarray(_S2N),
        w3n, cn3_b.reshape(1, 1), jnp.asarray(_UN),
        mn_w, mn_b.reshape(1, 1),
    )
    return out[:, 0, :1]

# --- scband reference (transcript-rebuilt; emitter-appended) ---
"""Pipeline reference for scband-model-2379411882535 (READ-ONLY COPY).

The authoritative reference and input builder live on the scoring server;
editing this copy changes nothing except your own understanding.
"""

import jax, jax.numpy as jnp
import numpy as np
from jax import lax

N = 10000
E = 320000
D_IN = 128
H = 128
L = 4
NPG = 200
B = N // NPG


def _p(key, shape, scale=0.05):
    return jax.random.normal(key, shape, jnp.float32) * scale


def setup_inputs(seed: int = 0):
    key = jax.random.key(seed)
    ks = jax.random.split(key, 24)
    return {
        "x": jax.random.normal(ks[0], (N, D_IN), jnp.float32),
        "edge_index": jax.random.randint(ks[1], (2, E), 0, N, dtype=jnp.int32),
        "ggnn_w": _p(ks[2], (L, H, H)),
        "gru_w_ih": _p(ks[3], (3 * H, H)),
        "gru_w_hh": _p(ks[4], (3 * H, H)),
        "gru_b_ih": _p(ks[5], (3 * H,)),
        "gru_b_hh": _p(ks[6], (3 * H,)),
        "cw1_w": _p(ks[7], (100, NPG, 3)),
        "cw1_b": _p(ks[8], (100,)),
        "cw2_w": _p(ks[9], (50, 100, 1)),
        "cw2_b": _p(ks[10], (50,)),
        "cw3_w": _p(ks[11], (1, 50, 3)),
        "cw3_b": _p(ks[12], (1,)),
        "cn1_w": _p(ks[13], (100, NPG, 3)),
        "cn1_b": _p(ks[14], (100,)),
        "cn2_w": _p(ks[15], (50, 100, 1)),
        "cn2_b": _p(ks[16], (50,)),
        "cn3_w": _p(ks[17], (1, 50, 3)),
        "cn3_b": _p(ks[18], (1,)),
        "mw_w": _p(ks[19], (1, 31)),
        "mw_b": _p(ks[20], (1,)),
        "mn_w": _p(ks[21], (1, 15)),
        "mn_b": _p(ks[22], (1,)),
    }


def _conv1d(x, w, b):
    y = lax.conv_general_dilated(x, w, (1,), 'VALID',
                                 dimension_numbers=('NCH', 'OIH', 'NCH'))
    return y + b[None, :, None]


def _maxpool(x, k, s):
    return lax.reduce_window(x, -jnp.inf, lax.max, (1, 1, k), (1, 1, s), 'VALID')


def _conv_path(z, w1, b1, w2, b2, w3, b3):
    y = _maxpool(jax.nn.relu(_conv1d(z, w1, b1)), 3, 2)
    y = _maxpool(jax.nn.relu(_conv1d(y, w2, b2)), 2, 2)
    y = _maxpool(jax.nn.relu(_conv1d(y, w3, b3)), 1, 2)
    return y.reshape(y.shape[0], -1)


def _ggnn(x, src, dst, w, w_ih, w_hh, b_ih, b_hh):
    h = x
    for i in range(L):
        m = h @ w[i]
        agg = jnp.zeros((h.shape[0], H), h.dtype).at[dst].add(m[src])
        gi = agg @ w_ih.T + b_ih
        gh = h @ w_hh.T + b_hh
        ir, iz, inn = jnp.split(gi, 3, axis=-1)
        hr, hz, hn = jnp.split(gh, 3, axis=-1)
        r = jax.nn.sigmoid(ir + hr)
        zg = jax.nn.sigmoid(iz + hz)
        n = jnp.tanh(inn + r * hn)
        h = (1.0 - zg) * n + zg * h
    return h


def reference(x, edge_index, ggnn_w, gru_w_ih, gru_w_hh, gru_b_ih, gru_b_hh,
              cw1_w, cw1_b, cw2_w, cw2_b, cw3_w, cw3_b,
              cn1_w, cn1_b, cn2_w, cn2_b, cn3_w, cn3_b,
              mw_w, mw_b, mn_w, mn_b):
    src, dst = edge_index[0], edge_index[1]
    h = _ggnn(x, src, dst, ggnn_w, gru_w_ih, gru_w_hh, gru_b_ih, gru_b_hh)
    xc = jnp.concatenate([h, x], axis=-1)
    zw = xc.reshape(B, NPG, H + D_IN)
    zn = h.reshape(B, NPG, H)
    yw = _conv_path(zw, cw1_w, cw1_b, cw2_w, cw2_b, cw3_w, cw3_b) @ mw_w.T + mw_b
    yn = _conv_path(zn, cn1_w, cn1_b, cn2_w, cn2_b, cn3_w, cn3_b) @ mn_w.T + mn_b
    return jax.nn.sigmoid(yw * yn)

if __name__ == "__main__":
    import jax
    _d = setup_inputs()
    print(jax.jit(kernel)(*tuple(_d.values())))

</pallas_src>

<mosaic_0001>
#map = affine_map<(d0, d1) -> (0, 0)>
#map1 = affine_map<(d0, d1) -> (0, 0, 0)>
module attributes {stable_mosaic.version = 14 : i64} {
  func.func @_sc_scatter_body(%arg0: i32, %arg1: i32, %arg2: memref<10000x128xf32, #tpu.memory_space<hbm>>, %arg3: memref<10240x128xf32, #tpu.memory_space<hbm>>, %arg4: memref<32x79x128xi32, #tpu.memory_space<hbm>>, %arg5: memref<32x79x128xi32, #tpu.memory_space<hbm>>, %arg6: memref<2x10240x128xf32, #tpu.memory_space<hbm>>, %arg7: memref<79x128xi32, #tpu.memory_space<vmem>>, %arg8: memref<79x128xi32, #tpu.memory_space<vmem>>, %arg9: memref<128x128xf32, #tpu.memory_space<vmem>>, %arg10: memref<10240x128xf32, #tpu.memory_space<vmem_shared>>, %arg11: memref<!tpu.dma_semaphore, #tpu.memory_space<semaphore_mem>>) attributes {dimension_semantics = [#tpu.dimension_semantics<core_parallel>, #tpu.dimension_semantics<subcore_parallel>], iteration_bounds = array<i64: 2, 16>, scalar_prefetch = 0 : i64, scratch_operands = 5 : i64, tpu.core_type = #tpu.core_type<sc_vector_subcore>, window_params = [{transform_indices = #map}, {transform_indices = #map}, {transform_indices = #map1}, {transform_indices = #map1}, {transform_indices = #map1}]} {
    %mul3A = arith.constant 16 : i32
    %mul3A_0 = arith.muli %arg0, %mul3A : i32
    %add3A = arith.addi %mul3A_0, %arg1 : i32
    %mul3A_1 = arith.constant 640 : i32
    %mul3A_2 = arith.muli %arg1, %mul3A_1 : i32
    "tpu.region"() ({
      %run_scoped3A = tpu.sem_alloc : memref<!tpu.dma_semaphore, #tpu.memory_space<semaphore_mem>>
      %dma_start3A = arith.constant 0 : i32
      %dma_start3A_18 = tpu.memref_slice %arg10[%mul3A_2, %dma_start3A] : memref<10240x128xf32, #tpu.memory_space<vmem_shared>> -> memref<640x128xf32, #tpu.memory_space<vmem_shared>>
      %dma_start3A_19 = arith.constant 0 : i32
      %dma_start3A_20 = tpu.memref_slice %arg3[%mul3A_2, %dma_start3A_19] : memref<10240x128xf32, #tpu.memory_space<hbm>> -> memref<640x128xf32, #tpu.memory_space<hbm>>
      tpu.enqueue_dma source(%dma_start3A_20 : memref<640x128xf32, #tpu.memory_space<hbm>>) target(%dma_start3A_18 : memref<640x128xf32, #tpu.memory_space<vmem_shared>>) target_semaphore(%run_scoped3A : memref<!tpu.dma_semaphore, #tpu.memory_space<semaphore_mem>>)
      %dma_wait3A = arith.constant 0 : i32
      %dma_wait3A_21 = tpu.memref_slice %arg10[%mul3A_2, %dma_wait3A] : memref<10240x128xf32, #tpu.memory_space<vmem_shared>> -> memref<640x128xf32, #tpu.memory_space<vmem_shared>>
      %dma_wait3A_22 = arith.constant 0 : i32
      %dma_wait3A_23 = tpu.memref_slice %arg3[%mul3A_2, %dma_wait3A_22] : memref<10240x128xf32, #tpu.memory_space<hbm>> -> memref<640x128xf32, #tpu.memory_space<hbm>>
      tpu.wait_dma2 semaphore(%run_scoped3A : memref<!tpu.dma_semaphore, #tpu.memory_space<semaphore_mem>>) src(%dma_wait3A_23 : memref<640x128xf32, #tpu.memory_space<hbm>>) dst(%dma_wait3A_21 : memref<640x128xf32, #tpu.memory_space<vmem_shared>>)
      tpu.yield
    }) : () -> ()
    "tpu.region"() ({
      %run_scoped3A = tpu.sem_alloc : memref<!tpu.dma_semaphore, #tpu.memory_space<semaphore_mem>>
      %dma_start3A = arith.constant 0 : i32
      %dma_start3A_18 = arith.constant 0 : i32
      %dma_start3A_19 = tpu.memref_slice %arg4[%add3A, %dma_start3A, %dma_start3A_18] : memref<32x79x128xi32, #tpu.memory_space<hbm>> -> memref<1x79x128xi32, #tpu.memory_space<hbm>>
      %dma_start3A_20 = tpu.memref_squeeze %dma_start3A_19 : memref<1x79x128xi32, #tpu.memory_space<hbm>> -> memref<79x128xi32, #tpu.memory_space<hbm>>
      %dma_start3A_21 = arith.constant 0 : i32
      %dma_start3A_22 = arith.constant 0 : i32
      %dma_start3A_23 = tpu.memref_slice %arg4[%add3A, %dma_start3A_21, %dma_start3A_22] : memref<32x79x128xi32, #tpu.memory_space<hbm>> -> memref<1x79x128xi32, #tpu.memory_space<hbm>>
      %dma_start3A_24 = tpu.memref_squeeze %dma_start3A_23 : memref<1x79x128xi32, #tpu.memory_space<hbm>> -> memref<79x128xi32, #tpu.memory_space<hbm>>
      tpu.enqueue_dma source(%dma_start3A_24 : memref<79x128xi32, #tpu.memory_space<hbm>>) target(%arg7 : memref<79x128xi32, #tpu.memory_space<vmem>>) target_semaphore(%run_scoped3A : memref<!tpu.dma_semaphore, #tpu.memory_space<semaphore_mem>>)
      %dma_wait3A = arith.constant 0 : i32
      %dma_wait3A_25 = arith.constant 0 : i32
      %dma_wait3A_26 = tpu.memref_slice %arg4[%add3A, %dma_wait3A, %dma_wait3A_25] : memref<32x79x128xi32, #tpu.memory_space<hbm>> -> memref<1x79x128xi32, #tpu.memory_space<hbm>>
      %dma_wait3A_27 = tpu.memref_squeeze %dma_wait3A_26 : memref<1x79x128xi32, #tpu.memory_space<hbm>> -> memref<79x128xi32, #tpu.memory_space<hbm>>
      %dma_wait3A_28 = arith.constant 0 : i32
      %dma_wait3A_29 = arith.constant 0 : i32
      %dma_wait3A_30 = tpu.memref_slice %arg4[%add3A, %dma_wait3A_28, %dma_wait3A_29] : memref<32x79x128xi32, #tpu.memory_space<hbm>> -> memref<1x79x128xi32, #tpu.memory_space<hbm>>
      %dma_wait3A_31 = tpu.memref_squeeze %dma_wait3A_30 : memref<1x79x128xi32, #tpu.memory_space<hbm>> -> memref<79x128xi32, #tpu.memory_space<hbm>>
      tpu.wait_dma2 semaphore(%run_scoped3A : memref<!tpu.dma_semaphore, #tpu.memory_space<semaphore_mem>>) src(%dma_wait3A_31 : memref<79x128xi32, #tpu.memory_space<hbm>>) dst(%arg7 : memref<79x128xi32, #tpu.memory_space<vmem>>)
      tpu.yield
    }) : () -> ()
    "tpu.region"() ({
      %run_scoped3A = tpu.sem_alloc : memref<!tpu.dma_semaphore, #tpu.memory_space<semaphore_mem>>
      %dma_start3A = arith.constant 0 : i32
      %dma_start3A_18 = arith.constant 0 : i32
      %dma_start3A_19 = tpu.memref_slice %arg5[%add3A, %dma_start3A, %dma_start3A_18] : memref<32x79x128xi32, #tpu.memory_space<hbm>> -> memref<1x79x128xi32, #tpu.memory_space<hbm>>
      %dma_start3A_20 = tpu.memref_squeeze %dma_start3A_19 : memref<1x79x128xi32, #tpu.memory_space<hbm>> -> memref<79x128xi32, #tpu.memory_space<hbm>>
      %dma_start3A_21 = arith.constant 0 : i32
      %dma_start3A_22 = arith.constant 0 : i32
      %dma_start3A_23 = tpu.memref_slice %arg5[%add3A, %dma_start3A_21, %dma_start3A_22] : memref<32x79x128xi32, #tpu.memory_space<hbm>> -> memref<1x79x128xi32, #tpu.memory_space<hbm>>
      %dma_start3A_24 = tpu.memref_squeeze %dma_start3A_23 : memref<1x79x128xi32, #tpu.memory_space<hbm>> -> memref<79x128xi32, #tpu.memory_space<hbm>>
      tpu.enqueue_dma source(%dma_start3A_24 : memref<79x128xi32, #tpu.memory_space<hbm>>) target(%arg8 : memref<79x128xi32, #tpu.memory_space<vmem>>) target_semaphore(%run_scoped3A : memref<!tpu.dma_semaphore, #tpu.memory_space<semaphore_mem>>)
      %dma_wait3A = arith.constant 0 : i32
      %dma_wait3A_25 = arith.constant 0 : i32
      %dma_wait3A_26 = tpu.memref_slice %arg5[%add3A, %dma_wait3A, %dma_wait3A_25] : memref<32x79x128xi32, #tpu.memory_space<hbm>> -> memref<1x79x128xi32, #tpu.memory_space<hbm>>
      %dma_wait3A_27 = tpu.memref_squeeze %dma_wait3A_26 : memref<1x79x128xi32, #tpu.memory_space<hbm>> -> memref<79x128xi32, #tpu.memory_space<hbm>>
      %dma_wait3A_28 = arith.constant 0 : i32
      %dma_wait3A_29 = arith.constant 0 : i32
      %dma_wait3A_30 = tpu.memref_slice %arg5[%add3A, %dma_wait3A_28, %dma_wait3A_29] : memref<32x79x128xi32, #tpu.memory_space<hbm>> -> memref<1x79x128xi32, #tpu.memory_space<hbm>>
      %dma_wait3A_31 = tpu.memref_squeeze %dma_wait3A_30 : memref<1x79x128xi32, #tpu.memory_space<hbm>> -> memref<79x128xi32, #tpu.memory_space<hbm>>
      tpu.wait_dma2 semaphore(%run_scoped3A : memref<!tpu.dma_semaphore, #tpu.memory_space<semaphore_mem>>) src(%dma_wait3A_31 : memref<79x128xi32, #tpu.memory_space<hbm>>) dst(%arg8 : memref<79x128xi32, #tpu.memory_space<vmem>>)
      tpu.yield
    }) : () -> ()
    %barrier3A = arith.constant 0 : index
    tpu.barrier barrier_id(%barrier3A)
    %scan3A = arith.constant 0 : i32
    %scan3A_3 = arith.constant 79 : i32
    %scan3A_4 = arith.addi %scan3A, %scan3A_3 : i32
    %scan3A_5 = arith.constant 1 : i32
    scf.for %scan3A_18 = %scan3A to %scan3A_4 step %scan3A_5  : i32 {
      %mul3A_19 = arith.constant 1 : i32
      %mul3A_20 = arith.muli %scan3A_18, %mul3A_19 : i32
      %add3A_21 = arith.constant 0 : i32
      %add3A_22 = arith.addi %add3A_21, %mul3A_20 : i32
      %dma_start3A = arith.constant 0 : i32
      %dma_start3A_23 = tpu.memref_slice %arg7[%add3A_22, %dma_start3A] : memref<79x128xi32, #tpu.memory_space<vmem>> -> memref<1x128xi32, #tpu.memory_space<vmem>>
      %dma_start3A_24 = tpu.memref_squeeze %dma_start3A_23 : memref<1x128xi32, #tpu.memory_space<vmem>> -> memref<128xi32, #tpu.memory_space<vmem>>
      %dma_start3A_25 = arith.constant 0 : i32
      %dma_start3A_26 = arith.constant 0 : i32
      %dma_start3A_27 = tpu.memref_slice %arg2[%dma_start3A_25, %dma_start3A_26] : memref<10000x128xf32, #tpu.memory_space<hbm>> -> memref<10000x128xf32, #tpu.memory_space<hbm>>
      tpu.enqueue_indirect_dma source(%dma_start3A_27 : memref<10000x128xf32, #tpu.memory_space<hbm>>) target(%arg9 : memref<128x128xf32, #tpu.memory_space<vmem>>) offsets(%dma_start3A_24 : memref<128xi32, #tpu.memory_space<vmem>>) semaphore(%arg11 : memref<!tpu.dma_semaphore, #tpu.memory_space<semaphore_mem>>)
      %dma_wait3A = arith.constant 0 : i32
      %dma_wait3A_28 = tpu.memref_slice %arg7[%add3A_22, %dma_wait3A] : memref<79x128xi32, #tpu.memory_space<vmem>> -> memref<1x128xi32, #tpu.memory_space<vmem>>
      %dma_wait3A_29 = tpu.memref_squeeze %dma_wait3A_28 : memref<1x128xi32, #tpu.memory_space<vmem>> -> memref<128xi32, #tpu.memory_space<vmem>>
      %dma_wait3A_30 = arith.constant 0 : i32
      %dma_wait3A_31 = arith.constant 0 : i32
      %dma_wait3A_32 = tpu.memref_slice %arg2[%dma_wait3A_30, %dma_wait3A_31] : memref<10000x128xf32, #tpu.memory_space<hbm>> -> memref<10000x128xf32, #tpu.memory_space<hbm>>
      tpu.wait_indirect_dma semaphore(%arg11 : memref<!tpu.dma_semaphore, #tpu.memory_space<semaphore_mem>>) src(%dma_wait3A_32 : memref<10000x128xf32, #tpu.memory_space<hbm>>) dst(%arg9 : memref<128x128xf32, #tpu.memory_space<vmem>>)
      "tpu.region"() ({
        %run_scoped3A = tpu.sem_alloc : memref<!tpu.dma_semaphore, #tpu.memory_space<semaphore_mem>>
        %dma_start3A_33 = arith.constant 0 : i32
        %dma_start3A_34 = tpu.memref_slice %arg8[%add3A_22, %dma_start3A_33] : memref<79x128xi32, #tpu.memory_space<vmem>> -> memref<1x128xi32, #tpu.memory_space<vmem>>
        %dma_start3A_35 = tpu.memref_squeeze %dma_start3A_34 : memref<1x128xi32, #tpu.memory_space<vmem>> -> memref<128xi32, #tpu.memory_space<vmem>>
        %dma_start3A_36 = arith.constant 0 : i32
        %dma_start3A_37 = arith.constant 0 : i32
        %dma_start3A_38 = tpu.memref_slice %arg10[%dma_start3A_36, %dma_start3A_37] : memref<10240x128xf32, #tpu.memory_space<vmem_shared>> -> memref<10240x128xf32, #tpu.memory_space<vmem_shared>>
        tpu.enqueue_indirect_dma source(%arg9 : memref<128x128xf32, #tpu.memory_space<vmem>>) target(%dma_start3A_38 : memref<10240x128xf32, #tpu.memory_space<vmem_shared>>) offsets(%dma_start3A_35 : memref<128xi32, #tpu.memory_space<vmem>>) semaphore(%run_scoped3A : memref<!tpu.dma_semaphore, #tpu.memory_space<semaphore_mem>>) {add = true}
        %dma_wait3A_39 = arith.constant 0 : i32
        %dma_wait3A_40 = tpu.memref_slice %arg8[%add3A_22, %dma_wait3A_39] : memref<79x128xi32, #tpu.memory_space<vmem>> -> memref<1x128xi32, #tpu.memory_space<vmem>>
        %dma_wait3A_41 = tpu.memref_squeeze %dma_wait3A_40 : memref<1x128xi32, #tpu.memory_space<vmem>> -> memref<128xi32, #tpu.memory_space<vmem>>
        %dma_wait3A_42 = arith.constant 0 : i32
        %dma_wait3A_43 = arith.constant 0 : i32
        %dma_wait3A_44 = tpu.memref_slice %arg10[%dma_wait3A_42, %dma_wait3A_43] : memref<10240x128xf32, #tpu.memory_space<vmem_shared>> -> memref<10240x128xf32, #tpu.memory_space<vmem_shared>>
        tpu.wait_indirect_dma semaphore(%run_scoped3A : memref<!tpu.dma_semaphore, #tpu.memory_space<semaphore_mem>>) src(%arg9 : memref<128x128xf32, #tpu.memory_space<vmem>>) dst(%dma_wait3A_44 : memref<10240x128xf32, #tpu.memory_space<vmem_shared>>)
        tpu.yield
      }) : () -> ()
    }
    %scan3A_6 = arith.constant 79 : i32
    %barrier3A_7 = arith.constant 0 : index
    tpu.barrier barrier_id(%barrier3A_7)
    %add3A_8 = arith.constant 0 : i32
    %add3A_9 = arith.addi %mul3A_2, %add3A_8 : i32
    "tpu.region"() ({
      %run_scoped3A = tpu.sem_alloc : memref<!tpu.dma_semaphore, #tpu.memory_space<semaphore_mem>>
      %dma_start3A = arith.constant 0 : i32
      %dma_start3A_18 = tpu.memref_slice %arg10[%add3A_9, %dma_start3A] : memref<10240x128xf32, #tpu.memory_space<vmem_shared>> -> memref<128x128xf32, #tpu.memory_space<vmem_shared>>
      %dma_start3A_19 = arith.constant 0 : i32
      %dma_start3A_20 = tpu.memref_slice %arg10[%add3A_9, %dma_start3A_19] : memref<10240x128xf32, #tpu.memory_space<vmem_shared>> -> memref<128x128xf32, #tpu.memory_space<vmem_shared>>
      tpu.enqueue_dma source(%dma_start3A_20 : memref<128x128xf32, #tpu.memory_space<vmem_shared>>) target(%arg9 : memref<128x128xf32, #tpu.memory_space<vmem>>) target_semaphore(%run_scoped3A : memref<!tpu.dma_semaphore, #tpu.memory_space<semaphore_mem>>)
      %dma_wait3A = arith.constant 0 : i32
      %dma_wait3A_21 = tpu.memref_slice %arg10[%add3A_9, %dma_wait3A] : memref<10240x128xf32, #tpu.memory_space<vmem_shared>> -> memref<128x128xf32, #tpu.memory_space<vmem_shared>>
      %dma_wait3A_22 = arith.constant 0 : i32
      %dma_wait3A_23 = tpu.memref_slice %arg10[%add3A_9, %dma_wait3A_22] : memref<10240x128xf32, #tpu.memory_space<vmem_shared>> -> memref<128x128xf32, #tpu.memory_space<vmem_shared>>
      tpu.wait_dma2 semaphore(%run_scoped3A : memref<!tpu.dma_semaphore, #tpu.memory_space<semaphore_mem>>) src(%dma_wait3A_23 : memref<128x128xf32, #tpu.memory_space<vmem_shared>>) dst(%arg9 : memref<128x128xf32, #tpu.memory_space<vmem>>)
      tpu.yield
    }) : () -> ()
    "tpu.region"() ({
      %run_scoped3A = tpu.sem_alloc : memref<!tpu.dma_semaphore, #tpu.memory_space<semaphore_mem>>
      %dma_start3A = arith.constant 0 : i32
      %dma_start3A_18 = tpu.memref_slice %arg6[%arg0, %add3A_9, %dma_start3A] : memref<2x10240x128xf32, #tpu.memory_space<hbm>> -> memref<1x128x128xf32, #tpu.memory_space<hbm>>
      %dma_start3A_19 = tpu.memref_squeeze %dma_start3A_18 : memref<1x128x128xf32, #tpu.memory_space<hbm>> -> memref<128x128xf32, #tpu.memory_space<hbm>>
      %dma_start3A_20 = arith.constant 0 : i32
      %dma_start3A_21 = tpu.memref_slice %arg6[%arg0, %add3A_9, %dma_start3A_20] : memref<2x10240x128xf32, #tpu.memory_space<hbm>> -> memref<1x128x128xf32, #tpu.memory_space<hbm>>
      %dma_start3A_22 = tpu.memref_squeeze %dma_start3A_21 : memref<1x128x128xf32, #tpu.memory_space<hbm>> -> memref<128x128xf32, #tpu.memory_space<hbm>>
      tpu.enqueue_dma source(%arg9 : memref<128x128xf32, #tpu.memory_space<vmem>>) target(%dma_start3A_22 : memref<128x128xf32, #tpu.memory_space<hbm>>) target_semaphore(%run_scoped3A : memref<!tpu.dma_semaphore, #tpu.memory_space<semaphore_mem>>)
      %dma_wait3A = arith.constant 0 : i32
      %dma_wait3A_23 = tpu.memref_slice %arg6[%arg0, %add3A_9, %dma_wait3A] : memref<2x10240x128xf32, #tpu.memory_space<hbm>> -> memref<1x128x128xf32, #tpu.memory_space<hbm>>
      %dma_wait3A_24 = tpu.memref_squeeze %dma_wait3A_23 : memref<1x128x128xf32, #tpu.memory_space<hbm>> -> memref<128x128xf32, #tpu.memory_space<hbm>>
      %dma_wait3A_25 = arith.constant 0 : i32
      %dma_wait3A_26 = tpu.memref_slice %arg6[%arg0, %add3A_9, %dma_wait3A_25] : memref<2x10240x128xf32, #tpu.memory_space<hbm>> -> memref<1x128x128xf32, #tpu.memory_space<hbm>>
      %dma_wait3A_27 = tpu.memref_squeeze %dma_wait3A_26 : memref<1x128x128xf32, #tpu.memory_space<hbm>> -> memref<128x128xf32, #tpu.memory_space<hbm>>
      tpu.wait_dma2 semaphore(%run_scoped3A : memref<!tpu.dma_semaphore, #tpu.memory_space<semaphore_mem>>) src(%arg9 : memref<128x128xf32, #tpu.memory_space<vmem>>) dst(%dma_wait3A_27 : memref<128x128xf32, #tpu.memory_space<hbm>>)
      tpu.yield
    }) : () -> ()
    %add3A_10 = arith.constant 128 : i32
    %add3A_11 = arith.addi %mul3A_2, %add3A_10 : i32
    "tpu.region"() ({
      %run_scoped3A = tpu.sem_alloc : memref<!tpu.dma_semaphore, #tpu.memory_space<semaphore_mem>>
      %dma_start3A = arith.constant 0 : i32
      %dma_start3A_18 = tpu.memref_slice %arg10[%add3A_11, %dma_start3A] : memref<10240x128xf32, #tpu.memory_space<vmem_shared>> -> memref<128x128xf32, #tpu.memory_space<vmem_shared>>
      %dma_start3A_19 = arith.constant 0 : i32
      %dma_start3A_20 = tpu.memref_slice %arg10[%add3A_11, %dma_start3A_19] : memref<10240x128xf32, #tpu.memory_space<vmem_shared>> -> memref<128x128xf32, #tpu.memory_space<vmem_shared>>
      tpu.enqueue_dma source(%dma_start3A_20 : memref<128x128xf32, #tpu.memory_space<vmem_shared>>) target(%arg9 : memref<128x128xf32, #tpu.memory_space<vmem>>) target_semaphore(%run_scoped3A : memref<!tpu.dma_semaphore, #tpu.memory_space<semaphore_mem>>)
      %dma_wait3A = arith.constant 0 : i32
      %dma_wait3A_21 = tpu.memref_slice %arg10[%add3A_11, %dma_wait3A] : memref<10240x128xf32, #tpu.memory_space<vmem_shared>> -> memref<128x128xf32, #tpu.memory_space<vmem_shared>>
      %dma_wait3A_22 = arith.constant 0 : i32
      %dma_wait3A_23 = tpu.memref_slice %arg10[%add3A_11, %dma_wait3A_22] : memref<10240x128xf32, #tpu.memory_space<vmem_shared>> -> memref<128x128xf32, #tpu.memory_space<vmem_shared>>
      tpu.wait_dma2 semaphore(%run_scoped3A : memref<!tpu.dma_semaphore, #tpu.memory_space<semaphore_mem>>) src(%dma_wait3A_23 : memref<128x128xf32, #tpu.memory_space<vmem_shared>>) dst(%arg9 : memref<128x128xf32, #tpu.memory_space<vmem>>)
      tpu.yield
    }) : () -> ()
    "tpu.region"() ({
      %run_scoped3A = tpu.sem_alloc : memref<!tpu.dma_semaphore, #tpu.memory_space<semaphore_mem>>
      %dma_start3A = arith.constant 0 : i32
      %dma_start3A_18 = tpu.memref_slice %arg6[%arg0, %add3A_11, %dma_start3A] : memref<2x10240x128xf32, #tpu.memory_space<hbm>> -> memref<1x128x128xf32, #tpu.memory_space<hbm>>
      %dma_start3A_19 = tpu.memref_squeeze %dma_start3A_18 : memref<1x128x128xf32, #tpu.memory_space<hbm>> -> memref<128x128xf32, #tpu.memory_space<hbm>>
      %dma_start3A_20 = arith.constant 0 : i32
      %dma_start3A_21 = tpu.memref_slice %arg6[%arg0, %add3A_11, %dma_start3A_20] : memref<2x10240x128xf32, #tpu.memory_space<hbm>> -> memref<1x128x128xf32, #tpu.memory_space<hbm>>
      %dma_start3A_22 = tpu.memref_squeeze %dma_start3A_21 : memref<1x128x128xf32, #tpu.memory_space<hbm>> -> memref<128x128xf32, #tpu.memory_space<hbm>>
      tpu.enqueue_dma source(%arg9 : memref<128x128xf32, #tpu.memory_space<vmem>>) target(%dma_start3A_22 : memref<128x128xf32, #tpu.memory_space<hbm>>) target_semaphore(%run_scoped3A : memref<!tpu.dma_semaphore, #tpu.memory_space<semaphore_mem>>)
      %dma_wait3A = arith.constant 0 : i32
      %dma_wait3A_23 = tpu.memref_slice %arg6[%arg0, %add3A_11, %dma_wait3A] : memref<2x10240x128xf32, #tpu.memory_space<hbm>> -> memref<1x128x128xf32, #tpu.memory_space<hbm>>
      %dma_wait3A_24 = tpu.memref_squeeze %dma_wait3A_23 : memref<1x128x128xf32, #tpu.memory_space<hbm>> -> memref<128x128xf32, #tpu.memory_space<hbm>>
      %dma_wait3A_25 = arith.constant 0 : i32
      %dma_wait3A_26 = tpu.memref_slice %arg6[%arg0, %add3A_11, %dma_wait3A_25] : memref<2x10240x128xf32, #tpu.memory_space<hbm>> -> memref<1x128x128xf32, #tpu.memory_space<hbm>>
      %dma_wait3A_27 = tpu.memref_squeeze %dma_wait3A_26 : memref<1x128x128xf32, #tpu.memory_space<hbm>> -> memref<128x128xf32, #tpu.memory_space<hbm>>
      tpu.wait_dma2 semaphore(%run_scoped3A : memref<!tpu.dma_semaphore, #tpu.memory_space<semaphore_mem>>) src(%arg9 : memref<128x128xf32, #tpu.memory_space<vmem>>) dst(%dma_wait3A_27 : memref<128x128xf32, #tpu.memory_space<hbm>>)
      tpu.yield
    }) : () -> ()
    %add3A_12 = arith.constant 256 : i32
    %add3A_13 = arith.addi %mul3A_2, %add3A_12 : i32
    "tpu.region"() ({
      %run_scoped3A = tpu.sem_alloc : memref<!tpu.dma_semaphore, #tpu.memory_space<semaphore_mem>>
      %dma_start3A = arith.constant 0 : i32
      %dma_start3A_18 = tpu.memref_slice %arg10[%add3A_13, %dma_start3A] : memref<10240x128xf32, #tpu.memory_space<vmem_shared>> -> memref<128x128xf32, #tpu.memory_space<vmem_shared>>
      %dma_start3A_19 = arith.constant 0 : i32
      %dma_start3A_20 = tpu.memref_slice %arg10[%add3A_13, %dma_start3A_19] : memref<10240x128xf32, #tpu.memory_space<vmem_shared>> -> memref<128x128xf32, #tpu.memory_space<vmem_shared>>
      tpu.enqueue_dma source(%dma_start3A_20 : memref<128x128xf32, #tpu.memory_space<vmem_shared>>) target(%arg9 : memref<128x128xf32, #tpu.memory_space<vmem>>) target_semaphore(%run_scoped3A : memref<!tpu.dma_semaphore, #tpu.memory_space<semaphore_mem>>)
      %dma_wait3A = arith.constant 0 : i32
      %dma_wait3A_21 = tpu.memref_slice %arg10[%add3A_13, %dma_wait3A] : memref<10240x128xf32, #tpu.memory_space<vmem_shared>> -> memref<128x128xf32, #tpu.memory_space<vmem_shared>>
      %dma_wait3A_22 = arith.constant 0 : i32
      %dma_wait3A_23 = tpu.memref_slice %arg10[%add3A_13, %dma_wait3A_22] : memref<10240x128xf32, #tpu.memory_space<vmem_shared>> -> memref<128x128xf32, #tpu.memory_space<vmem_shared>>
      tpu.wait_dma2 semaphore(%run_scoped3A : memref<!tpu.dma_semaphore, #tpu.memory_space<semaphore_mem>>) src(%dma_wait3A_23 : memref<128x128xf32, #tpu.memory_space<vmem_shared>>) dst(%arg9 : memref<128x128xf32, #tpu.memory_space<vmem>>)
      tpu.yield
    }) : () -> ()
    "tpu.region"() ({
      %run_scoped3A = tpu.sem_alloc : memref<!tpu.dma_semaphore, #tpu.memory_space<semaphore_mem>>
      %dma_start3A = arith.constant 0 : i32
      %dma_start3A_18 = tpu.memref_slice %arg6[%arg0, %add3A_13, %dma_start3A] : memref<2x10240x128xf32, #tpu.memory_space<hbm>> -> memref<1x128x128xf32, #tpu.memory_space<hbm>>
      %dma_start3A_19 = tpu.memref_squeeze %dma_start3A_18 : memref<1x128x128xf32, #tpu.memory_space<hbm>> -> memref<128x128xf32, #tpu.memory_space<hbm>>
      %dma_start3A_20 = arith.constant 0 : i32
      %dma_start3A_21 = tpu.memref_slice %arg6[%arg0, %add3A_13, %dma_start3A_20] : memref<2x10240x128xf32, #tpu.memory_space<hbm>> -> memref<1x128x128xf32, #tpu.memory_space<hbm>>
      %dma_start3A_22 = tpu.memref_squeeze %dma_start3A_21 : memref<1x128x128xf32, #tpu.memory_space<hbm>> -> memref<128x128xf32, #tpu.memory_space<hbm>>
      tpu.enqueue_dma source(%arg9 : memref<128x128xf32, #tpu.memory_space<vmem>>) target(%dma_start3A_22 : memref<128x128xf32, #tpu.memory_space<hbm>>) target_semaphore(%run_scoped3A : memref<!tpu.dma_semaphore, #tpu.memory_space<semaphore_mem>>)
      %dma_wait3A = arith.constant 0 : i32
      %dma_wait3A_23 = tpu.memref_slice %arg6[%arg0, %add3A_13, %dma_wait3A] : memref<2x10240x128xf32, #tpu.memory_space<hbm>> -> memref<1x128x128xf32, #tpu.memory_space<hbm>>
      %dma_wait3A_24 = tpu.memref_squeeze %dma_wait3A_23 : memref<1x128x128xf32, #tpu.memory_space<hbm>> -> memref<128x128xf32, #tpu.memory_space<hbm>>
      %dma_wait3A_25 = arith.constant 0 : i32
      %dma_wait3A_26 = tpu.memref_slice %arg6[%arg0, %add3A_13, %dma_wait3A_25] : memref<2x10240x128xf32, #tpu.memory_space<hbm>> -> memref<1x128x128xf32, #tpu.memory_space<hbm>>
      %dma_wait3A_27 = tpu.memref_squeeze %dma_wait3A_26 : memref<1x128x128xf32, #tpu.memory_space<hbm>> -> memref<128x128xf32, #tpu.memory_space<hbm>>
      tpu.wait_dma2 semaphore(%run_scoped3A : memref<!tpu.dma_semaphore, #tpu.memory_space<semaphore_mem>>) src(%arg9 : memref<128x128xf32, #tpu.memory_space<vmem>>) dst(%dma_wait3A_27 : memref<128x128xf32, #tpu.memory_space<hbm>>)
      tpu.yield
    }) : () -> ()
    %add3A_14 = arith.constant 384 : i32
    %add3A_15 = arith.addi %mul3A_2, %add3A_14 : i32
    "tpu.region"() ({
      %run_scoped3A = tpu.sem_alloc : memref<!tpu.dma_semaphore, #tpu.memory_space<semaphore_mem>>
      %dma_start3A = arith.constant 0 : i32
      %dma_start3A_18 = tpu.memref_slice %arg10[%add3A_15, %dma_start3A] : memref<10240x128xf32, #tpu.memory_space<vmem_shared>> -> memref<128x128xf32, #tpu.memory_space<vmem_shared>>
      %dma_start3A_19 = arith.constant 0 : i32
      %dma_start3A_20 = tpu.memref_slice %arg10[%add3A_15, %dma_start3A_19] : memref<10240x128xf32, #tpu.memory_space<vmem_shared>> -> memref<128x128xf32, #tpu.memory_space<vmem_shared>>
      tpu.enqueue_dma source(%dma_start3A_20 : memref<128x128xf32, #tpu.memory_space<vmem_shared>>) target(%arg9 : memref<128x128xf32, #tpu.memory_space<vmem>>) target_semaphore(%run_scoped3A : memref<!tpu.dma_semaphore, #tpu.memory_space<semaphore_mem>>)
      %dma_wait3A = arith.constant 0 : i32
      %dma_wait3A_21 = tpu.memref_slice %arg10[%add3A_15, %dma_wait3A] : memref<10240x128xf32, #tpu.memory_space<vmem_shared>> -> memref<128x128xf32, #tpu.memory_space<vmem_shared>>
      %dma_wait3A_22 = arith.constant 0 : i32
      %dma_wait3A_23 = tpu.memref_slice %arg10[%add3A_15, %dma_wait3A_22] : memref<10240x128xf32, #tpu.memory_space<vmem_shared>> -> memref<128x128xf32, #tpu.memory_space<vmem_shared>>
      tpu.wait_dma2 semaphore(%run_scoped3A : memref<!tpu.dma_semaphore, #tpu.memory_space<semaphore_mem>>) src(%dma_wait3A_23 : memref<128x128xf32, #tpu.memory_space<vmem_shared>>) dst(%arg9 : memref<128x128xf32, #tpu.memory_space<vmem>>)
      tpu.yield
    }) : () -> ()
    "tpu.region"() ({
      %run_scoped3A = tpu.sem_alloc : memref<!tpu.dma_semaphore, #tpu.memory_space<semaphore_mem>>
      %dma_start3A = arith.constant 0 : i32
      %dma_start3A_18 = tpu.memref_slice %arg6[%arg0, %add3A_15, %dma_start3A] : memref<2x10240x128xf32, #tpu.memory_space<hbm>> -> memref<1x128x128xf32, #tpu.memory_space<hbm>>
      %dma_start3A_19 = tpu.memref_squeeze %dma_start3A_18 : memref<1x128x128xf32, #tpu.memory_space<hbm>> -> memref<128x128xf32, #tpu.memory_space<hbm>>
      %dma_start3A_20 = arith.constant 0 : i32
      %dma_start3A_21 = tpu.memref_slice %arg6[%arg0, %add3A_15, %dma_start3A_20] : memref<2x10240x128xf32, #tpu.memory_space<hbm>> -> memref<1x128x128xf32, #tpu.memory_space<hbm>>
      %dma_start3A_22 = tpu.memref_squeeze %dma_start3A_21 : memref<1x128x128xf32, #tpu.memory_space<hbm>> -> memref<128x128xf32, #tpu.memory_space<hbm>>
      tpu.enqueue_dma source(%arg9 : memref<128x128xf32, #tpu.memory_space<vmem>>) target(%dma_start3A_22 : memref<128x128xf32, #tpu.memory_space<hbm>>) target_semaphore(%run_scoped3A : memref<!tpu.dma_semaphore, #tpu.memory_space<semaphore_mem>>)
      %dma_wait3A = arith.constant 0 : i32
      %dma_wait3A_23 = tpu.memref_slice %arg6[%arg0, %add3A_15, %dma_wait3A] : memref<2x10240x128xf32, #tpu.memory_space<hbm>> -> memref<1x128x128xf32, #tpu.memory_space<hbm>>
      %dma_wait3A_24 = tpu.memref_squeeze %dma_wait3A_23 : memref<1x128x128xf32, #tpu.memory_space<hbm>> -> memref<128x128xf32, #tpu.memory_space<hbm>>
      %dma_wait3A_25 = arith.constant 0 : i32
      %dma_wait3A_26 = tpu.memref_slice %arg6[%arg0, %add3A_15, %dma_wait3A_25] : memref<2x10240x128xf32, #tpu.memory_space<hbm>> -> memref<1x128x128xf32, #tpu.memory_space<hbm>>
      %dma_wait3A_27 = tpu.memref_squeeze %dma_wait3A_26 : memref<1x128x128xf32, #tpu.memory_space<hbm>> -> memref<128x128xf32, #tpu.memory_space<hbm>>
      tpu.wait_dma2 semaphore(%run_scoped3A : memref<!tpu.dma_semaphore, #tpu.memory_space<semaphore_mem>>) src(%arg9 : memref<128x128xf32, #tpu.memory_space<vmem>>) dst(%dma_wait3A_27 : memref<128x128xf32, #tpu.memory_space<hbm>>)
      tpu.yield
    }) : () -> ()
    %add3A_16 = arith.constant 512 : i32
    %add3A_17 = arith.addi %mul3A_2, %add3A_16 : i32
    "tpu.region"() ({
      %run_scoped3A = tpu.sem_alloc : memref<!tpu.dma_semaphore, #tpu.memory_space<semaphore_mem>>
      %dma_start3A = arith.constant 0 : i32
      %dma_start3A_18 = tpu.memref_slice %arg10[%add3A_17, %dma_start3A] : memref<10240x128xf32, #tpu.memory_space<vmem_shared>> -> memref<128x128xf32, #tpu.memory_space<vmem_shared>>
      %dma_start3A_19 = arith.constant 0 : i32
      %dma_start3A_20 = tpu.memref_slice %arg10[%add3A_17, %dma_start3A_19] : memref<10240x128xf32, #tpu.memory_space<vmem_shared>> -> memref<128x128xf32, #tpu.memory_space<vmem_shared>>
      tpu.enqueue_dma source(%dma_start3A_20 : memref<128x128xf32, #tpu.memory_space<vmem_shared>>) target(%arg9 : memref<128x128xf32, #tpu.memory_space<vmem>>) target_semaphore(%run_scoped3A : memref<!tpu.dma_semaphore, #tpu.memory_space<semaphore_mem>>)
      %dma_wait3A = arith.constant 0 : i32
      %dma_wait3A_21 = tpu.memref_slice %arg10[%add3A_17, %dma_wait3A] : memref<10240x128xf32, #tpu.memory_space<vmem_shared>> -> memref<128x128xf32, #tpu.memory_space<vmem_shared>>
      %dma_wait3A_22 = arith.constant 0 : i32
      %dma_wait3A_23 = tpu.memref_slice %arg10[%add3A_17, %dma_wait3A_22] : memref<10240x128xf32, #tpu.memory_space<vmem_shared>> -> memref<128x128xf32, #tpu.memory_space<vmem_shared>>
      tpu.wait_dma2 semaphore(%run_scoped3A : memref<!tpu.dma_semaphore, #tpu.memory_space<semaphore_mem>>) src(%dma_wait3A_23 : memref<128x128xf32, #tpu.memory_space<vmem_shared>>) dst(%arg9 : memref<128x128xf32, #tpu.memory_space<vmem>>)
      tpu.yield
    }) : () -> ()
    "tpu.region"() ({
      %run_scoped3A = tpu.sem_alloc : memref<!tpu.dma_semaphore, #tpu.memory_space<semaphore_mem>>
      %dma_start3A = arith.constant 0 : i32
      %dma_start3A_18 = tpu.memref_slice %arg6[%arg0, %add3A_17, %dma_start3A] : memref<2x10240x128xf32, #tpu.memory_space<hbm>> -> memref<1x128x128xf32, #tpu.memory_space<hbm>>
      %dma_start3A_19 = tpu.memref_squeeze %dma_start3A_18 : memref<1x128x128xf32, #tpu.memory_space<hbm>> -> memref<128x128xf32, #tpu.memory_space<hbm>>
      %dma_start3A_20 = arith.constant 0 : i32
      %dma_start3A_21 = tpu.memref_slice %arg6[%arg0, %add3A_17, %dma_start3A_20] : memref<2x10240x128xf32, #tpu.memory_space<hbm>> -> memref<1x128x128xf32, #tpu.memory_space<hbm>>
      %dma_start3A_22 = tpu.memref_squeeze %dma_start3A_21 : memref<1x128x128xf32, #tpu.memory_space<hbm>> -> memref<128x128xf32, #tpu.memory_space<hbm>>
      tpu.enqueue_dma source(%arg9 : memref<128x128xf32, #tpu.memory_space<vmem>>) target(%dma_start3A_22 : memref<128x128xf32, #tpu.memory_space<hbm>>) target_semaphore(%run_scoped3A : memref<!tpu.dma_semaphore, #tpu.memory_space<semaphore_mem>>)
      %dma_wait3A = arith.constant 0 : i32
      %dma_wait3A_23 = tpu.memref_slice %arg6[%arg0, %add3A_17, %dma_wait3A] : memref<2x10240x128xf32, #tpu.memory_space<hbm>> -> memref<1x128x128xf32, #tpu.memory_space<hbm>>
      %dma_wait3A_24 = tpu.memref_squeeze %dma_wait3A_23 : memref<1x128x128xf32, #tpu.memory_space<hbm>> -> memref<128x128xf32, #tpu.memory_space<hbm>>
      %dma_wait3A_25 = arith.constant 0 : i32
      %dma_wait3A_26 = tpu.memref_slice %arg6[%arg0, %add3A_17, %dma_wait3A_25] : memref<2x10240x128xf32, #tpu.memory_space<hbm>> -> memref<1x128x128xf32, #tpu.memory_space<hbm>>
      %dma_wait3A_27 = tpu.memref_squeeze %dma_wait3A_26 : memref<1x128x128xf32, #tpu.memory_space<hbm>> -> memref<128x128xf32, #tpu.memory_space<hbm>>
      tpu.wait_dma2 semaphore(%run_scoped3A : memref<!tpu.dma_semaphore, #tpu.memory_space<semaphore_mem>>) src(%arg9 : memref<128x128xf32, #tpu.memory_space<vmem>>) dst(%dma_wait3A_27 : memref<128x128xf32, #tpu.memory_space<hbm>>)
      tpu.yield
    }) : () -> ()
    return
  }
}

#map = affine_map<(d0, d1) -> (0, 0)>
#map1 = affine_map<(d0, d1) -> (0, 0, 0)>
module attributes {stable_mosaic.version = 14 : i64} {
  func.func @_sc_scatter_body(%arg0: i32, %arg1: i32, %arg2: memref<10000x128xf32, #tpu.memory_space<hbm>>, %arg3: memref<10240x128xf32, #tpu.memory_space<hbm>>, %arg4: memref<32x79x128xi32, #tpu.memory_space<hbm>>, %arg5: memref<32x79x128xi32, #tpu.memory_space<hbm>>, %arg6: memref<2x10240x128xf32, #tpu.memory_space<hbm>>, %arg7: memref<79x128xi32, #tpu.memory_space<vmem>>, %arg8: memref<79x128xi32, #tpu.memory_space<vmem>>, %arg9: memref<128x128xf32, #tpu.memory_space<vmem>>, %arg10: memref<10240x128xf32, #tpu.memory_space<vmem_shared>>, %arg11: memref<!tpu.dma_semaphore, #tpu.memory_space<semaphore_mem>>) attributes {dimension_semantics = [#tpu.dimension_semantics<core_parallel>, #tpu.dimension_semantics<subcore_parallel>], iteration_bounds = array<i64: 2, 16>, scalar_prefetch = 0 : i64, scratch_operands = 5 : i64, tpu.core_type = #tpu.core_type<sc_vector_subcore>, window_params = [{transform_indices = #map}, {transform_indices = #map}, {transform_indices = #map1}, {transform_indices = #map1}, {transform_indices = #map1}]} {
    %mul3A = arith.constant 16 : i32
    %mul3A_0 = arith.muli %arg0, %mul3A : i32
    %add3A = arith.addi %mul3A_0, %arg1 : i32
    %mul3A_1 = arith.constant 640 : i32
    %mul3A_2 = arith.muli %arg1, %mul3A_1 : i32
    "tpu.region"() ({
      %run_scoped3A = tpu.sem_alloc : memref<!tpu.dma_semaphore, #tpu.memory_space<semaphore_mem>>
      %dma_start3A = arith.constant 0 : i32
      %dma_start3A_18 = tpu.memref_slice %arg10[%mul3A_2, %dma_start3A] : memref<10240x128xf32, #tpu.memory_space<vmem_shared>> -> memref<640x128xf32, #tpu.memory_space<vmem_shared>>
      %dma_start3A_19 = arith.constant 0 : i32
      %dma_start3A_20 = tpu.memref_slice %arg3[%mul3A_2, %dma_start3A_19] : memref<10240x128xf32, #tpu.memory_space<hbm>> -> memref<640x128xf32, #tpu.memory_space<hbm>>
      tpu.enqueue_dma source(%dma_start3A_20 : memref<640x128xf32, #tpu.memory_space<hbm>>) target(%dma_start3A_18 : memref<640x128xf32, #tpu.memory_space<vmem_shared>>) target_semaphore(%run_scoped3A : memref<!tpu.dma_semaphore, #tpu.memory_space<semaphore_mem>>)
      %dma_wait3A = arith.constant 0 : i32
      %dma_wait3A_21 = tpu.memref_slice %arg10[%mul3A_2, %dma_wait3A] : memref<10240x128xf32, #tpu.memory_space<vmem_shared>> -> memref<640x128xf32, #tpu.memory_space<vmem_shared>>
      %dma_wait3A_22 = arith.constant 0 : i32
      %dma_wait3A_23 = tpu.memref_slice %arg3[%mul3A_2, %dma_wait3A_22] : memref<10240x128xf32, #tpu.memory_space<hbm>> -> memref<640x128xf32, #tpu.memory_space<hbm>>
      tpu.wait_dma2 semaphore(%run_scoped3A : memref<!tpu.dma_semaphore, #tpu.memory_space<semaphore_mem>>) src(%dma_wait3A_23 : memref<640x128xf32, #tpu.memory_space<hbm>>) dst(%dma_wait3A_21 : memref<640x128xf32, #tpu.memory_space<vmem_shared>>)
      tpu.yield
    }) : () -> ()
    "tpu.region"() ({
      %run_scoped3A = tpu.sem_alloc : memref<!tpu.dma_semaphore, #tpu.memory_space<semaphore_mem>>
      %dma_start3A = arith.constant 0 : i32
      %dma_start3A_18 = arith.constant 0 : i32
      %dma_start3A_19 = tpu.memref_slice %arg4[%add3A, %dma_start3A, %dma_start3A_18] : memref<32x79x128xi32, #tpu.memory_space<hbm>> -> memref<1x79x128xi32, #tpu.memory_space<hbm>>
      %dma_start3A_20 = tpu.memref_squeeze %dma_start3A_19 : memref<1x79x128xi32, #tpu.memory_space<hbm>> -> memref<79x128xi32, #tpu.memory_space<hbm>>
      %dma_start3A_21 = arith.constant 0 : i32
      %dma_start3A_22 = arith.constant 0 : i32
      %dma_start3A_23 = tpu.memref_slice %arg4[%add3A, %dma_start3A_21, %dma_start3A_22] : memref<32x79x128xi32, #tpu.memory_space<hbm>> -> memref<1x79x128xi32, #tpu.memory_space<hbm>>
      %dma_start3A_24 = tpu.memref_squeeze %dma_start3A_23 : memref<1x79x128xi32, #tpu.memory_space<hbm>> -> memref<79x128xi32, #tpu.memory_space<hbm>>
      tpu.enqueue_dma source(%dma_start3A_24 : memref<79x128xi32, #tpu.memory_space<hbm>>) target(%arg7 : memref<79x128xi32, #tpu.memory_space<vmem>>) target_semaphore(%run_scoped3A : memref<!tpu.dma_semaphore, #tpu.memory_space<semaphore_mem>>)
      %dma_wait3A = arith.constant 0 : i32
      %dma_wait3A_25 = arith.constant 0 : i32
      %dma_wait3A_26 = tpu.memref_slice %arg4[%add3A, %dma_wait3A, %dma_wait3A_25] : memref<32x79x128xi32, #tpu.memory_space<hbm>> -> memref<1x79x128xi32, #tpu.memory_space<hbm>>
      %dma_wait3A_27 = tpu.memref_squeeze %dma_wait3A_26 : memref<1x79x128xi32, #tpu.memory_space<hbm>> -> memref<79x128xi32, #tpu.memory_space<hbm>>
      %dma_wait3A_28 = arith.constant 0 : i32
      %dma_wait3A_29 = arith.constant 0 : i32
      %dma_wait3A_30 = tpu.memref_slice %arg4[%add3A, %dma_wait3A_28, %dma_wait3A_29] : memref<32x79x128xi32, #tpu.memory_space<hbm>> -> memref<1x79x128xi32, #tpu.memory_space<hbm>>
      %dma_wait3A_31 = tpu.memref_squeeze %dma_wait3A_30 : memref<1x79x128xi32, #tpu.memory_space<hbm>> -> memref<79x128xi32, #tpu.memory_space<hbm>>
      tpu.wait_dma2 semaphore(%run_scoped3A : memref<!tpu.dma_semaphore, #tpu.memory_space<semaphore_mem>>) src(%dma_wait3A_31 : memref<79x128xi32, #tpu.memory_space<hbm>>) dst(%arg7 : memref<79x128xi32, #tpu.memory_space<vmem>>)
      tpu.yield
    }) : () -> ()
    "tpu.region"() ({
      %run_scoped3A = tpu.sem_alloc : memref<!tpu.dma_semaphore, #tpu.memory_space<semaphore_mem>>
      %dma_start3A = arith.constant 0 : i32
      %dma_start3A_18 = arith.constant 0 : i32
      %dma_start3A_19 = tpu.memref_slice %arg5[%add3A, %dma_start3A, %dma_start3A_18] : memref<32x79x128xi32, #tpu.memory_space<hbm>> -> memref<1x79x128xi32, #tpu.memory_space<hbm>>
      %dma_start3A_20 = tpu.memref_squeeze %dma_start3A_19 : memref<1x79x128xi32, #tpu.memory_space<hbm>> -> memref<79x128xi32, #tpu.memory_space<hbm>>
      %dma_start3A_21 = arith.constant 0 : i32
      %dma_start3A_22 = arith.constant 0 : i32
      %dma_start3A_23 = tpu.memref_slice %arg5[%add3A, %dma_start3A_21, %dma_start3A_22] : memref<32x79x128xi32, #tpu.memory_space<hbm>> -> memref<1x79x128xi32, #tpu.memory_space<hbm>>
      %dma_start3A_24 = tpu.memref_squeeze %dma_start3A_23 : memref<1x79x128xi32, #tpu.memory_space<hbm>> -> memref<79x128xi32, #tpu.memory_space<hbm>>
      tpu.enqueue_dma source(%dma_start3A_24 : memref<79x128xi32, #tpu.memory_space<hbm>>) target(%arg8 : memref<79x128xi32, #tpu.memory_space<vmem>>) target_semaphore(%run_scoped3A : memref<!tpu.dma_semaphore, #tpu.memory_space<semaphore_mem>>)
      %dma_wait3A = arith.constant 0 : i32
      %dma_wait3A_25 = arith.constant 0 : i32
      %dma_wait3A_26 = tpu.memref_slice %arg5[%add3A, %dma_wait3A, %dma_wait3A_25] : memref<32x79x128xi32, #tpu.memory_space<hbm>> -> memref<1x79x128xi32, #tpu.memory_space<hbm>>
      %dma_wait3A_27 = tpu.memref_squeeze %dma_wait3A_26 : memref<1x79x128xi32, #tpu.memory_space<hbm>> -> memref<79x128xi32, #tpu.memory_space<hbm>>
      %dma_wait3A_28 = arith.constant 0 : i32
      %dma_wait3A_29 = arith.constant 0 : i32
      %dma_wait3A_30 = tpu.memref_slice %arg5[%add3A, %dma_wait3A_28, %dma_wait3A_29] : memref<32x79x128xi32, #tpu.memory_space<hbm>> -> memref<1x79x128xi32, #tpu.memory_space<hbm>>
      %dma_wait3A_31 = tpu.memref_squeeze %dma_wait3A_30 : memref<1x79x128xi32, #tpu.memory_space<hbm>> -> memref<79x128xi32, #tpu.memory_space<hbm>>
      tpu.wait_dma2 semaphore(%run_scoped3A : memref<!tpu.dma_semaphore, #tpu.memory_space<semaphore_mem>>) src(%dma_wait3A_31 : memref<79x128xi32, #tpu.memory_space<hbm>>) dst(%arg8 : memref<79x128xi32, #tpu.memory_space<vmem>>)
      tpu.yield
    }) : () -> ()
    %barrier3A = arith.constant 0 : index
    tpu.barrier barrier_id(%barrier3A)
    %scan3A = arith.constant 0 : i32
    %scan3A_3 = arith.constant 79 : i32
    %scan3A_4 = arith.addi %scan3A, %scan3A_3 : i32
    %scan3A_5 = arith.constant 1 : i32
    scf.for %scan3A_18 = %scan3A to %scan3A_4 step %scan3A_5  : i32 {
      %mul3A_19 = arith.constant 1 : i32
      %mul3A_20 = arith.muli %scan3A_18, %mul3A_19 : i32
      %add3A_21 = arith.constant 0 : i32
      %add3A_22 = arith.addi %add3A_21, %mul3A_20 : i32
      %dma_start3A = arith.constant 0 : i32
      %dma_start3A_23 = tpu.memref_slice %arg7[%add3A_22, %dma_start3A] : memref<79x128xi32, #tpu.memory_space<vmem>> -> memref<1x128xi32, #tpu.memory_space<vmem>>
      %dma_start3A_24 = tpu.memref_squeeze %dma_start3A_23 : memref<1x128xi32, #tpu.memory_space<vmem>> -> memref<128xi32, #tpu.memory_space<vmem>>
      %dma_start3A_25 = arith.constant 0 : i32
      %dma_start3A_26 = arith.constant 0 : i32
      %dma_start3A_27 = tpu.memref_slice %arg2[%dma_start3A_25, %dma_start3A_26] : memref<10000x128xf32, #tpu.memory_space<hbm>> -> memref<10000x128xf32, #tpu.memory_space<hbm>>
      tpu.enqueue_indirect_dma source(%dma_start3A_27 : memref<10000x128xf32, #tpu.memory_space<hbm>>) target(%arg9 : memref<128x128xf32, #tpu.memory_space<vmem>>) offsets(%dma_start3A_24 : memref<128xi32, #tpu.memory_space<vmem>>) semaphore(%arg11 : memref<!tpu.dma_semaphore, #tpu.memory_space<semaphore_mem>>)
      %dma_wait3A = arith.constant 0 : i32
      %dma_wait3A_28 = tpu.memref_slice %arg7[%add3A_22, %dma_wait3A] : memref<79x128xi32, #tpu.memory_space<vmem>> -> memref<1x128xi32, #tpu.memory_space<vmem>>
      %dma_wait3A_29 = tpu.memref_squeeze %dma_wait3A_28 : memref<1x128xi32, #tpu.memory_space<vmem>> -> memref<128xi32, #tpu.memory_space<vmem>>
      %dma_wait3A_30 = arith.constant 0 : i32
      %dma_wait3A_31 = arith.constant 0 : i32
      %dma_wait3A_32 = tpu.memref_slice %arg2[%dma_wait3A_30, %dma_wait3A_31] : memref<10000x128xf32, #tpu.memory_space<hbm>> -> memref<10000x128xf32, #tpu.memory_space<hbm>>
      tpu.wait_indirect_dma semaphore(%arg11 : memref<!tpu.dma_semaphore, #tpu.memory_space<semaphore_mem>>) src(%dma_wait3A_32 : memref<10000x128xf32, #tpu.memory_space<hbm>>) dst(%arg9 : memref<128x128xf32, #tpu.memory_space<vmem>>)
      "tpu.region"() ({
        %run_scoped3A = tpu.sem_alloc : memref<!tpu.dma_semaphore, #tpu.memory_space<semaphore_mem>>
        %dma_start3A_33 = arith.constant 0 : i32
        %dma_start3A_34 = tpu.memref_slice %arg8[%add3A_22, %dma_start3A_33] : memref<79x128xi32, #tpu.memory_space<vmem>> -> memref<1x128xi32, #tpu.memory_space<vmem>>
        %dma_start3A_35 = tpu.memref_squeeze %dma_start3A_34 : memref<1x128xi32, #tpu.memory_space<vmem>> -> memref<128xi32, #tpu.memory_space<vmem>>
        %dma_start3A_36 = arith.constant 0 : i32
        %dma_start3A_37 = arith.constant 0 : i32
        %dma_start3A_38 = tpu.memref_slice %arg10[%dma_start3A_36, %dma_start3A_37] : memref<10240x128xf32, #tpu.memory_space<vmem_shared>> -> memref<10240x128xf32, #tpu.memory_space<vmem_shared>>
        tpu.enqueue_indirect_dma source(%arg9 : memref<128x128xf32, #tpu.memory_space<vmem>>) target(%dma_start3A_38 : memref<10240x128xf32, #tpu.memory_space<vmem_shared>>) offsets(%dma_start3A_35 : memref<128xi32, #tpu.memory_space<vmem>>) semaphore(%run_scoped3A : memref<!tpu.dma_semaphore, #tpu.memory_space<semaphore_mem>>) {add = true}
        %dma_wait3A_39 = arith.constant 0 : i32
        %dma_wait3A_40 = tpu.memref_slice %arg8[%add3A_22, %dma_wait3A_39] : memref<79x128xi32, #tpu.memory_space<vmem>> -> memref<1x128xi32, #tpu.memory_space<vmem>>
        %dma_wait3A_41 = tpu.memref_squeeze %dma_wait3A_40 : memref<1x128xi32, #tpu.memory_space<vmem>> -> memref<128xi32, #tpu.memory_space<vmem>>
        %dma_wait3A_42 = arith.constant 0 : i32
        %dma_wait3A_43 = arith.constant 0 : i32
        %dma_wait3A_44 = tpu.memref_slice %arg10[%dma_wait3A_42, %dma_wait3A_43] : memref<10240x128xf32, #tpu.memory_space<vmem_shared>> -> memref<10240x128xf32, #tpu.memory_space<vmem_shared>>
        tpu.wait_indirect_dma semaphore(%run_scoped3A : memref<!tpu.dma_semaphore, #tpu.memory_space<semaphore_mem>>) src(%arg9 : memref<128x128xf32, #tpu.memory_space<vmem>>) dst(%dma_wait3A_44 : memref<10240x128xf32, #tpu.memory_space<vmem_shared>>)
        tpu.yield
      }) : () -> ()
    }
    %scan3A_6 = arith.constant 79 : i32
    %barrier3A_7 = arith.constant 0 : index
    tpu.barrier barrier_id(%barrier3A_7)
    %add3A_8 = arith.constant 0 : i32
    %add3A_9 = arith.addi %mul3A_2, %add3A_8 : i32
    "tpu.region"() ({
      %run_scoped3A = tpu.sem_alloc : memref<!tpu.dma_semaphore, #tpu.memory_space<semaphore_mem>>
      %dma_start3A = arith.constant 0 : i32
      %dma_start3A_18 = tpu.memref_slice %arg10[%add3A_9, %dma_start3A] : memref<10240x128xf32, #tpu.memory_space<vmem_shared>> -> memref<128x128xf32, #tpu.memory_space<vmem_shared>>
      %dma_start3A_19 = arith.constant 0 : i32
      %dma_start3A_20 = tpu.memref_slice %arg10[%add3A_9, %dma_start3A_19] : memref<10240x128xf32, #tpu.memory_space<vmem_shared>> -> memref<128x128xf32, #tpu.memory_space<vmem_shared>>
      tpu.enqueue_dma source(%dma_start3A_20 : memref<128x128xf32, #tpu.memory_space<vmem_shared>>) target(%arg9 : memref<128x128xf32, #tpu.memory_space<vmem>>) target_semaphore(%run_scoped3A : memref<!tpu.dma_semaphore, #tpu.memory_space<semaphore_mem>>)
      %dma_wait3A = arith.constant 0 : i32
      %dma_wait3A_21 = tpu.memref_slice %arg10[%add3A_9, %dma_wait3A] : memref<10240x128xf32, #tpu.memory_space<vmem_shared>> -> memref<128x128xf32, #tpu.memory_space<vmem_shared>>
      %dma_wait3A_22 = arith.constant 0 : i32
      %dma_wait3A_23 = tpu.memref_slice %arg10[%add3A_9, %dma_wait3A_22] : memref<10240x128xf32, #tpu.memory_space<vmem_shared>> -> memref<128x128xf32, #tpu.memory_space<vmem_shared>>
      tpu.wait_dma2 semaphore(%run_scoped3A : memref<!tpu.dma_semaphore, #tpu.memory_space<semaphore_mem>>) src(%dma_wait3A_23 : memref<128x128xf32, #tpu.memory_space<vmem_shared>>) dst(%arg9 : memref<128x128xf32, #tpu.memory_space<vmem>>)
      tpu.yield
    }) : () -> ()
    "tpu.region"() ({
      %run_scoped3A = tpu.sem_alloc : memref<!tpu.dma_semaphore, #tpu.memory_space<semaphore_mem>>
      %dma_start3A = arith.constant 0 : i32
      %dma_start3A_18 = tpu.memref_slice %arg6[%arg0, %add3A_9, %dma_start3A] : memref<2x10240x128xf32, #tpu.memory_space<hbm>> -> memref<1x128x128xf32, #tpu.memory_space<hbm>>
      %dma_start3A_19 = tpu.memref_squeeze %dma_start3A_18 : memref<1x128x128xf32, #tpu.memory_space<hbm>> -> memref<128x128xf32, #tpu.memory_space<hbm>>
      %dma_start3A_20 = arith.constant 0 : i32
      %dma_start3A_21 = tpu.memref_slice %arg6[%arg0, %add3A_9, %dma_start3A_20] : memref<2x10240x128xf32, #tpu.memory_space<hbm>> -> memref<1x128x128xf32, #tpu.memory_space<hbm>>
      %dma_start3A_22 = tpu.memref_squeeze %dma_start3A_21 : memref<1x128x128xf32, #tpu.memory_space<hbm>> -> memref<128x128xf32, #tpu.memory_space<hbm>>
      tpu.enqueue_dma source(%arg9 : memref<128x128xf32, #tpu.memory_space<vmem>>) target(%dma_start3A_22 : memref<128x128xf32, #tpu.memory_space<hbm>>) target_semaphore(%run_scoped3A : memref<!tpu.dma_semaphore, #tpu.memory_space<semaphore_mem>>)
      %dma_wait3A = arith.constant 0 : i32
      %dma_wait3A_23 = tpu.memref_slice %arg6[%arg0, %add3A_9, %dma_wait3A] : memref<2x10240x128xf32, #tpu.memory_space<hbm>> -> memref<1x128x128xf32, #tpu.memory_space<hbm>>
      %dma_wait3A_24 = tpu.memref_squeeze %dma_wait3A_23 : memref<1x128x128xf32, #tpu.memory_space<hbm>> -> memref<128x128xf32, #tpu.memory_space<hbm>>
      %dma_wait3A_25 = arith.constant 0 : i32
      %dma_wait3A_26 = tpu.memref_slice %arg6[%arg0, %add3A_9, %dma_wait3A_25] : memref<2x10240x128xf32, #tpu.memory_space<hbm>> -> memref<1x128x128xf32, #tpu.memory_space<hbm>>
      %dma_wait3A_27 = tpu.memref_squeeze %dma_wait3A_26 : memref<1x128x128xf32, #tpu.memory_space<hbm>> -> memref<128x128xf32, #tpu.memory_space<hbm>>
      tpu.wait_dma2 semaphore(%run_scoped3A : memref<!tpu.dma_semaphore, #tpu.memory_space<semaphore_mem>>) src(%arg9 : memref<128x128xf32, #tpu.memory_space<vmem>>) dst(%dma_wait3A_27 : memref<128x128xf32, #tpu.memory_space<hbm>>)
      tpu.yield
    }) : () -> ()
    %add3A_10 = arith.constant 128 : i32
    %add3A_11 = arith.addi %mul3A_2, %add3A_10 : i32
    "tpu.region"() ({
      %run_scoped3A = tpu.sem_alloc : memref<!tpu.dma_semaphore, #tpu.memory_space<semaphore_mem>>
      %dma_start3A = arith.constant 0 : i32
      %dma_start3A_18 = tpu.memref_slice %arg10[%add3A_11, %dma_start3A] : memref<10240x128xf32, #tpu.memory_space<vmem_shared>> -> memref<128x128xf32, #tpu.memory_space<vmem_shared>>
      %dma_start3A_19 = arith.constant 0 : i32
      %dma_start3A_20 = tpu.memref_slice %arg10[%add3A_11, %dma_start3A_19] : memref<10240x128xf32, #tpu.memory_space<vmem_shared>> -> memref<128x128xf32, #tpu.memory_space<vmem_shared>>
      tpu.enqueue_dma source(%dma_start3A_20 : memref<128x128xf32, #tpu.memory_space<vmem_shared>>) target(%arg9 : memref<128x128xf32, #tpu.memory_space<vmem>>) target_semaphore(%run_scoped3A : memref<!tpu.dma_semaphore, #tpu.memory_space<semaphore_mem>>)
      %dma_wait3A = arith.constant 0 : i32
      %dma_wait3A_21 = tpu.memref_slice %arg10[%add3A_11, %dma_wait3A] : memref<10240x128xf32, #tpu.memory_space<vmem_shared>> -> memref<128x128xf32, #tpu.memory_space<vmem_shared>>
      %dma_wait3A_22 = arith.constant 0 : i32
      %dma_wait3A_23 = tpu.memref_slice %arg10[%add3A_11, %dma_wait3A_22] : memref<10240x128xf32, #tpu.memory_space<vmem_shared>> -> memref<128x128xf32, #tpu.memory_space<vmem_shared>>
      tpu.wait_dma2 semaphore(%run_scoped3A : memref<!tpu.dma_semaphore, #tpu.memory_space<semaphore_mem>>) src(%dma_wait3A_23 : memref<128x128xf32, #tpu.memory_space<vmem_shared>>) dst(%arg9 : memref<128x128xf32, #tpu.memory_space<vmem>>)
      tpu.yield
    }) : () -> ()
    "tpu.region"() ({
      %run_scoped3A = tpu.sem_alloc : memref<!tpu.dma_semaphore, #tpu.memory_space<semaphore_mem>>
      %dma_start3A = arith.constant 0 : i32
      %dma_start3A_18 = tpu.memref_slice %arg6[%arg0, %add3A_11, %dma_start3A] : memref<2x10240x128xf32, #tpu.memory_space<hbm>> -> memref<1x128x128xf32, #tpu.memory_space<hbm>>
      %dma_start3A_19 = tpu.memref_squeeze %dma_start3A_18 : memref<1x128x128xf32, #tpu.memory_space<hbm>> -> memref<128x128xf32, #tpu.memory_space<hbm>>
      %dma_start3A_20 = arith.constant 0 : i32
      %dma_start3A_21 = tpu.memref_slice %arg6[%arg0, %add3A_11, %dma_start3A_20] : memref<2x10240x128xf32, #tpu.memory_space<hbm>> -> memref<1x128x128xf32, #tpu.memory_space<hbm>>
      %dma_start3A_22 = tpu.memref_squeeze %dma_start3A_21 : memref<1x128x128xf32, #tpu.memory_space<hbm>> -> memref<128x128xf32, #tpu.memory_space<hbm>>
      tpu.enqueue_dma source(%arg9 : memref<128x128xf32, #tpu.memory_space<vmem>>) target(%dma_start3A_22 : memref<128x128xf32, #tpu.memory_space<hbm>>) target_semaphore(%run_scoped3A : memref<!tpu.dma_semaphore, #tpu.memory_space<semaphore_mem>>)
      %dma_wait3A = arith.constant 0 : i32
      %dma_wait3A_23 = tpu.memref_slice %arg6[%arg0, %add3A_11, %dma_wait3A] : memref<2x10240x128xf32, #tpu.memory_space<hbm>> -> memref<1x128x128xf32, #tpu.memory_space<hbm>>
      %dma_wait3A_24 = tpu.memref_squeeze %dma_wait3A_23 : memref<1x128x128xf32, #tpu.memory_space<hbm>> -> memref<128x128xf32, #tpu.memory_space<hbm>>
      %dma_wait3A_25 = arith.constant 0 : i32
      %dma_wait3A_26 = tpu.memref_slice %arg6[%arg0, %add3A_11, %dma_wait3A_25] : memref<2x10240x128xf32, #tpu.memory_space<hbm>> -> memref<1x128x128xf32, #tpu.memory_space<hbm>>
      %dma_wait3A_27 = tpu.memref_squeeze %dma_wait3A_26 : memref<1x128x128xf32, #tpu.memory_space<hbm>> -> memref<128x128xf32, #tpu.memory_space<hbm>>
      tpu.wait_dma2 semaphore(%run_scoped3A : memref<!tpu.dma_semaphore, #tpu.memory_space<semaphore_mem>>) src(%arg9 : memref<128x128xf32, #tpu.memory_space<vmem>>) dst(%dma_wait3A_27 : memref<128x128xf32, #tpu.memory_space<hbm>>)
      tpu.yield
    }) : () -> ()
    %add3A_12 = arith.constant 256 : i32
    %add3A_13 = arith.addi %mul3A_2, %add3A_12 : i32
    "tpu.region"() ({
      %run_scoped3A = tpu.sem_alloc : memref<!tpu.dma_semaphore, #tpu.memory_space<semaphore_mem>>
      %dma_start3A = arith.constant 0 : i32
      %dma_start3A_18 = tpu.memref_slice %arg10[%add3A_13, %dma_start3A] : memref<10240x128xf32, #tpu.memory_space<vmem_shared>> -> memref<128x128xf32, #tpu.memory_space<vmem_shared>>
      %dma_start3A_19 = arith.constant 0 : i32
      %dma_start3A_20 = tpu.memref_slice %arg10[%add3A_13, %dma_start3A_19] : memref<10240x128xf32, #tpu.memory_space<vmem_shared>> -> memref<128x128xf32, #tpu.memory_space<vmem_shared>>
      tpu.enqueue_dma source(%dma_start3A_20 : memref<128x128xf32, #tpu.memory_space<vmem_shared>>) target(%arg9 : memref<128x128xf32, #tpu.memory_space<vmem>>) target_semaphore(%run_scoped3A : memref<!tpu.dma_semaphore, #tpu.memory_space<semaphore_mem>>)
      %dma_wait3A = arith.constant 0 : i32
      %dma_wait3A_21 = tpu.memref_slice %arg10[%add3A_13, %dma_wait3A] : memref<10240x128xf32, #tpu.memory_space<vmem_shared>> -> memref<128x128xf32, #tpu.memory_space<vmem_shared>>
      %dma_wait3A_22 = arith.constant 0 : i32
      %dma_wait3A_23 = tpu.memref_slice %arg10[%add3A_13, %dma_wait3A_22] : memref<10240x128xf32, #tpu.memory_space<vmem_shared>> -> memref<128x128xf32, #tpu.memory_space<vmem_shared>>
      tpu.wait_dma2 semaphore(%run_scoped3A : memref<!tpu.dma_semaphore, #tpu.memory_space<semaphore_mem>>) src(%dma_wait3A_23 : memref<128x128xf32, #tpu.memory_space<vmem_shared>>) dst(%arg9 : memref<128x128xf32, #tpu.memory_space<vmem>>)
      tpu.yield
    }) : () -> ()
    "tpu.region"() ({
      %run_scoped3A = tpu.sem_alloc : memref<!tpu.dma_semaphore, #tpu.memory_space<semaphore_mem>>
      %dma_start3A = arith.constant 0 : i32
      %dma_start3A_18 = tpu.memref_slice %arg6[%arg0, %add3A_13, %dma_start3A] : memref<2x10240x128xf32, #tpu.memory_space<hbm>> -> memref<1x128x128xf32, #tpu.memory_space<hbm>>
      %dma_start3A_19 = tpu.memref_squeeze %dma_start3A_18 : memref<1x128x128xf32, #tpu.memory_space<hbm>> -> memref<128x128xf32, #tpu.memory_space<hbm>>
      %dma_start3A_20 = arith.constant 0 : i32
      %dma_start3A_21 = tpu.memref_slice %arg6[%arg0, %add3A_13, %dma_start3A_20] : memref<2x10240x128xf32, #tpu.memory_space<hbm>> -> memref<1x128x128xf32, #tpu.memory_space<hbm>>
      %dma_start3A_22 = tpu.memref_squeeze %dma_start3A_21 : memref<1x128x128xf32, #tpu.memory_space<hbm>> -> memref<128x128xf32, #tpu.memory_space<hbm>>
      tpu.enqueue_dma source(%arg9 : memref<128x128xf32, #tpu.memory_space<vmem>>) target(%dma_start3A_22 : memref<128x128xf32, #tpu.memory_space<hbm>>) target_semaphore(%run_scoped3A : memref<!tpu.dma_semaphore, #tpu.memory_space<semaphore_mem>>)
      %dma_wait3A = arith.constant 0 : i32
      %dma_wait3A_23 = tpu.memref_slice %arg6[%arg0, %add3A_13, %dma_wait3A] : memref<2x10240x128xf32, #tpu.memory_space<hbm>> -> memref<1x128x128xf32, #tpu.memory_space<hbm>>
      %dma_wait3A_24 = tpu.memref_squeeze %dma_wait3A_23 : memref<1x128x128xf32, #tpu.memory_space<hbm>> -> memref<128x128xf32, #tpu.memory_space<hbm>>
      %dma_wait3A_25 = arith.constant 0 : i32
      %dma_wait3A_26 = tpu.memref_slice %arg6[%arg0, %add3A_13, %dma_wait3A_25] : memref<2x10240x128xf32, #tpu.memory_space<hbm>> -> memref<1x128x128xf32, #tpu.memory_space<hbm>>
      %dma_wait3A_27 = tpu.memref_squeeze %dma_wait3A_26 : memref<1x128x128xf32, #tpu.memory_space<hbm>> -> memref<128x128xf32, #tpu.memory_space<hbm>>
      tpu.wait_dma2 semaphore(%run_scoped3A : memref<!tpu.dma_semaphore, #tpu.memory_space<semaphore_mem>>) src(%arg9 : memref<128x128xf32, #tpu.memory_space<vmem>>) dst(%dma_wait3A_27 : memref<128x128xf32, #tpu.memory_space<hbm>>)
      tpu.yield
    }) : () -> ()
    %add3A_14 = arith.constant 384 : i32
    %add3A_15 = arith.addi %mul3A_2, %add3A_14 : i32
    "tpu.region"() ({
      %run_scoped3A = tpu.sem_alloc : memref<!tpu.dma_semaphore, #tpu.memory_space<semaphore_mem>>
      %dma_start3A = arith.constant 0 : i32
      %dma_start3A_18 = tpu.memref_slice %arg10[%add3A_15, %dma_start3A] : memref<10240x128xf32, #tpu.memory_space<vmem_shared>> -> memref<128x128xf32, #tpu.memory_space<vmem_shared>>
      %dma_start3A_19 = arith.constant 0 : i32
      %dma_start3A_20 = tpu.memref_slice %arg10[%add3A_15, %dma_start3A_19] : memref<10240x128xf32, #tpu.memory_space<vmem_shared>> -> memref<128x128xf32, #tpu.memory_space<vmem_shared>>
      tpu.enqueue_dma source(%dma_start3A_20 : memref<128x128xf32, #tpu.memory_space<vmem_shared>>) target(%arg9 : memref<128x128xf32, #tpu.memory_space<vmem>>) target_semaphore(%run_scoped3A : memref<!tpu.dma_semaphore, #tpu.memory_space<semaphore_mem>>)
      %dma_wait3A = arith.constant 0 : i32
      %dma_wait3A_21 = tpu.memref_slice %arg10[%add3A_15, %dma_wait3A] : memref<10240x128xf32, #tpu.memory_space<vmem_shared>> -> memref<128x128xf32, #tpu.memory_space<vmem_shared>>
      %dma_wait3A_22 = arith.constant 0 : i32
      %dma_wait3A_23 = tpu.memref_slice %arg10[%add3A_15, %dma_wait3A_22] : memref<10240x128xf32, #tpu.memory_space<vmem_shared>> -> memref<128x128xf32, #tpu.memory_space<vmem_shared>>
      tpu.wait_dma2 semaphore(%run_scoped3A : memref<!tpu.dma_semaphore, #tpu.memory_space<semaphore_mem>>) src(%dma_wait3A_23 : memref<128x128xf32, #tpu.memory_space<vmem_shared>>) dst(%arg9 : memref<128x128xf32, #tpu.memory_space<vmem>>)
      tpu.yield
    }) : () -> ()
    "tpu.region"() ({
      %run_scoped3A = tpu.sem_alloc : memref<!tpu.dma_semaphore, #tpu.memory_space<semaphore_mem>>
      %dma_start3A = arith.constant 0 : i32
      %dma_start3A_18 = tpu.memref_slice %arg6[%arg0, %add3A_15, %dma_start3A] : memref<2x10240x128xf32, #tpu.memory_space<hbm>> -> memref<1x128x128xf32, #tpu.memory_space<hbm>>
      %dma_start3A_19 = tpu.memref_squeeze %dma_start3A_18 : memref<1x128x128xf32, #tpu.memory_space<hbm>> -> memref<128x128xf32, #tpu.memory_space<hbm>>
      %dma_start3A_20 = arith.constant 0 : i32
      %dma_start3A_21 = tpu.memref_slice %arg6[%arg0, %add3A_15, %dma_start3A_20] : memref<2x10240x128xf32, #tpu.memory_space<hbm>> -> memref<1x128x128xf32, #tpu.memory_space<hbm>>
      %dma_start3A_22 = tpu.memref_squeeze %dma_start3A_21 : memref<1x128x128xf32, #tpu.memory_space<hbm>> -> memref<128x128xf32, #tpu.memory_space<hbm>>
      tpu.enqueue_dma source(%arg9 : memref<128x128xf32, #tpu.memory_space<vmem>>) target(%dma_start3A_22 : memref<128x128xf32, #tpu.memory_space<hbm>>) target_semaphore(%run_scoped3A : memref<!tpu.dma_semaphore, #tpu.memory_space<semaphore_mem>>)
      %dma_wait3A = arith.constant 0 : i32
      %dma_wait3A_23 = tpu.memref_slice %arg6[%arg0, %add3A_15, %dma_wait3A] : memref<2x10240x128xf32, #tpu.memory_space<hbm>> -> memref<1x128x128xf32, #tpu.memory_space<hbm>>
      %dma_wait3A_24 = tpu.memref_squeeze %dma_wait3A_23 : memref<1x128x128xf32, #tpu.memory_space<hbm>> -> memref<128x128xf32, #tpu.memory_space<hbm>>
      %dma_wait3A_25 = arith.constant 0 : i32
      %dma_wait3A_26 = tpu.memref_slice %arg6[%arg0, %add3A_15, %dma_wait3A_25] : memref<2x10240x128xf32, #tpu.memory_space<hbm>> -> memref<1x128x128xf32, #tpu.memory_space<hbm>>
      %dma_wait3A_27 = tpu.memref_squeeze %dma_wait3A_26 : memref<1x128x128xf32, #tpu.memory_space<hbm>> -> memref<128x128xf32, #tpu.memory_space<hbm>>
      tpu.wait_dma2 semaphore(%run_scoped3A : memref<!tpu.dma_semaphore, #tpu.memory_space<semaphore_mem>>) src(%arg9 : memref<128x128xf32, #tpu.memory_space<vmem>>) dst(%dma_wait3A_27 : memref<128x128xf32, #tpu.memory_space<hbm>>)
      tpu.yield
    }) : () -> ()
    %add3A_16 = arith.constant 512 : i32
    %add3A_17 = arith.addi %mul3A_2, %add3A_16 : i32
    "tpu.region"() ({
      %run_scoped3A = tpu.sem_alloc : memref<!tpu.dma_semaphore, #tpu.memory_space<semaphore_mem>>
      %dma_start3A = arith.constant 0 : i32
      %dma_start3A_18 = tpu.memref_slice %arg10[%add3A_17, %dma_start3A] : memref<10240x128xf32, #tpu.memory_space<vmem_shared>> -> memref<128x128xf32, #tpu.memory_space<vmem_shared>>
      %dma_start3A_19 = arith.constant 0 : i32
      %dma_start3A_20 = tpu.memref_slice %arg10[%add3A_17, %dma_start3A_19] : memref<10240x128xf32, #tpu.memory_space<vmem_shared>> -> memref<128x128xf32, #tpu.memory_space<vmem_shared>>
      tpu.enqueue_dma source(%dma_start3A_20 : memref<128x128xf32, #tpu.memory_space<vmem_shared>>) target(%arg9 : memref<128x128xf32, #tpu.memory_space<vmem>>) target_semaphore(%run_scoped3A : memref<!tpu.dma_semaphore, #tpu.memory_space<semaphore_mem>>)
      %dma_wait3A = arith.constant 0 : i32
      %dma_wait3A_21 = tpu.memref_slice %arg10[%add3A_17, %dma_wait3A] : memref<10240x128xf32, #tpu.memory_space<vmem_shared>> -> memref<128x128xf32, #tpu.memory_space<vmem_shared>>
      %dma_wait3A_22 = arith.constant 0 : i32
      %dma_wait3A_23 = tpu.memref_slice %arg10[%add3A_17, %dma_wait3A_22] : memref<10240x128xf32, #tpu.memory_space<vmem_shared>> -> memref<128x128xf32, #tpu.memory_space<vmem_shared>>
      tpu.wait_dma2 semaphore(%run_scoped3A : memref<!tpu.dma_semaphore, #tpu.memory_space<semaphore_mem>>) src(%dma_wait3A_23 : memref<128x128xf32, #tpu.memory_space<vmem_shared>>) dst(%arg9 : memref<128x128xf32, #tpu.memory_space<vmem>>)
      tpu.yield
    }) : () -> ()
    "tpu.region"() ({
      %run_scoped3A = tpu.sem_alloc : memref<!tpu.dma_semaphore, #tpu.memory_space<semaphore_mem>>
      %dma_start3A = arith.constant 0 : i32
      %dma_start3A_18 = tpu.memref_slice %arg6[%arg0, %add3A_17, %dma_start3A] : memref<2x10240x128xf32, #tpu.memory_space<hbm>> -> memref<1x128x128xf32, #tpu.memory_space<hbm>>
      %dma_start3A_19 = tpu.memref_squeeze %dma_start3A_18 : memref<1x128x128xf32, #tpu.memory_space<hbm>> -> memref<128x128xf32, #tpu.memory_space<hbm>>
      %dma_start3A_20 = arith.constant 0 : i32
      %dma_start3A_21 = tpu.memref_slice %arg6[%arg0, %add3A_17, %dma_start3A_20] : memref<2x10240x128xf32, #tpu.memory_space<hbm>> -> memref<1x128x128xf32, #tpu.memory_space<hbm>>
      %dma_start3A_22 = tpu.memref_squeeze %dma_start3A_21 : memref<1x128x128xf32, #tpu.memory_space<hbm>> -> memref<128x128xf32, #tpu.memory_space<hbm>>
      tpu.enqueue_dma source(%arg9 : memref<128x128xf32, #tpu.memory_space<vmem>>) target(%dma_start3A_22 : memref<128x128xf32, #tpu.memory_space<hbm>>) target_semaphore(%run_scoped3A : memref<!tpu.dma_semaphore, #tpu.memory_space<semaphore_mem>>)
      %dma_wait3A = arith.constant 0 : i32
      %dma_wait3A_23 = tpu.memref_slice %arg6[%arg0, %add3A_17, %dma_wait3A] : memref<2x10240x128xf32, #tpu.memory_space<hbm>> -> memref<1x128x128xf32, #tpu.memory_space<hbm>>
      %dma_wait3A_24 = tpu.memref_squeeze %dma_wait3A_23 : memref<1x128x128xf32, #tpu.memory_space<hbm>> -> memref<128x128xf32, #tpu.memory_space<hbm>>
      %dma_wait3A_25 = arith.constant 0 : i32
      %dma_wait3A_26 = tpu.memref_slice %arg6[%arg0, %add3A_17, %dma_wait3A_25] : memref<2x10240x128xf32, #tpu.memory_space<hbm>> -> memref<1x128x128xf32, #tpu.memory_space<hbm>>
      %dma_wait3A_27 = tpu.memref_squeeze %dma_wait3A_26 : memref<1x128x128xf32, #tpu.memory_space<hbm>> -> memref<128x128xf32, #tpu.memory_space<hbm>>
      tpu.wait_dma2 semaphore(%run_scoped3A : memref<!tpu.dma_semaphore, #tpu.memory_space<semaphore_mem>>) src(%arg9 : memref<128x128xf32, #tpu.memory_space<vmem>>) dst(%dma_wait3A_27 : memref<128x128xf32, #tpu.memory_space<hbm>>)
      tpu.yield
    }) : () -> ()
    return
  }
}

#map = affine_map<(d0, d1) -> (0, 0)>
#map1 = affine_map<(d0, d1) -> (0, 0, 0)>
module attributes {stable_mosaic.version = 14 : i64} {
  func.func @_sc_scatter_body(%arg0: i32, %arg1: i32, %arg2: memref<10000x128xf32, #tpu.memory_space<hbm>>, %arg3: memref<10240x128xf32, #tpu.memory_space<hbm>>, %arg4: memref<32x79x128xi32, #tpu.memory_space<hbm>>, %arg5: memref<32x79x128xi32, #tpu.memory_space<hbm>>, %arg6: memref<2x10240x128xf32, #tpu.memory_space<hbm>>, %arg7: memref<79x128xi32, #tpu.memory_space<vmem>>, %arg8: memref<79x128xi32, #tpu.memory_space<vmem>>, %arg9: memref<128x128xf32, #tpu.memory_space<vmem>>, %arg10: memref<10240x128xf32, #tpu.memory_space<vmem_shared>>, %arg11: memref<!tpu.dma_semaphore, #tpu.memory_space<semaphore_mem>>) attributes {dimension_semantics = [#tpu.dimension_semantics<core_parallel>, #tpu.dimension_semantics<subcore_parallel>], iteration_bounds = array<i64: 2, 16>, scalar_prefetch = 0 : i64, scratch_operands = 5 : i64, tpu.core_type = #tpu.core_type<sc_vector_subcore>, window_params = [{transform_indices = #map}, {transform_indices = #map}, {transform_indices = #map1}, {transform_indices = #map1}, {transform_indices = #map1}]} {
    %mul3A = arith.constant 16 : i32
    %mul3A_0 = arith.muli %arg0, %mul3A : i32
    %add3A = arith.addi %mul3A_0, %arg1 : i32
    %mul3A_1 = arith.constant 640 : i32
    %mul3A_2 = arith.muli %arg1, %mul3A_1 : i32
    "tpu.region"() ({
      %run_scoped3A = tpu.sem_alloc : memref<!tpu.dma_semaphore, #tpu.memory_space<semaphore_mem>>
      %dma_start3A = arith.constant 0 : i32
      %dma_start3A_18 = tpu.memref_slice %arg10[%mul3A_2, %dma_start3A] : memref<10240x128xf32, #tpu.memory_space<vmem_shared>> -> memref<640x128xf32, #tpu.memory_space<vmem_shared>>
      %dma_start3A_19 = arith.constant 0 : i32
      %dma_start3A_20 = tpu.memref_slice %arg3[%mul3A_2, %dma_start3A_19] : memref<10240x128xf32, #tpu.memory_space<hbm>> -> memref<640x128xf32, #tpu.memory_space<hbm>>
      tpu.enqueue_dma source(%dma_start3A_20 : memref<640x128xf32, #tpu.memory_space<hbm>>) target(%dma_start3A_18 : memref<640x128xf32, #tpu.memory_space<vmem_shared>>) target_semaphore(%run_scoped3A : memref<!tpu.dma_semaphore, #tpu.memory_space<semaphore_mem>>)
      %dma_wait3A = arith.constant 0 : i32
      %dma_wait3A_21 = tpu.memref_slice %arg10[%mul3A_2, %dma_wait3A] : memref<10240x128xf32, #tpu.memory_space<vmem_shared>> -> memref<640x128xf32, #tpu.memory_space<vmem_shared>>
      %dma_wait3A_22 = arith.constant 0 : i32
      %dma_wait3A_23 = tpu.memref_slice %arg3[%mul3A_2, %dma_wait3A_22] : memref<10240x128xf32, #tpu.memory_space<hbm>> -> memref<640x128xf32, #tpu.memory_space<hbm>>
      tpu.wait_dma2 semaphore(%run_scoped3A : memref<!tpu.dma_semaphore, #tpu.memory_space<semaphore_mem>>) src(%dma_wait3A_23 : memref<640x128xf32, #tpu.memory_space<hbm>>) dst(%dma_wait3A_21 : memref<640x128xf32, #tpu.memory_space<vmem_shared>>)
      tpu.yield
    }) : () -> ()
    "tpu.region"() ({
      %run_scoped3A = tpu.sem_alloc : memref<!tpu.dma_semaphore, #tpu.memory_space<semaphore_mem>>
      %dma_start3A = arith.constant 0 : i32
      %dma_start3A_18 = arith.constant 0 : i32
      %dma_start3A_19 = tpu.memref_slice %arg4[%add3A, %dma_start3A, %dma_start3A_18] : memref<32x79x128xi32, #tpu.memory_space<hbm>> -> memref<1x79x128xi32, #tpu.memory_space<hbm>>
      %dma_start3A_20 = tpu.memref_squeeze %dma_start3A_19 : memref<1x79x128xi32, #tpu.memory_space<hbm>> -> memref<79x128xi32, #tpu.memory_space<hbm>>
      %dma_start3A_21 = arith.constant 0 : i32
      %dma_start3A_22 = arith.constant 0 : i32
      %dma_start3A_23 = tpu.memref_slice %arg4[%add3A, %dma_start3A_21, %dma_start3A_22] : memref<32x79x128xi32, #tpu.memory_space<hbm>> -> memref<1x79x128xi32, #tpu.memory_space<hbm>>
      %dma_start3A_24 = tpu.memref_squeeze %dma_start3A_23 : memref<1x79x128xi32, #tpu.memory_space<hbm>> -> memref<79x128xi32, #tpu.memory_space<hbm>>
      tpu.enqueue_dma source(%dma_start3A_24 : memref<79x128xi32, #tpu.memory_space<hbm>>) target(%arg7 : memref<79x128xi32, #tpu.memory_space<vmem>>) target_semaphore(%run_scoped3A : memref<!tpu.dma_semaphore, #tpu.memory_space<semaphore_mem>>)
      %dma_wait3A = arith.constant 0 : i32
      %dma_wait3A_25 = arith.constant 0 : i32
      %dma_wait3A_26 = tpu.memref_slice %arg4[%add3A, %dma_wait3A, %dma_wait3A_25] : memref<32x79x128xi32, #tpu.memory_space<hbm>> -> memref<1x79x128xi32, #tpu.memory_space<hbm>>
      %dma_wait3A_27 = tpu.memref_squeeze %dma_wait3A_26 : memref<1x79x128xi32, #tpu.memory_space<hbm>> -> memref<79x128xi32, #tpu.memory_space<hbm>>
      %dma_wait3A_28 = arith.constant 0 : i32
      %dma_wait3A_29 = arith.constant 0 : i32
      %dma_wait3A_30 = tpu.memref_slice %arg4[%add3A, %dma_wait3A_28, %dma_wait3A_29] : memref<32x79x128xi32, #tpu.memory_space<hbm>> -> memref<1x79x128xi32, #tpu.memory_space<hbm>>
      %dma_wait3A_31 = tpu.memref_squeeze %dma_wait3A_30 : memref<1x79x128xi32, #tpu.memory_space<hbm>> -> memref<79x128xi32, #tpu.memory_space<hbm>>
      tpu.wait_dma2 semaphore(%run_scoped3A : memref<!tpu.dma_semaphore, #tpu.memory_space<semaphore_mem>>) src(%dma_wait3A_31 : memref<79x128xi32, #tpu.memory_space<hbm>>) dst(%arg7 : memref<79x128xi32, #tpu.memory_space<vmem>>)
      tpu.yield
    }) : () -> ()
    "tpu.region"() ({
      %run_scoped3A = tpu.sem_alloc : memref<!tpu.dma_semaphore, #tpu.memory_space<semaphore_mem>>
      %dma_start3A = arith.constant 0 : i32
      %dma_start3A_18 = arith.constant 0 : i32
      %dma_start3A_19 = tpu.memref_slice %arg5[%add3A, %dma_start3A, %dma_start3A_18] : memref<32x79x128xi32, #tpu.memory_space<hbm>> -> memref<1x79x128xi32, #tpu.memory_space<hbm>>
      %dma_start3A_20 = tpu.memref_squeeze %dma_start3A_19 : memref<1x79x128xi32, #tpu.memory_space<hbm>> -> memref<79x128xi32, #tpu.memory_space<hbm>>
      %dma_start3A_21 = arith.constant 0 : i32
      %dma_start3A_22 = arith.constant 0 : i32
      %dma_start3A_23 = tpu.memref_slice %arg5[%add3A, %dma_start3A_21, %dma_start3A_22] : memref<32x79x128xi32, #tpu.memory_space<hbm>> -> memref<1x79x128xi32, #tpu.memory_space<hbm>>
      %dma_start3A_24 = tpu.memref_squeeze %dma_start3A_23 : memref<1x79x128xi32, #tpu.memory_space<hbm>> -> memref<79x128xi32, #tpu.memory_space<hbm>>
      tpu.enqueue_dma source(%dma_start3A_24 : memref<79x128xi32, #tpu.memory_space<hbm>>) target(%arg8 : memref<79x128xi32, #tpu.memory_space<vmem>>) target_semaphore(%run_scoped3A : memref<!tpu.dma_semaphore, #tpu.memory_space<semaphore_mem>>)
      %dma_wait3A = arith.constant 0 : i32
      %dma_wait3A_25 = arith.constant 0 : i32
      %dma_wait3A_26 = tpu.memref_slice %arg5[%add3A, %dma_wait3A, %dma_wait3A_25] : memref<32x79x128xi32, #tpu.memory_space<hbm>> -> memref<1x79x128xi32, #tpu.memory_space<hbm>>
      %dma_wait3A_27 = tpu.memref_squeeze %dma_wait3A_26 : memref<1x79x128xi32, #tpu.memory_space<hbm>> -> memref<79x128xi32, #tpu.memory_space<hbm>>
      %dma_wait3A_28 = arith.constant 0 : i32
      %dma_wait3A_29 = arith.constant 0 : i32
      %dma_wait3A_30 = tpu.memref_slice %arg5[%add3A, %dma_wait3A_28, %dma_wait3A_29] : memref<32x79x128xi32, #tpu.memory_space<hbm>> -> memref<1x79x128xi32, #tpu.memory_space<hbm>>
      %dma_wait3A_31 = tpu.memref_squeeze %dma_wait3A_30 : memref<1x79x128xi32, #tpu.memory_space<hbm>> -> memref<79x128xi32, #tpu.memory_space<hbm>>
      tpu.wait_dma2 semaphore(%run_scoped3A : memref<!tpu.dma_semaphore, #tpu.memory_space<semaphore_mem>>) src(%dma_wait3A_31 : memref<79x128xi32, #tpu.memory_space<hbm>>) dst(%arg8 : memref<79x128xi32, #tpu.memory_space<vmem>>)
      tpu.yield
    }) : () -> ()
    %barrier3A = arith.constant 0 : index
    tpu.barrier barrier_id(%barrier3A)
    %scan3A = arith.constant 0 : i32
    %scan3A_3 = arith.constant 79 : i32
    %scan3A_4 = arith.addi %scan3A, %scan3A_3 : i32
    %scan3A_5 = arith.constant 1 : i32
    scf.for %scan3A_18 = %scan3A to %scan3A_4 step %scan3A_5  : i32 {
      %mul3A_19 = arith.constant 1 : i32
      %mul3A_20 = arith.muli %scan3A_18, %mul3A_19 : i32
      %add3A_21 = arith.constant 0 : i32
      %add3A_22 = arith.addi %add3A_21, %mul3A_20 : i32
      %dma_start3A = arith.constant 0 : i32
      %dma_start3A_23 = tpu.memref_slice %arg7[%add3A_22, %dma_start3A] : memref<79x128xi32, #tpu.memory_space<vmem>> -> memref<1x128xi32, #tpu.memory_space<vmem>>
      %dma_start3A_24 = tpu.memref_squeeze %dma_start3A_23 : memref<1x128xi32, #tpu.memory_space<vmem>> -> memref<128xi32, #tpu.memory_space<vmem>>
      %dma_start3A_25 = arith.constant 0 : i32
      %dma_start3A_26 = arith.constant 0 : i32
      %dma_start3A_27 = tpu.memref_slice %arg2[%dma_start3A_25, %dma_start3A_26] : memref<10000x128xf32, #tpu.memory_space<hbm>> -> memref<10000x128xf32, #tpu.memory_space<hbm>>
      tpu.enqueue_indirect_dma source(%dma_start3A_27 : memref<10000x128xf32, #tpu.memory_space<hbm>>) target(%arg9 : memref<128x128xf32, #tpu.memory_space<vmem>>) offsets(%dma_start3A_24 : memref<128xi32, #tpu.memory_space<vmem>>) semaphore(%arg11 : memref<!tpu.dma_semaphore, #tpu.memory_space<semaphore_mem>>)
      %dma_wait3A = arith.constant 0 : i32
      %dma_wait3A_28 = tpu.memref_slice %arg7[%add3A_22, %dma_wait3A] : memref<79x128xi32, #tpu.memory_space<vmem>> -> memref<1x128xi32, #tpu.memory_space<vmem>>
      %dma_wait3A_29 = tpu.memref_squeeze %dma_wait3A_28 : memref<1x128xi32, #tpu.memory_space<vmem>> -> memref<128xi32, #tpu.memory_space<vmem>>
      %dma_wait3A_30 = arith.constant 0 : i32
      %dma_wait3A_31 = arith.constant 0 : i32
      %dma_wait3A_32 = tpu.memref_slice %arg2[%dma_wait3A_30, %dma_wait3A_31] : memref<10000x128xf32, #tpu.memory_space<hbm>> -> memref<10000x128xf32, #tpu.memory_space<hbm>>
      tpu.wait_indirect_dma semaphore(%arg11 : memref<!tpu.dma_semaphore, #tpu.memory_space<semaphore_mem>>) src(%dma_wait3A_32 : memref<10000x128xf32, #tpu.memory_space<hbm>>) dst(%arg9 : memref<128x128xf32, #tpu.memory_space<vmem>>)
      "tpu.region"() ({
        %run_scoped3A = tpu.sem_alloc : memref<!tpu.dma_semaphore, #tpu.memory_space<semaphore_mem>>
        %dma_start3A_33 = arith.constant 0 : i32
        %dma_start3A_34 = tpu.memref_slice %arg8[%add3A_22, %dma_start3A_33] : memref<79x128xi32, #tpu.memory_space<vmem>> -> memref<1x128xi32, #tpu.memory_space<vmem>>
        %dma_start3A_35 = tpu.memref_squeeze %dma_start3A_34 : memref<1x128xi32, #tpu.memory_space<vmem>> -> memref<128xi32, #tpu.memory_space<vmem>>
        %dma_start3A_36 = arith.constant 0 : i32
        %dma_start3A_37 = arith.constant 0 : i32
        %dma_start3A_38 = tpu.memref_slice %arg10[%dma_start3A_36, %dma_start3A_37] : memref<10240x128xf32, #tpu.memory_space<vmem_shared>> -> memref<10240x128xf32, #tpu.memory_space<vmem_shared>>
        tpu.enqueue_indirect_dma source(%arg9 : memref<128x128xf32, #tpu.memory_space<vmem>>) target(%dma_start3A_38 : memref<10240x128xf32, #tpu.memory_space<vmem_shared>>) offsets(%dma_start3A_35 : memref<128xi32, #tpu.memory_space<vmem>>) semaphore(%run_scoped3A : memref<!tpu.dma_semaphore, #tpu.memory_space<semaphore_mem>>) {add = true}
        %dma_wait3A_39 = arith.constant 0 : i32
        %dma_wait3A_40 = tpu.memref_slice %arg8[%add3A_22, %dma_wait3A_39] : memref<79x128xi32, #tpu.memory_space<vmem>> -> memref<1x128xi32, #tpu.memory_space<vmem>>
        %dma_wait3A_41 = tpu.memref_squeeze %dma_wait3A_40 : memref<1x128xi32, #tpu.memory_space<vmem>> -> memref<128xi32, #tpu.memory_space<vmem>>
        %dma_wait3A_42 = arith.constant 0 : i32
        %dma_wait3A_43 = arith.constant 0 : i32
        %dma_wait3A_44 = tpu.memref_slice %arg10[%dma_wait3A_42, %dma_wait3A_43] : memref<10240x128xf32, #tpu.memory_space<vmem_shared>> -> memref<10240x128xf32, #tpu.memory_space<vmem_shared>>
        tpu.wait_indirect_dma semaphore(%run_scoped3A : memref<!tpu.dma_semaphore, #tpu.memory_space<semaphore_mem>>) src(%arg9 : memref<128x128xf32, #tpu.memory_space<vmem>>) dst(%dma_wait3A_44 : memref<10240x128xf32, #tpu.memory_space<vmem_shared>>)
        tpu.yield
      }) : () -> ()
    }
    %scan3A_6 = arith.constant 79 : i32
    %barrier3A_7 = arith.constant 0 : index
    tpu.barrier barrier_id(%barrier3A_7)
    %add3A_8 = arith.constant 0 : i32
    %add3A_9 = arith.addi %mul3A_2, %add3A_8 : i32
    "tpu.region"() ({
      %run_scoped3A = tpu.sem_alloc : memref<!tpu.dma_semaphore, #tpu.memory_space<semaphore_mem>>
      %dma_start3A = arith.constant 0 : i32
      %dma_start3A_18 = tpu.memref_slice %arg10[%add3A_9, %dma_start3A] : memref<10240x128xf32, #tpu.memory_space<vmem_shared>> -> memref<128x128xf32, #tpu.memory_space<vmem_shared>>
      %dma_start3A_19 = arith.constant 0 : i32
      %dma_start3A_20 = tpu.memref_slice %arg10[%add3A_9, %dma_start3A_19] : memref<10240x128xf32, #tpu.memory_space<vmem_shared>> -> memref<128x128xf32, #tpu.memory_space<vmem_shared>>
      tpu.enqueue_dma source(%dma_start3A_20 : memref<128x128xf32, #tpu.memory_space<vmem_shared>>) target(%arg9 : memref<128x128xf32, #tpu.memory_space<vmem>>) target_semaphore(%run_scoped3A : memref<!tpu.dma_semaphore, #tpu.memory_space<semaphore_mem>>)
      %dma_wait3A = arith.constant 0 : i32
      %dma_wait3A_21 = tpu.memref_slice %arg10[%add3A_9, %dma_wait3A] : memref<10240x128xf32, #tpu.memory_space<vmem_shared>> -> memref<128x128xf32, #tpu.memory_space<vmem_shared>>
      %dma_wait3A_22 = arith.constant 0 : i32
      %dma_wait3A_23 = tpu.memref_slice %arg10[%add3A_9, %dma_wait3A_22] : memref<10240x128xf32, #tpu.memory_space<vmem_shared>> -> memref<128x128xf32, #tpu.memory_space<vmem_shared>>
      tpu.wait_dma2 semaphore(%run_scoped3A : memref<!tpu.dma_semaphore, #tpu.memory_space<semaphore_mem>>) src(%dma_wait3A_23 : memref<128x128xf32, #tpu.memory_space<vmem_shared>>) dst(%arg9 : memref<128x128xf32, #tpu.memory_space<vmem>>)
      tpu.yield
    }) : () -> ()
    "tpu.region"() ({
      %run_scoped3A = tpu.sem_alloc : memref<!tpu.dma_semaphore, #tpu.memory_space<semaphore_mem>>
      %dma_start3A = arith.constant 0 : i32
      %dma_start3A_18 = tpu.memref_slice %arg6[%arg0, %add3A_9, %dma_start3A] : memref<2x10240x128xf32, #tpu.memory_space<hbm>> -> memref<1x128x128xf32, #tpu.memory_space<hbm>>
      %dma_start3A_19 = tpu.memref_squeeze %dma_start3A_18 : memref<1x128x128xf32, #tpu.memory_space<hbm>> -> memref<128x128xf32, #tpu.memory_space<hbm>>
      %dma_start3A_20 = arith.constant 0 : i32
      %dma_start3A_21 = tpu.memref_slice %arg6[%arg0, %add3A_9, %dma_start3A_20] : memref<2x10240x128xf32, #tpu.memory_space<hbm>> -> memref<1x128x128xf32, #tpu.memory_space<hbm>>
      %dma_start3A_22 = tpu.memref_squeeze %dma_start3A_21 : memref<1x128x128xf32, #tpu.memory_space<hbm>> -> memref<128x128xf32, #tpu.memory_space<hbm>>
      tpu.enqueue_dma source(%arg9 : memref<128x128xf32, #tpu.memory_space<vmem>>) target(%dma_start3A_22 : memref<128x128xf32, #tpu.memory_space<hbm>>) target_semaphore(%run_scoped3A : memref<!tpu.dma_semaphore, #tpu.memory_space<semaphore_mem>>)
      %dma_wait3A = arith.constant 0 : i32
      %dma_wait3A_23 = tpu.memref_slice %arg6[%arg0, %add3A_9, %dma_wait3A] : memref<2x10240x128xf32, #tpu.memory_space<hbm>> -> memref<1x128x128xf32, #tpu.memory_space<hbm>>
      %dma_wait3A_24 = tpu.memref_squeeze %dma_wait3A_23 : memref<1x128x128xf32, #tpu.memory_space<hbm>> -> memref<128x128xf32, #tpu.memory_space<hbm>>
      %dma_wait3A_25 = arith.constant 0 : i32
      %dma_wait3A_26 = tpu.memref_slice %arg6[%arg0, %add3A_9, %dma_wait3A_25] : memref<2x10240x128xf32, #tpu.memory_space<hbm>> -> memref<1x128x128xf32, #tpu.memory_space<hbm>>
      %dma_wait3A_27 = tpu.memref_squeeze %dma_wait3A_26 : memref<1x128x128xf32, #tpu.memory_space<hbm>> -> memref<128x128xf32, #tpu.memory_space<hbm>>
      tpu.wait_dma2 semaphore(%run_scoped3A : memref<!tpu.dma_semaphore, #tpu.memory_space<semaphore_mem>>) src(%arg9 : memref<128x128xf32, #tpu.memory_space<vmem>>) dst(%dma_wait3A_27 : memref<128x128xf32, #tpu.memory_space<hbm>>)
      tpu.yield
    }) : () -> ()
    %add3A_10 = arith.constant 128 : i32
    %add3A_11 = arith.addi %mul3A_2, %add3A_10 : i32
    "tpu.region"() ({
      %run_scoped3A = tpu.sem_alloc : memref<!tpu.dma_semaphore, #tpu.memory_space<semaphore_mem>>
      %dma_start3A = arith.constant 0 : i32
      %dma_start3A_18 = tpu.memref_slice %arg10[%add3A_11, %dma_start3A] : memref<10240x128xf32, #tpu.memory_space<vmem_shared>> -> memref<128x128xf32, #tpu.memory_space<vmem_shared>>
      %dma_start3A_19 = arith.constant 0 : i32
      %dma_start3A_20 = tpu.memref_slice %arg10[%add3A_11, %dma_start3A_19] : memref<10240x128xf32, #tpu.memory_space<vmem_shared>> -> memref<128x128xf32, #tpu.memory_space<vmem_shared>>
      tpu.enqueue_dma source(%dma_start3A_20 : memref<128x128xf32, #tpu.memory_space<vmem_shared>>) target(%arg9 : memref<128x128xf32, #tpu.memory_space<vmem>>) target_semaphore(%run_scoped3A : memref<!tpu.dma_semaphore, #tpu.memory_space<semaphore_mem>>)
      %dma_wait3A = arith.constant 0 : i32
      %dma_wait3A_21 = tpu.memref_slice %arg10[%add3A_11, %dma_wait3A] : memref<10240x128xf32, #tpu.memory_space<vmem_shared>> -> memref<128x128xf32, #tpu.memory_space<vmem_shared>>
      %dma_wait3A_22 = arith.constant 0 : i32
      %dma_wait3A_23 = tpu.memref_slice %arg10[%add3A_11, %dma_wait3A_22] : memref<10240x128xf32, #tpu.memory_space<vmem_shared>> -> memref<128x128xf32, #tpu.memory_space<vmem_shared>>
      tpu.wait_dma2 semaphore(%run_scoped3A : memref<!tpu.dma_semaphore, #tpu.memory_space<semaphore_mem>>) src(%dma_wait3A_23 : memref<128x128xf32, #tpu.memory_space<vmem_shared>>) dst(%arg9 : memref<128x128xf32, #tpu.memory_space<vmem>>)
      tpu.yield
    }) : () -> ()
    "tpu.region"() ({
      %run_scoped3A = tpu.sem_alloc : memref<!tpu.dma_semaphore, #tpu.memory_space<semaphore_mem>>
      %dma_start3A = arith.constant 0 : i32
      %dma_start3A_18 = tpu.memref_slice %arg6[%arg0, %add3A_11, %dma_start3A] : memref<2x10240x128xf32, #tpu.memory_space<hbm>> -> memref<1x128x128xf32, #tpu.memory_space<hbm>>
      %dma_start3A_19 = tpu.memref_squeeze %dma_start3A_18 : memref<1x128x128xf32, #tpu.memory_space<hbm>> -> memref<128x128xf32, #tpu.memory_space<hbm>>
      %dma_start3A_20 = arith.constant 0 : i32
      %dma_start3A_21 = tpu.memref_slice %arg6[%arg0, %add3A_11, %dma_start3A_20] : memref<2x10240x128xf32, #tpu.memory_space<hbm>> -> memref<1x128x128xf32, #tpu.memory_space<hbm>>
      %dma_start3A_22 = tpu.memref_squeeze %dma_start3A_21 : memref<1x128x128xf32, #tpu.memory_space<hbm>> -> memref<128x128xf32, #tpu.memory_space<hbm>>
      tpu.enqueue_dma source(%arg9 : memref<128x128xf32, #tpu.memory_space<vmem>>) target(%dma_start3A_22 : memref<128x128xf32, #tpu.memory_space<hbm>>) target_semaphore(%run_scoped3A : memref<!tpu.dma_semaphore, #tpu.memory_space<semaphore_mem>>)
      %dma_wait3A = arith.constant 0 : i32
      %dma_wait3A_23 = tpu.memref_slice %arg6[%arg0, %add3A_11, %dma_wait3A] : memref<2x10240x128xf32, #tpu.memory_space<hbm>> -> memref<1x128x128xf32, #tpu.memory_space<hbm>>
      %dma_wait3A_24 = tpu.memref_squeeze %dma_wait3A_23 : memref<1x128x128xf32, #tpu.memory_space<hbm>> -> memref<128x128xf32, #tpu.memory_space<hbm>>
      %dma_wait3A_25 = arith.constant 0 : i32
      %dma_wait3A_26 = tpu.memref_slice %arg6[%arg0, %add3A_11, %dma_wait3A_25] : memref<2x10240x128xf32, #tpu.memory_space<hbm>> -> memref<1x128x128xf32, #tpu.memory_space<hbm>>
      %dma_wait3A_27 = tpu.memref_squeeze %dma_wait3A_26 : memref<1x128x128xf32, #tpu.memory_space<hbm>> -> memref<128x128xf32, #tpu.memory_space<hbm>>
      tpu.wait_dma2 semaphore(%run_scoped3A : memref<!tpu.dma_semaphore, #tpu.memory_space<semaphore_mem>>) src(%arg9 : memref<128x128xf32, #tpu.memory_space<vmem>>) dst(%dma_wait3A_27 : memref<128x128xf32, #tpu.memory_space<hbm>>)
      tpu.yield
    }) : () -> ()
    %add3A_12 = arith.constant 256 : i32
    %add3A_13 = arith.addi %mul3A_2, %add3A_12 : i32
    "tpu.region"() ({
      %run_scoped3A = tpu.sem_alloc : memref<!tpu.dma_semaphore, #tpu.memory_space<semaphore_mem>>
      %dma_start3A = arith.constant 0 : i32
      %dma_start3A_18 = tpu.memref_slice %arg10[%add3A_13, %dma_start3A] : memref<10240x128xf32, #tpu.memory_space<vmem_shared>> -> memref<128x128xf32, #tpu.memory_space<vmem_shared>>
      %dma_start3A_19 = arith.constant 0 : i32
      %dma_start3A_20 = tpu.memref_slice %arg10[%add3A_13, %dma_start3A_19] : memref<10240x128xf32, #tpu.memory_space<vmem_shared>> -> memref<128x128xf32, #tpu.memory_space<vmem_shared>>
      tpu.enqueue_dma source(%dma_start3A_20 : memref<128x128xf32, #tpu.memory_space<vmem_shared>>) target(%arg9 : memref<128x128xf32, #tpu.memory_space<vmem>>) target_semaphore(%run_scoped3A : memref<!tpu.dma_semaphore, #tpu.memory_space<semaphore_mem>>)
      %dma_wait3A = arith.constant 0 : i32
      %dma_wait3A_21 = tpu.memref_slice %arg10[%add3A_13, %dma_wait3A] : memref<10240x128xf32, #tpu.memory_space<vmem_shared>> -> memref<128x128xf32, #tpu.memory_space<vmem_shared>>
      %dma_wait3A_22 = arith.constant 0 : i32
      %dma_wait3A_23 = tpu.memref_slice %arg10[%add3A_13, %dma_wait3A_22] : memref<10240x128xf32, #tpu.memory_space<vmem_shared>> -> memref<128x128xf32, #tpu.memory_space<vmem_shared>>
      tpu.wait_dma2 semaphore(%run_scoped3A : memref<!tpu.dma_semaphore, #tpu.memory_space<semaphore_mem>>) src(%dma_wait3A_23 : memref<128x128xf32, #tpu.memory_space<vmem_shared>>) dst(%arg9 : memref<128x128xf32, #tpu.memory_space<vmem>>)
      tpu.yield
    }) : () -> ()
    "tpu.region"() ({
      %run_scoped3A = tpu.sem_alloc : memref<!tpu.dma_semaphore, #tpu.memory_space<semaphore_mem>>
      %dma_start3A = arith.constant 0 : i32
      %dma_start3A_18 = tpu.memref_slice %arg6[%arg0, %add3A_13, %dma_start3A] : memref<2x10240x128xf32, #tpu.memory_space<hbm>> -> memref<1x128x128xf32, #tpu.memory_space<hbm>>
      %dma_start3A_19 = tpu.memref_squeeze %dma_start3A_18 : memref<1x128x128xf32, #tpu.memory_space<hbm>> -> memref<128x128xf32, #tpu.memory_space<hbm>>
      %dma_start3A_20 = arith.constant 0 : i32
      %dma_start3A_21 = tpu.memref_slice %arg6[%arg0, %add3A_13, %dma_start3A_20] : memref<2x10240x128xf32, #tpu.memory_space<hbm>> -> memref<1x128x128xf32, #tpu.memory_space<hbm>>
      %dma_start3A_22 = tpu.memref_squeeze %dma_start3A_21 : memref<1x128x128xf32, #tpu.memory_space<hbm>> -> memref<128x128xf32, #tpu.memory_space<hbm>>
      tpu.enqueue_dma source(%arg9 : memref<128x128xf32, #tpu.memory_space<vmem>>) target(%dma_start3A_22 : memref<128x128xf32, #tpu.memory_space<hbm>>) target_semaphore(%run_scoped3A : memref<!tpu.dma_semaphore, #tpu.memory_space<semaphore_mem>>)
      %dma_wait3A = arith.constant 0 : i32
      %dma_wait3A_23 = tpu.memref_slice %arg6[%arg0, %add3A_13, %dma_wait3A] : memref<2x10240x128xf32, #tpu.memory_space<hbm>> -> memref<1x128x128xf32, #tpu.memory_space<hbm>>
      %dma_wait3A_24 = tpu.memref_squeeze %dma_wait3A_23 : memref<1x128x128xf32, #tpu.memory_space<hbm>> -> memref<128x128xf32, #tpu.memory_space<hbm>>
      %dma_wait3A_25 = arith.constant 0 : i32
      %dma_wait3A_26 = tpu.memref_slice %arg6[%arg0, %add3A_13, %dma_wait3A_25] : memref<2x10240x128xf32, #tpu.memory_space<hbm>> -> memref<1x128x128xf32, #tpu.memory_space<hbm>>
      %dma_wait3A_27 = tpu.memref_squeeze %dma_wait3A_26 : memref<1x128x128xf32, #tpu.memory_space<hbm>> -> memref<128x128xf32, #tpu.memory_space<hbm>>
      tpu.wait_dma2 semaphore(%run_scoped3A : memref<!tpu.dma_semaphore, #tpu.memory_space<semaphore_mem>>) src(%arg9 : memref<128x128xf32, #tpu.memory_space<vmem>>) dst(%dma_wait3A_27 : memref<128x128xf32, #tpu.memory_space<hbm>>)
      tpu.yield
    }) : () -> ()
    %add3A_14 = arith.constant 384 : i32
    %add3A_15 = arith.addi %mul3A_2, %add3A_14 : i32
    "tpu.region"() ({
      %run_scoped3A = tpu.sem_alloc : memref<!tpu.dma_semaphore, #tpu.memory_space<semaphore_mem>>
      %dma_start3A = arith.constant 0 : i32
      %dma_start3A_18 = tpu.memref_slice %arg10[%add3A_15, %dma_start3A] : memref<10240x128xf32, #tpu.memory_space<vmem_shared>> -> memref<128x128xf32, #tpu.memory_space<vmem_shared>>
      %dma_start3A_19 = arith.constant 0 : i32
      %dma_start3A_20 = tpu.memref_slice %arg10[%add3A_15, %dma_start3A_19] : memref<10240x128xf32, #tpu.memory_space<vmem_shared>> -> memref<128x128xf32, #tpu.memory_space<vmem_shared>>
      tpu.enqueue_dma source(%dma_start3A_20 : memref<128x128xf32, #tpu.memory_space<vmem_shared>>) target(%arg9 : memref<128x128xf32, #tpu.memory_space<vmem>>) target_semaphore(%run_scoped3A : memref<!tpu.dma_semaphore, #tpu.memory_space<semaphore_mem>>)
      %dma_wait3A = arith.constant 0 : i32
      %dma_wait3A_21 = tpu.memref_slice %arg10[%add3A_15, %dma_wait3A] : memref<10240x128xf32, #tpu.memory_space<vmem_shared>> -> memref<128x128xf32, #tpu.memory_space<vmem_shared>>
      %dma_wait3A_22 = arith.constant 0 : i32
      %dma_wait3A_23 = tpu.memref_slice %arg10[%add3A_15, %dma_wait3A_22] : memref<10240x128xf32, #tpu.memory_space<vmem_shared>> -> memref<128x128xf32, #tpu.memory_space<vmem_shared>>
      tpu.wait_dma2 semaphore(%run_scoped3A : memref<!tpu.dma_semaphore, #tpu.memory_space<semaphore_mem>>) src(%dma_wait3A_23 : memref<128x128xf32, #tpu.memory_space<vmem_shared>>) dst(%arg9 : memref<128x128xf32, #tpu.memory_space<vmem>>)
      tpu.yield
    }) : () -> ()
    "tpu.region"() ({
      %run_scoped3A = tpu.sem_alloc : memref<!tpu.dma_semaphore, #tpu.memory_space<semaphore_mem>>
      %dma_start3A = arith.constant 0 : i32
      %dma_start3A_18 = tpu.memref_slice %arg6[%arg0, %add3A_15, %dma_start3A] : memref<2x10240x128xf32, #tpu.memory_space<hbm>> -> memref<1x128x128xf32, #tpu.memory_space<hbm>>
      %dma_start3A_19 = tpu.memref_squeeze %dma_start3A_18 : memref<1x128x128xf32, #tpu.memory_space<hbm>> -> memref<128x128xf32, #tpu.memory_space<hbm>>
      %dma_start3A_20 = arith.constant 0 : i32
      %dma_start3A_21 = tpu.memref_slice %arg6[%arg0, %add3A_15, %dma_start3A_20] : memref<2x10240x128xf32, #tpu.memory_space<hbm>> -> memref<1x128x128xf32, #tpu.memory_space<hbm>>
      %dma_start3A_22 = tpu.memref_squeeze %dma_start3A_21 : memref<1x128x128xf32, #tpu.memory_space<hbm>> -> memref<128x128xf32, #tpu.memory_space<hbm>>
      tpu.enqueue_dma source(%arg9 : memref<128x128xf32, #tpu.memory_space<vmem>>) target(%dma_start3A_22 : memref<128x128xf32, #tpu.memory_space<hbm>>) target_semaphore(%run_scoped3A : memref<!tpu.dma_semaphore, #tpu.memory_space<semaphore_mem>>)
      %dma_wait3A = arith.constant 0 : i32
      %dma_wait3A_23 = tpu.memref_slice %arg6[%arg0, %add3A_15, %dma_wait3A] : memref<2x10240x128xf32, #tpu.memory_space<hbm>> -> memref<1x128x128xf32, #tpu.memory_space<hbm>>
      %dma_wait3A_24 = tpu.memref_squeeze %dma_wait3A_23 : memref<1x128x128xf32, #tpu.memory_space<hbm>> -> memref<128x128xf32, #tpu.memory_space<hbm>>
      %dma_wait3A_25 = arith.constant 0 : i32
      %dma_wait3A_26 = tpu.memref_slice %arg6[%arg0, %add3A_15, %dma_wait3A_25] : memref<2x10240x128xf32, #tpu.memory_space<hbm>> -> memref<1x128x128xf32, #tpu.memory_space<hbm>>
      %dma_wait3A_27 = tpu.memref_squeeze %dma_wait3A_26 : memref<1x128x128xf32, #tpu.memory_space<hbm>> -> memref<128x128xf32, #tpu.memory_space<hbm>>
      tpu.wait_dma2 semaphore(%run_scoped3A : memref<!tpu.dma_semaphore, #tpu.memory_space<semaphore_mem>>) src(%arg9 : memref<128x128xf32, #tpu.memory_space<vmem>>) dst(%dma_wait3A_27 : memref<128x128xf32, #tpu.memory_space<hbm>>)
      tpu.yield
    }) : () -> ()
    %add3A_16 = arith.constant 512 : i32
    %add3A_17 = arith.addi %mul3A_2, %add3A_16 : i32
    "tpu.region"() ({
      %run_scoped3A = tpu.sem_alloc : memref<!tpu.dma_semaphore, #tpu.memory_space<semaphore_mem>>
      %dma_start3A = arith.constant 0 : i32
      %dma_start3A_18 = tpu.memref_slice %arg10[%add3A_17, %dma_start3A] : memref<10240x128xf32, #tpu.memory_space<vmem_shared>> -> memref<128x128xf32, #tpu.memory_space<vmem_shared>>
      %dma_start3A_19 = arith.constant 0 : i32
      %dma_start3A_20 = tpu.memref_slice %arg10[%add3A_17, %dma_start3A_19] : memref<10240x128xf32, #tpu.memory_space<vmem_shared>> -> memref<128x128xf32, #tpu.memory_space<vmem_shared>>
      tpu.enqueue_dma source(%dma_start3A_20 : memref<128x128xf32, #tpu.memory_space<vmem_shared>>) target(%arg9 : memref<128x128xf32, #tpu.memory_space<vmem>>) target_semaphore(%run_scoped3A : memref<!tpu.dma_semaphore, #tpu.memory_space<semaphore_mem>>)
      %dma_wait3A = arith.constant 0 : i32
      %dma_wait3A_21 = tpu.memref_slice %arg10[%add3A_17, %dma_wait3A] : memref<10240x128xf32, #tpu.memory_space<vmem_shared>> -> memref<128x128xf32, #tpu.memory_space<vmem_shared>>
      %dma_wait3A_22 = arith.constant 0 : i32
      %dma_wait3A_23 = tpu.memref_slice %arg10[%add3A_17, %dma_wait3A_22] : memref<10240x128xf32, #tpu.memory_space<vmem_shared>> -> memref<128x128xf32, #tpu.memory_space<vmem_shared>>
      tpu.wait_dma2 semaphore(%run_scoped3A : memref<!tpu.dma_semaphore, #tpu.memory_space<semaphore_mem>>) src(%dma_wait3A_23 : memref<128x128xf32, #tpu.memory_space<vmem_shared>>) dst(%arg9 : memref<128x128xf32, #tpu.memory_space<vmem>>)
      tpu.yield
    }) : () -> ()
    "tpu.region"() ({
      %run_scoped3A = tpu.sem_alloc : memref<!tpu.dma_semaphore, #tpu.memory_space<semaphore_mem>>
      %dma_start3A = arith.constant 0 : i32
      %dma_start3A_18 = tpu.memref_slice %arg6[%arg0, %add3A_17, %dma_start3A] : memref<2x10240x128xf32, #tpu.memory_space<hbm>> -> memref<1x128x128xf32, #tpu.memory_space<hbm>>
      %dma_start3A_19 = tpu.memref_squeeze %dma_start3A_18 : memref<1x128x128xf32, #tpu.memory_space<hbm>> -> memref<128x128xf32, #tpu.memory_space<hbm>>
      %dma_start3A_20 = arith.constant 0 : i32
      %dma_start3A_21 = tpu.memref_slice %arg6[%arg0, %add3A_17, %dma_start3A_20] : memref<2x10240x128xf32, #tpu.memory_space<hbm>> -> memref<1x128x128xf32, #tpu.memory_space<hbm>>
      %dma_start3A_22 = tpu.memref_squeeze %dma_start3A_21 : memref<1x128x128xf32, #tpu.memory_space<hbm>> -> memref<128x128xf32, #tpu.memory_space<hbm>>
      tpu.enqueue_dma source(%arg9 : memref<128x128xf32, #tpu.memory_space<vmem>>) target(%dma_start3A_22 : memref<128x128xf32, #tpu.memory_space<hbm>>) target_semaphore(%run_scoped3A : memref<!tpu.dma_semaphore, #tpu.memory_space<semaphore_mem>>)
      %dma_wait3A = arith.constant 0 : i32
      %dma_wait3A_23 = tpu.memref_slice %arg6[%arg0, %add3A_17, %dma_wait3A] : memref<2x10240x128xf32, #tpu.memory_space<hbm>> -> memref<1x128x128xf32, #tpu.memory_space<hbm>>
      %dma_wait3A_24 = tpu.memref_squeeze %dma_wait3A_23 : memref<1x128x128xf32, #tpu.memory_space<hbm>> -> memref<128x128xf32, #tpu.memory_space<hbm>>
      %dma_wait3A_25 = arith.constant 0 : i32
      %dma_wait3A_26 = tpu.memref_slice %arg6[%arg0, %add3A_17, %dma_wait3A_25] : memref<2x10240x128xf32, #tpu.memory_space<hbm>> -> memref<1x128x128xf32, #tpu.memory_space<hbm>>
      %dma_wait3A_27 = tpu.memref_squeeze %dma_wait3A_26 : memref<1x128x128xf32, #tpu.memory_space<hbm>> -> memref<128x128xf32, #tpu.memory_space<hbm>>
      tpu.wait_dma2 semaphore(%run_scoped3A : memref<!tpu.dma_semaphore, #tpu.memory_space<semaphore_mem>>) src(%arg9 : memref<128x128xf32, #tpu.memory_space<vmem>>) dst(%dma_wait3A_27 : memref<128x128xf32, #tpu.memory_space<hbm>>)
      tpu.yield
    }) : () -> ()
    return
  }
}

#map = affine_map<(d0, d1) -> (0, 0)>
#map1 = affine_map<(d0, d1) -> (0, 0, 0)>
module attributes {stable_mosaic.version = 14 : i64} {
  func.func @_sc_scatter_body(%arg0: i32, %arg1: i32, %arg2: memref<10000x128xf32, #tpu.memory_space<hbm>>, %arg3: memref<10240x128xf32, #tpu.memory_space<hbm>>, %arg4: memref<32x79x128xi32, #tpu.memory_space<hbm>>, %arg5: memref<32x79x128xi32, #tpu.memory_space<hbm>>, %arg6: memref<2x10240x128xf32, #tpu.memory_space<hbm>>, %arg7: memref<79x128xi32, #tpu.memory_space<vmem>>, %arg8: memref<79x128xi32, #tpu.memory_space<vmem>>, %arg9: memref<128x128xf32, #tpu.memory_space<vmem>>, %arg10: memref<10240x128xf32, #tpu.memory_space<vmem_shared>>, %arg11: memref<!tpu.dma_semaphore, #tpu.memory_space<semaphore_mem>>) attributes {dimension_semantics = [#tpu.dimension_semantics<core_parallel>, #tpu.dimension_semantics<subcore_parallel>], iteration_bounds = array<i64: 2, 16>, scalar_prefetch = 0 : i64, scratch_operands = 5 : i64, tpu.core_type = #tpu.core_type<sc_vector_subcore>, window_params = [{transform_indices = #map}, {transform_indices = #map}, {transform_indices = #map1}, {transform_indices = #map1}, {transform_indices = #map1}]} {
    %mul3A = arith.constant 16 : i32
    %mul3A_0 = arith.muli %arg0, %mul3A : i32
    %add3A = arith.addi %mul3A_0, %arg1 : i32
    %mul3A_1 = arith.constant 640 : i32
    %mul3A_2 = arith.muli %arg1, %mul3A_1 : i32
    "tpu.region"() ({
      %run_scoped3A = tpu.sem_alloc : memref<!tpu.dma_semaphore, #tpu.memory_space<semaphore_mem>>
      %dma_start3A = arith.constant 0 : i32
      %dma_start3A_18 = tpu.memref_slice %arg10[%mul3A_2, %dma_start3A] : memref<10240x128xf32, #tpu.memory_space<vmem_shared>> -> memref<640x128xf32, #tpu.memory_space<vmem_shared>>
      %dma_start3A_19 = arith.constant 0 : i32
      %dma_start3A_20 = tpu.memref_slice %arg3[%mul3A_2, %dma_start3A_19] : memref<10240x128xf32, #tpu.memory_space<hbm>> -> memref<640x128xf32, #tpu.memory_space<hbm>>
      tpu.enqueue_dma source(%dma_start3A_20 : memref<640x128xf32, #tpu.memory_space<hbm>>) target(%dma_start3A_18 : memref<640x128xf32, #tpu.memory_space<vmem_shared>>) target_semaphore(%run_scoped3A : memref<!tpu.dma_semaphore, #tpu.memory_space<semaphore_mem>>)
      %dma_wait3A = arith.constant 0 : i32
      %dma_wait3A_21 = tpu.memref_slice %arg10[%mul3A_2, %dma_wait3A] : memref<10240x128xf32, #tpu.memory_space<vmem_shared>> -> memref<640x128xf32, #tpu.memory_space<vmem_shared>>
      %dma_wait3A_22 = arith.constant 0 : i32
      %dma_wait3A_23 = tpu.memref_slice %arg3[%mul3A_2, %dma_wait3A_22] : memref<10240x128xf32, #tpu.memory_space<hbm>> -> memref<640x128xf32, #tpu.memory_space<hbm>>
      tpu.wait_dma2 semaphore(%run_scoped3A : memref<!tpu.dma_semaphore, #tpu.memory_space<semaphore_mem>>) src(%dma_wait3A_23 : memref<640x128xf32, #tpu.memory_space<hbm>>) dst(%dma_wait3A_21 : memref<640x128xf32, #tpu.memory_space<vmem_shared>>)
      tpu.yield
    }) : () -> ()
    "tpu.region"() ({
      %run_scoped3A = tpu.sem_alloc : memref<!tpu.dma_semaphore, #tpu.memory_space<semaphore_mem>>
      %dma_start3A = arith.constant 0 : i32
      %dma_start3A_18 = arith.constant 0 : i32
      %dma_start3A_19 = tpu.memref_slice %arg4[%add3A, %dma_start3A, %dma_start3A_18] : memref<32x79x128xi32, #tpu.memory_space<hbm>> -> memref<1x79x128xi32, #tpu.memory_space<hbm>>
      %dma_start3A_20 = tpu.memref_squeeze %dma_start3A_19 : memref<1x79x128xi32, #tpu.memory_space<hbm>> -> memref<79x128xi32, #tpu.memory_space<hbm>>
      %dma_start3A_21 = arith.constant 0 : i32
      %dma_start3A_22 = arith.constant 0 : i32
      %dma_start3A_23 = tpu.memref_slice %arg4[%add3A, %dma_start3A_21, %dma_start3A_22] : memref<32x79x128xi32, #tpu.memory_space<hbm>> -> memref<1x79x128xi32, #tpu.memory_space<hbm>>
      %dma_start3A_24 = tpu.memref_squeeze %dma_start3A_23 : memref<1x79x128xi32, #tpu.memory_space<hbm>> -> memref<79x128xi32, #tpu.memory_space<hbm>>
      tpu.enqueue_dma source(%dma_start3A_24 : memref<79x128xi32, #tpu.memory_space<hbm>>) target(%arg7 : memref<79x128xi32, #tpu.memory_space<vmem>>) target_semaphore(%run_scoped3A : memref<!tpu.dma_semaphore, #tpu.memory_space<semaphore_mem>>)
      %dma_wait3A = arith.constant 0 : i32
      %dma_wait3A_25 = arith.constant 0 : i32
      %dma_wait3A_26 = tpu.memref_slice %arg4[%add3A, %dma_wait3A, %dma_wait3A_25] : memref<32x79x128xi32, #tpu.memory_space<hbm>> -> memref<1x79x128xi32, #tpu.memory_space<hbm>>
      %dma_wait3A_27 = tpu.memref_squeeze %dma_wait3A_26 : memref<1x79x128xi32, #tpu.memory_space<hbm>> -> memref<79x128xi32, #tpu.memory_space<hbm>>
      %dma_wait3A_28 = arith.constant 0 : i32
      %dma_wait3A_29 = arith.constant 0 : i32
      %dma_wait3A_30 = tpu.memref_slice %arg4[%add3A, %dma_wait3A_28, %dma_wait3A_29] : memref<32x79x128xi32, #tpu.memory_space<hbm>> -> memref<1x79x128xi32, #tpu.memory_space<hbm>>
      %dma_wait3A_31 = tpu.memref_squeeze %dma_wait3A_30 : memref<1x79x128xi32, #tpu.memory_space<hbm>> -> memref<79x128xi32, #tpu.memory_space<hbm>>
      tpu.wait_dma2 semaphore(%run_scoped3A : memref<!tpu.dma_semaphore, #tpu.memory_space<semaphore_mem>>) src(%dma_wait3A_31 : memref<79x128xi32, #tpu.memory_space<hbm>>) dst(%arg7 : memref<79x128xi32, #tpu.memory_space<vmem>>)
      tpu.yield
    }) : () -> ()
    "tpu.region"() ({
      %run_scoped3A = tpu.sem_alloc : memref<!tpu.dma_semaphore, #tpu.memory_space<semaphore_mem>>
      %dma_start3A = arith.constant 0 : i32
      %dma_start3A_18 = arith.constant 0 : i32
      %dma_start3A_19 = tpu.memref_slice %arg5[%add3A, %dma_start3A, %dma_start3A_18] : memref<32x79x128xi32, #tpu.memory_space<hbm>> -> memref<1x79x128xi32, #tpu.memory_space<hbm>>
      %dma_start3A_20 = tpu.memref_squeeze %dma_start3A_19 : memref<1x79x128xi32, #tpu.memory_space<hbm>> -> memref<79x128xi32, #tpu.memory_space<hbm>>
      %dma_start3A_21 = arith.constant 0 : i32
      %dma_start3A_22 = arith.constant 0 : i32
      %dma_start3A_23 = tpu.memref_slice %arg5[%add3A, %dma_start3A_21, %dma_start3A_22] : memref<32x79x128xi32, #tpu.memory_space<hbm>> -> memref<1x79x128xi32, #tpu.memory_space<hbm>>
      %dma_start3A_24 = tpu.memref_squeeze %dma_start3A_23 : memref<1x79x128xi32, #tpu.memory_space<hbm>> -> memref<79x128xi32, #tpu.memory_space<hbm>>
      tpu.enqueue_dma source(%dma_start3A_24 : memref<79x128xi32, #tpu.memory_space<hbm>>) target(%arg8 : memref<79x128xi32, #tpu.memory_space<vmem>>) target_semaphore(%run_scoped3A : memref<!tpu.dma_semaphore, #tpu.memory_space<semaphore_mem>>)
      %dma_wait3A = arith.constant 0 : i32
      %dma_wait3A_25 = arith.constant 0 : i32
      %dma_wait3A_26 = tpu.memref_slice %arg5[%add3A, %dma_wait3A, %dma_wait3A_25] : memref<32x79x128xi32, #tpu.memory_space<hbm>> -> memref<1x79x128xi32, #tpu.memory_space<hbm>>
      %dma_wait3A_27 = tpu.memref_squeeze %dma_wait3A_26 : memref<1x79x128xi32, #tpu.memory_space<hbm>> -> memref<79x128xi32, #tpu.memory_space<hbm>>
      %dma_wait3A_28 = arith.constant 0 : i32
      %dma_wait3A_29 = arith.constant 0 : i32
      %dma_wait3A_30 = tpu.memref_slice %arg5[%add3A, %dma_wait3A_28, %dma_wait3A_29] : memref<32x79x128xi32, #tpu.memory_space<hbm>> -> memref<1x79x128xi32, #tpu.memory_space<hbm>>
      %dma_wait3A_31 = tpu.memref_squeeze %dma_wait3A_30 : memref<1x79x128xi32, #tpu.memory_space<hbm>> -> memref<79x128xi32, #tpu.memory_space<hbm>>
      tpu.wait_dma2 semaphore(%run_scoped3A : memref<!tpu.dma_semaphore, #tpu.memory_space<semaphore_mem>>) src(%dma_wait3A_31 : memref<79x128xi32, #tpu.memory_space<hbm>>) dst(%arg8 : memref<79x128xi32, #tpu.memory_space<vmem>>)
      tpu.yield
    }) : () -> ()
    %barrier3A = arith.constant 0 : index
    tpu.barrier barrier_id(%barrier3A)
    %scan3A = arith.constant 0 : i32
    %scan3A_3 = arith.constant 79 : i32
    %scan3A_4 = arith.addi %scan3A, %scan3A_3 : i32
    %scan3A_5 = arith.constant 1 : i32
    scf.for %scan3A_18 = %scan3A to %scan3A_4 step %scan3A_5  : i32 {
      %mul3A_19 = arith.constant 1 : i32
      %mul3A_20 = arith.muli %scan3A_18, %mul3A_19 : i32
      %add3A_21 = arith.constant 0 : i32
      %add3A_22 = arith.addi %add3A_21, %mul3A_20 : i32
      %dma_start3A = arith.constant 0 : i32
      %dma_start3A_23 = tpu.memref_slice %arg7[%add3A_22, %dma_start3A] : memref<79x128xi32, #tpu.memory_space<vmem>> -> memref<1x128xi32, #tpu.memory_space<vmem>>
      %dma_start3A_24 = tpu.memref_squeeze %dma_start3A_23 : memref<1x128xi32, #tpu.memory_space<vmem>> -> memref<128xi32, #tpu.memory_space<vmem>>
      %dma_start3A_25 = arith.constant 0 : i32
      %dma_start3A_26 = arith.constant 0 : i32
      %dma_start3A_27 = tpu.memref_slice %arg2[%dma_start3A_25, %dma_start3A_26] : memref<10000x128xf32, #tpu.memory_space<hbm>> -> memref<10000x128xf32, #tpu.memory_space<hbm>>
      tpu.enqueue_indirect_dma source(%dma_start3A_27 : memref<10000x128xf32, #tpu.memory_space<hbm>>) target(%arg9 : memref<128x128xf32, #tpu.memory_space<vmem>>) offsets(%dma_start3A_24 : memref<128xi32, #tpu.memory_space<vmem>>) semaphore(%arg11 : memref<!tpu.dma_semaphore, #tpu.memory_space<semaphore_mem>>)
      %dma_wait3A = arith.constant 0 : i32
      %dma_wait3A_28 = tpu.memref_slice %arg7[%add3A_22, %dma_wait3A] : memref<79x128xi32, #tpu.memory_space<vmem>> -> memref<1x128xi32, #tpu.memory_space<vmem>>
      %dma_wait3A_29 = tpu.memref_squeeze %dma_wait3A_28 : memref<1x128xi32, #tpu.memory_space<vmem>> -> memref<128xi32, #tpu.memory_space<vmem>>
      %dma_wait3A_30 = arith.constant 0 : i32
      %dma_wait3A_31 = arith.constant 0 : i32
      %dma_wait3A_32 = tpu.memref_slice %arg2[%dma_wait3A_30, %dma_wait3A_31] : memref<10000x128xf32, #tpu.memory_space<hbm>> -> memref<10000x128xf32, #tpu.memory_space<hbm>>
      tpu.wait_indirect_dma semaphore(%arg11 : memref<!tpu.dma_semaphore, #tpu.memory_space<semaphore_mem>>) src(%dma_wait3A_32 : memref<10000x128xf32, #tpu.memory_space<hbm>>) dst(%arg9 : memref<128x128xf32, #tpu.memory_space<vmem>>)
      "tpu.region"() ({
        %run_scoped3A = tpu.sem_alloc : memref<!tpu.dma_semaphore, #tpu.memory_space<semaphore_mem>>
        %dma_start3A_33 = arith.constant 0 : i32
        %dma_start3A_34 = tpu.memref_slice %arg8[%add3A_22, %dma_start3A_33] : memref<79x128xi32, #tpu.memory_space<vmem>> -> memref<1x128xi32, #tpu.memory_space<vmem>>
        %dma_start3A_35 = tpu.memref_squeeze %dma_start3A_34 : memref<1x128xi32, #tpu.memory_space<vmem>> -> memref<128xi32, #tpu.memory_space<vmem>>
        %dma_start3A_36 = arith.constant 0 : i32
        %dma_start3A_37 = arith.constant 0 : i32
        %dma_start3A_38 = tpu.memref_slice %arg10[%dma_start3A_36, %dma_start3A_37] : memref<10240x128xf32, #tpu.memory_space<vmem_shared>> -> memref<10240x128xf32, #tpu.memory_space<vmem_shared>>
        tpu.enqueue_indirect_dma source(%arg9 : memref<128x128xf32, #tpu.memory_space<vmem>>) target(%dma_start3A_38 : memref<10240x128xf32, #tpu.memory_space<vmem_shared>>) offsets(%dma_start3A_35 : memref<128xi32, #tpu.memory_space<vmem>>) semaphore(%run_scoped3A : memref<!tpu.dma_semaphore, #tpu.memory_space<semaphore_mem>>) {add = true}
        %dma_wait3A_39 = arith.constant 0 : i32
        %dma_wait3A_40 = tpu.memref_slice %arg8[%add3A_22, %dma_wait3A_39] : memref<79x128xi32, #tpu.memory_space<vmem>> -> memref<1x128xi32, #tpu.memory_space<vmem>>
        %dma_wait3A_41 = tpu.memref_squeeze %dma_wait3A_40 : memref<1x128xi32, #tpu.memory_space<vmem>> -> memref<128xi32, #tpu.memory_space<vmem>>
        %dma_wait3A_42 = arith.constant 0 : i32
        %dma_wait3A_43 = arith.constant 0 : i32
        %dma_wait3A_44 = tpu.memref_slice %arg10[%dma_wait3A_42, %dma_wait3A_43] : memref<10240x128xf32, #tpu.memory_space<vmem_shared>> -> memref<10240x128xf32, #tpu.memory_space<vmem_shared>>
        tpu.wait_indirect_dma semaphore(%run_scoped3A : memref<!tpu.dma_semaphore, #tpu.memory_space<semaphore_mem>>) src(%arg9 : memref<128x128xf32, #tpu.memory_space<vmem>>) dst(%dma_wait3A_44 : memref<10240x128xf32, #tpu.memory_space<vmem_shared>>)
        tpu.yield
      }) : () -> ()
    }
    %scan3A_6 = arith.constant 79 : i32
    %barrier3A_7 = arith.constant 0 : index
    tpu.barrier barrier_id(%barrier3A_7)
    %add3A_8 = arith.constant 0 : i32
    %add3A_9 = arith.addi %mul3A_2, %add3A_8 : i32
    "tpu.region"() ({
      %run_scoped3A = tpu.sem_alloc : memref<!tpu.dma_semaphore, #tpu.memory_space<semaphore_mem>>
      %dma_start3A = arith.constant 0 : i32
      %dma_start3A_18 = tpu.memref_slice %arg10[%add3A_9, %dma_start3A] : memref<10240x128xf32, #tpu.memory_space<vmem_shared>> -> memref<128x128xf32, #tpu.memory_space<vmem_shared>>
      %dma_start3A_19 = arith.constant 0 : i32
      %dma_start3A_20 = tpu.memref_slice %arg10[%add3A_9, %dma_start3A_19] : memref<10240x128xf32, #tpu.memory_space<vmem_shared>> -> memref<128x128xf32, #tpu.memory_space<vmem_shared>>
      tpu.enqueue_dma source(%dma_start3A_20 : memref<128x128xf32, #tpu.memory_space<vmem_shared>>) target(%arg9 : memref<128x128xf32, #tpu.memory_space<vmem>>) target_semaphore(%run_scoped3A : memref<!tpu.dma_semaphore, #tpu.memory_space<semaphore_mem>>)
      %dma_wait3A = arith.constant 0 : i32
      %dma_wait3A_21 = tpu.memref_slice %arg10[%add3A_9, %dma_wait3A] : memref<10240x128xf32, #tpu.memory_space<vmem_shared>> -> memref<128x128xf32, #tpu.memory_space<vmem_shared>>
      %dma_wait3A_22 = arith.constant 0 : i32
      %dma_wait3A_23 = tpu.memref_slice %arg10[%add3A_9, %dma_wait3A_22] : memref<10240x128xf32, #tpu.memory_space<vmem_shared>> -> memref<128x128xf32, #tpu.memory_space<vmem_shared>>
      tpu.wait_dma2 semaphore(%run_scoped3A : memref<!tpu.dma_semaphore, #tpu.memory_space<semaphore_mem>>) src(%dma_wait3A_23 : memref<128x128xf32, #tpu.memory_space<vmem_shared>>) dst(%arg9 : memref<128x128xf32, #tpu.memory_space<vmem>>)
      tpu.yield
    }) : () -> ()
    "tpu.region"() ({
      %run_scoped3A = tpu.sem_alloc : memref<!tpu.dma_semaphore, #tpu.memory_space<semaphore_mem>>
      %dma_start3A = arith.constant 0 : i32
      %dma_start3A_18 = tpu.memref_slice %arg6[%arg0, %add3A_9, %dma_start3A] : memref<2x10240x128xf32, #tpu.memory_space<hbm>> -> memref<1x128x128xf32, #tpu.memory_space<hbm>>
      %dma_start3A_19 = tpu.memref_squeeze %dma_start3A_18 : memref<1x128x128xf32, #tpu.memory_space<hbm>> -> memref<128x128xf32, #tpu.memory_space<hbm>>
      %dma_start3A_20 = arith.constant 0 : i32
      %dma_start3A_21 = tpu.memref_slice %arg6[%arg0, %add3A_9, %dma_start3A_20] : memref<2x10240x128xf32, #tpu.memory_space<hbm>> -> memref<1x128x128xf32, #tpu.memory_space<hbm>>
      %dma_start3A_22 = tpu.memref_squeeze %dma_start3A_21 : memref<1x128x128xf32, #tpu.memory_space<hbm>> -> memref<128x128xf32, #tpu.memory_space<hbm>>
      tpu.enqueue_dma source(%arg9 : memref<128x128xf32, #tpu.memory_space<vmem>>) target(%dma_start3A_22 : memref<128x128xf32, #tpu.memory_space<hbm>>) target_semaphore(%run_scoped3A : memref<!tpu.dma_semaphore, #tpu.memory_space<semaphore_mem>>)
      %dma_wait3A = arith.constant 0 : i32
      %dma_wait3A_23 = tpu.memref_slice %arg6[%arg0, %add3A_9, %dma_wait3A] : memref<2x10240x128xf32, #tpu.memory_space<hbm>> -> memref<1x128x128xf32, #tpu.memory_space<hbm>>
      %dma_wait3A_24 = tpu.memref_squeeze %dma_wait3A_23 : memref<1x128x128xf32, #tpu.memory_space<hbm>> -> memref<128x128xf32, #tpu.memory_space<hbm>>
      %dma_wait3A_25 = arith.constant 0 : i32
      %dma_wait3A_26 = tpu.memref_slice %arg6[%arg0, %add3A_9, %dma_wait3A_25] : memref<2x10240x128xf32, #tpu.memory_space<hbm>> -> memref<1x128x128xf32, #tpu.memory_space<hbm>>
      %dma_wait3A_27 = tpu.memref_squeeze %dma_wait3A_26 : memref<1x128x128xf32, #tpu.memory_space<hbm>> -> memref<128x128xf32, #tpu.memory_space<hbm>>
      tpu.wait_dma2 semaphore(%run_scoped3A : memref<!tpu.dma_semaphore, #tpu.memory_space<semaphore_mem>>) src(%arg9 : memref<128x128xf32, #tpu.memory_space<vmem>>) dst(%dma_wait3A_27 : memref<128x128xf32, #tpu.memory_space<hbm>>)
      tpu.yield
    }) : () -> ()
    %add3A_10 = arith.constant 128 : i32
    %add3A_11 = arith.addi %mul3A_2, %add3A_10 : i32
    "tpu.region"() ({
      %run_scoped3A = tpu.sem_alloc : memref<!tpu.dma_semaphore, #tpu.memory_space<semaphore_mem>>
      %dma_start3A = arith.constant 0 : i32
      %dma_start3A_18 = tpu.memref_slice %arg10[%add3A_11, %dma_start3A] : memref<10240x128xf32, #tpu.memory_space<vmem_shared>> -> memref<128x128xf32, #tpu.memory_space<vmem_shared>>
      %dma_start3A_19 = arith.constant 0 : i32
      %dma_start3A_20 = tpu.memref_slice %arg10[%add3A_11, %dma_start3A_19] : memref<10240x128xf32, #tpu.memory_space<vmem_shared>> -> memref<128x128xf32, #tpu.memory_space<vmem_shared>>
      tpu.enqueue_dma source(%dma_start3A_20 : memref<128x128xf32, #tpu.memory_space<vmem_shared>>) target(%arg9 : memref<128x128xf32, #tpu.memory_space<vmem>>) target_semaphore(%run_scoped3A : memref<!tpu.dma_semaphore, #tpu.memory_space<semaphore_mem>>)
      %dma_wait3A = arith.constant 0 : i32
      %dma_wait3A_21 = tpu.memref_slice %arg10[%add3A_11, %dma_wait3A] : memref<10240x128xf32, #tpu.memory_space<vmem_shared>> -> memref<128x128xf32, #tpu.memory_space<vmem_shared>>
      %dma_wait3A_22 = arith.constant 0 : i32
      %dma_wait3A_23 = tpu.memref_slice %arg10[%add3A_11, %dma_wait3A_22] : memref<10240x128xf32, #tpu.memory_space<vmem_shared>> -> memref<128x128xf32, #tpu.memory_space<vmem_shared>>
      tpu.wait_dma2 semaphore(%run_scoped3A : memref<!tpu.dma_semaphore, #tpu.memory_space<semaphore_mem>>) src(%dma_wait3A_23 : memref<128x128xf32, #tpu.memory_space<vmem_shared>>) dst(%arg9 : memref<128x128xf32, #tpu.memory_space<vmem>>)
      tpu.yield
    }) : () -> ()
    "tpu.region"() ({
      %run_scoped3A = tpu.sem_alloc : memref<!tpu.dma_semaphore, #tpu.memory_space<semaphore_mem>>
      %dma_start3A = arith.constant 0 : i32
      %dma_start3A_18 = tpu.memref_slice %arg6[%arg0, %add3A_11, %dma_start3A] : memref<2x10240x128xf32, #tpu.memory_space<hbm>> -> memref<1x128x128xf32, #tpu.memory_space<hbm>>
      %dma_start3A_19 = tpu.memref_squeeze %dma_start3A_18 : memref<1x128x128xf32, #tpu.memory_space<hbm>> -> memref<128x128xf32, #tpu.memory_space<hbm>>
      %dma_start3A_20 = arith.constant 0 : i32
      %dma_start3A_21 = tpu.memref_slice %arg6[%arg0, %add3A_11, %dma_start3A_20] : memref<2x10240x128xf32, #tpu.memory_space<hbm>> -> memref<1x128x128xf32, #tpu.memory_space<hbm>>
      %dma_start3A_22 = tpu.memref_squeeze %dma_start3A_21 : memref<1x128x128xf32, #tpu.memory_space<hbm>> -> memref<128x128xf32, #tpu.memory_space<hbm>>
      tpu.enqueue_dma source(%arg9 : memref<128x128xf32, #tpu.memory_space<vmem>>) target(%dma_start3A_22 : memref<128x128xf32, #tpu.memory_space<hbm>>) target_semaphore(%run_scoped3A : memref<!tpu.dma_semaphore, #tpu.memory_space<semaphore_mem>>)
      %dma_wait3A = arith.constant 0 : i32
      %dma_wait3A_23 = tpu.memref_slice %arg6[%arg0, %add3A_11, %dma_wait3A] : memref<2x10240x128xf32, #tpu.memory_space<hbm>> -> memref<1x128x128xf32, #tpu.memory_space<hbm>>
      %dma_wait3A_24 = tpu.memref_squeeze %dma_wait3A_23 : memref<1x128x128xf32, #tpu.memory_space<hbm>> -> memref<128x128xf32, #tpu.memory_space<hbm>>
      %dma_wait3A_25 = arith.constant 0 : i32
      %dma_wait3A_26 = tpu.memref_slice %arg6[%arg0, %add3A_11, %dma_wait3A_25] : memref<2x10240x128xf32, #tpu.memory_space<hbm>> -> memref<1x128x128xf32, #tpu.memory_space<hbm>>
      %dma_wait3A_27 = tpu.memref_squeeze %dma_wait3A_26 : memref<1x128x128xf32, #tpu.memory_space<hbm>> -> memref<128x128xf32, #tpu.memory_space<hbm>>
      tpu.wait_dma2 semaphore(%run_scoped3A : memref<!tpu.dma_semaphore, #tpu.memory_space<semaphore_mem>>) src(%arg9 : memref<128x128xf32, #tpu.memory_space<vmem>>) dst(%dma_wait3A_27 : memref<128x128xf32, #tpu.memory_space<hbm>>)
      tpu.yield
    }) : () -> ()
    %add3A_12 = arith.constant 256 : i32
    %add3A_13 = arith.addi %mul3A_2, %add3A_12 : i32
    "tpu.region"() ({
      %run_scoped3A = tpu.sem_alloc : memref<!tpu.dma_semaphore, #tpu.memory_space<semaphore_mem>>
      %dma_start3A = arith.constant 0 : i32
      %dma_start3A_18 = tpu.memref_slice %arg10[%add3A_13, %dma_start3A] : memref<10240x128xf32, #tpu.memory_space<vmem_shared>> -> memref<128x128xf32, #tpu.memory_space<vmem_shared>>
      %dma_start3A_19 = arith.constant 0 : i32
      %dma_start3A_20 = tpu.memref_slice %arg10[%add3A_13, %dma_start3A_19] : memref<10240x128xf32, #tpu.memory_space<vmem_shared>> -> memref<128x128xf32, #tpu.memory_space<vmem_shared>>
      tpu.enqueue_dma source(%dma_start3A_20 : memref<128x128xf32, #tpu.memory_space<vmem_shared>>) target(%arg9 : memref<128x128xf32, #tpu.memory_space<vmem>>) target_semaphore(%run_scoped3A : memref<!tpu.dma_semaphore, #tpu.memory_space<semaphore_mem>>)
      %dma_wait3A = arith.constant 0 : i32
      %dma_wait3A_21 = tpu.memref_slice %arg10[%add3A_13, %dma_wait3A] : memref<10240x128xf32, #tpu.memory_space<vmem_shared>> -> memref<128x128xf32, #tpu.memory_space<vmem_shared>>
      %dma_wait3A_22 = arith.constant 0 : i32
      %dma_wait3A_23 = tpu.memref_slice %arg10[%add3A_13, %dma_wait3A_22] : memref<10240x128xf32, #tpu.memory_space<vmem_shared>> -> memref<128x128xf32, #tpu.memory_space<vmem_shared>>
      tpu.wait_dma2 semaphore(%run_scoped3A : memref<!tpu.dma_semaphore, #tpu.memory_space<semaphore_mem>>) src(%dma_wait3A_23 : memref<128x128xf32, #tpu.memory_space<vmem_shared>>) dst(%arg9 : memref<128x128xf32, #tpu.memory_space<vmem>>)
      tpu.yield
    }) : () -> ()
    "tpu.region"() ({
      %run_scoped3A = tpu.sem_alloc : memref<!tpu.dma_semaphore, #tpu.memory_space<semaphore_mem>>
      %dma_start3A = arith.constant 0 : i32
      %dma_start3A_18 = tpu.memref_slice %arg6[%arg0, %add3A_13, %dma_start3A] : memref<2x10240x128xf32, #tpu.memory_space<hbm>> -> memref<1x128x128xf32, #tpu.memory_space<hbm>>
      %dma_start3A_19 = tpu.memref_squeeze %dma_start3A_18 : memref<1x128x128xf32, #tpu.memory_space<hbm>> -> memref<128x128xf32, #tpu.memory_space<hbm>>
      %dma_start3A_20 = arith.constant 0 : i32
      %dma_start3A_21 = tpu.memref_slice %arg6[%arg0, %add3A_13, %dma_start3A_20] : memref<2x10240x128xf32, #tpu.memory_space<hbm>> -> memref<1x128x128xf32, #tpu.memory_space<hbm>>
      %dma_start3A_22 = tpu.memref_squeeze %dma_start3A_21 : memref<1x128x128xf32, #tpu.memory_space<hbm>> -> memref<128x128xf32, #tpu.memory_space<hbm>>
      tpu.enqueue_dma source(%arg9 : memref<128x128xf32, #tpu.memory_space<vmem>>) target(%dma_start3A_22 : memref<128x128xf32, #tpu.memory_space<hbm>>) target_semaphore(%run_scoped3A : memref<!tpu.dma_semaphore, #tpu.memory_space<semaphore_mem>>)
      %dma_wait3A = arith.constant 0 : i32
      %dma_wait3A_23 = tpu.memref_slice %arg6[%arg0, %add3A_13, %dma_wait3A] : memref<2x10240x128xf32, #tpu.memory_space<hbm>> -> memref<1x128x128xf32, #tpu.memory_space<hbm>>
      %dma_wait3A_24 = tpu.memref_squeeze %dma_wait3A_23 : memref<1x128x128xf32, #tpu.memory_space<hbm>> -> memref<128x128xf32, #tpu.memory_space<hbm>>
      %dma_wait3A_25 = arith.constant 0 : i32
      %dma_wait3A_26 = tpu.memref_slice %arg6[%arg0, %add3A_13, %dma_wait3A_25] : memref<2x10240x128xf32, #tpu.memory_space<hbm>> -> memref<1x128x128xf32, #tpu.memory_space<hbm>>
      %dma_wait3A_27 = tpu.memref_squeeze %dma_wait3A_26 : memref<1x128x128xf32, #tpu.memory_space<hbm>> -> memref<128x128xf32, #tpu.memory_space<hbm>>
      tpu.wait_dma2 semaphore(%run_scoped3A : memref<!tpu.dma_semaphore, #tpu.memory_space<semaphore_mem>>) src(%arg9 : memref<128x128xf32, #tpu.memory_space<vmem>>) dst(%dma_wait3A_27 : memref<128x128xf32, #tpu.memory_space<hbm>>)
      tpu.yield
    }) : () -> ()
    %add3A_14 = arith.constant 384 : i32
    %add3A_15 = arith.addi %mul3A_2, %add3A_14 : i32
    "tpu.region"() ({
      %run_scoped3A = tpu.sem_alloc : memref<!tpu.dma_semaphore, #tpu.memory_space<semaphore_mem>>
      %dma_start3A = arith.constant 0 : i32
      %dma_start3A_18 = tpu.memref_slice %arg10[%add3A_15, %dma_start3A] : memref<10240x128xf32, #tpu.memory_space<vmem_shared>> -> memref<128x128xf32, #tpu.memory_space<vmem_shared>>
      %dma_start3A_19 = arith.constant 0 : i32
      %dma_start3A_20 = tpu.memref_slice %arg10[%add3A_15, %dma_start3A_19] : memref<10240x128xf32, #tpu.memory_space<vmem_shared>> -> memref<128x128xf32, #tpu.memory_space<vmem_shared>>
      tpu.enqueue_dma source(%dma_start3A_20 : memref<128x128xf32, #tpu.memory_space<vmem_shared>>) target(%arg9 : memref<128x128xf32, #tpu.memory_space<vmem>>) target_semaphore(%run_scoped3A : memref<!tpu.dma_semaphore, #tpu.memory_space<semaphore_mem>>)
      %dma_wait3A = arith.constant 0 : i32
      %dma_wait3A_21 = tpu.memref_slice %arg10[%add3A_15, %dma_wait3A] : memref<10240x128xf32, #tpu.memory_space<vmem_shared>> -> memref<128x128xf32, #tpu.memory_space<vmem_shared>>
      %dma_wait3A_22 = arith.constant 0 : i32
      %dma_wait3A_23 = tpu.memref_slice %arg10[%add3A_15, %dma_wait3A_22] : memref<10240x128xf32, #tpu.memory_space<vmem_shared>> -> memref<128x128xf32, #tpu.memory_space<vmem_shared>>
      tpu.wait_dma2 semaphore(%run_scoped3A : memref<!tpu.dma_semaphore, #tpu.memory_space<semaphore_mem>>) src(%dma_wait3A_23 : memref<128x128xf32, #tpu.memory_space<vmem_shared>>) dst(%arg9 : memref<128x128xf32, #tpu.memory_space<vmem>>)
      tpu.yield
    }) : () -> ()
    "tpu.region"() ({
      %run_scoped3A = tpu.sem_alloc : memref<!tpu.dma_semaphore, #tpu.memory_space<semaphore_mem>>
      %dma_start3A = arith.constant 0 : i32
      %dma_start3A_18 = tpu.memref_slice %arg6[%arg0, %add3A_15, %dma_start3A] : memref<2x10240x128xf32, #tpu.memory_space<hbm>> -> memref<1x128x128xf32, #tpu.memory_space<hbm>>
      %dma_start3A_19 = tpu.memref_squeeze %dma_start3A_18 : memref<1x128x128xf32, #tpu.memory_space<hbm>> -> memref<128x128xf32, #tpu.memory_space<hbm>>
      %dma_start3A_20 = arith.constant 0 : i32
      %dma_start3A_21 = tpu.memref_slice %arg6[%arg0, %add3A_15, %dma_start3A_20] : memref<2x10240x128xf32, #tpu.memory_space<hbm>> -> memref<1x128x128xf32, #tpu.memory_space<hbm>>
      %dma_start3A_22 = tpu.memref_squeeze %dma_start3A_21 : memref<1x128x128xf32, #tpu.memory_space<hbm>> -> memref<128x128xf32, #tpu.memory_space<hbm>>
      tpu.enqueue_dma source(%arg9 : memref<128x128xf32, #tpu.memory_space<vmem>>) target(%dma_start3A_22 : memref<128x128xf32, #tpu.memory_space<hbm>>) target_semaphore(%run_scoped3A : memref<!tpu.dma_semaphore, #tpu.memory_space<semaphore_mem>>)
      %dma_wait3A = arith.constant 0 : i32
      %dma_wait3A_23 = tpu.memref_slice %arg6[%arg0, %add3A_15, %dma_wait3A] : memref<2x10240x128xf32, #tpu.memory_space<hbm>> -> memref<1x128x128xf32, #tpu.memory_space<hbm>>
      %dma_wait3A_24 = tpu.memref_squeeze %dma_wait3A_23 : memref<1x128x128xf32, #tpu.memory_space<hbm>> -> memref<128x128xf32, #tpu.memory_space<hbm>>
      %dma_wait3A_25 = arith.constant 0 : i32
      %dma_wait3A_26 = tpu.memref_slice %arg6[%arg0, %add3A_15, %dma_wait3A_25] : memref<2x10240x128xf32, #tpu.memory_space<hbm>> -> memref<1x128x128xf32, #tpu.memory_space<hbm>>
      %dma_wait3A_27 = tpu.memref_squeeze %dma_wait3A_26 : memref<1x128x128xf32, #tpu.memory_space<hbm>> -> memref<128x128xf32, #tpu.memory_space<hbm>>
      tpu.wait_dma2 semaphore(%run_scoped3A : memref<!tpu.dma_semaphore, #tpu.memory_space<semaphore_mem>>) src(%arg9 : memref<128x128xf32, #tpu.memory_space<vmem>>) dst(%dma_wait3A_27 : memref<128x128xf32, #tpu.memory_space<hbm>>)
      tpu.yield
    }) : () -> ()
    %add3A_16 = arith.constant 512 : i32
    %add3A_17 = arith.addi %mul3A_2, %add3A_16 : i32
    "tpu.region"() ({
      %run_scoped3A = tpu.sem_alloc : memref<!tpu.dma_semaphore, #tpu.memory_space<semaphore_mem>>
      %dma_start3A = arith.constant 0 : i32
      %dma_start3A_18 = tpu.memref_slice %arg10[%add3A_17, %dma_start3A] : memref<10240x128xf32, #tpu.memory_space<vmem_shared>> -> memref<128x128xf32, #tpu.memory_space<vmem_shared>>
      %dma_start3A_19 = arith.constant 0 : i32
      %dma_start3A_20 = tpu.memref_slice %arg10[%add3A_17, %dma_start3A_19] : memref<10240x128xf32, #tpu.memory_space<vmem_shared>> -> memref<128x128xf32, #tpu.memory_space<vmem_shared>>
      tpu.enqueue_dma source(%dma_start3A_20 : memref<128x128xf32, #tpu.memory_space<vmem_shared>>) target(%arg9 : memref<128x128xf32, #tpu.memory_space<vmem>>) target_semaphore(%run_scoped3A : memref<!tpu.dma_semaphore, #tpu.memory_space<semaphore_mem>>)
      %dma_wait3A = arith.constant 0 : i32
      %dma_wait3A_21 = tpu.memref_slice %arg10[%add3A_17, %dma_wait3A] : memref<10240x128xf32, #tpu.memory_space<vmem_shared>> -> memref<128x128xf32, #tpu.memory_space<vmem_shared>>
      %dma_wait3A_22 = arith.constant 0 : i32
      %dma_wait3A_23 = tpu.memref_slice %arg10[%add3A_17, %dma_wait3A_22] : memref<10240x128xf32, #tpu.memory_space<vmem_shared>> -> memref<128x128xf32, #tpu.memory_space<vmem_shared>>
      tpu.wait_dma2 semaphore(%run_scoped3A : memref<!tpu.dma_semaphore, #tpu.memory_space<semaphore_mem>>) src(%dma_wait3A_23 : memref<128x128xf32, #tpu.memory_space<vmem_shared>>) dst(%arg9 : memref<128x128xf32, #tpu.memory_space<vmem>>)
      tpu.yield
    }) : () -> ()
    "tpu.region"() ({
      %run_scoped3A = tpu.sem_alloc : memref<!tpu.dma_semaphore, #tpu.memory_space<semaphore_mem>>
      %dma_start3A = arith.constant 0 : i32
      %dma_start3A_18 = tpu.memref_slice %arg6[%arg0, %add3A_17, %dma_start3A] : memref<2x10240x128xf32, #tpu.memory_space<hbm>> -> memref<1x128x128xf32, #tpu.memory_space<hbm>>
      %dma_start3A_19 = tpu.memref_squeeze %dma_start3A_18 : memref<1x128x128xf32, #tpu.memory_space<hbm>> -> memref<128x128xf32, #tpu.memory_space<hbm>>
      %dma_start3A_20 = arith.constant 0 : i32
      %dma_start3A_21 = tpu.memref_slice %arg6[%arg0, %add3A_17, %dma_start3A_20] : memref<2x10240x128xf32, #tpu.memory_space<hbm>> -> memref<1x128x128xf32, #tpu.memory_space<hbm>>
      %dma_start3A_22 = tpu.memref_squeeze %dma_start3A_21 : memref<1x128x128xf32, #tpu.memory_space<hbm>> -> memref<128x128xf32, #tpu.memory_space<hbm>>
      tpu.enqueue_dma source(%arg9 : memref<128x128xf32, #tpu.memory_space<vmem>>) target(%dma_start3A_22 : memref<128x128xf32, #tpu.memory_space<hbm>>) target_semaphore(%run_scoped3A : memref<!tpu.dma_semaphore, #tpu.memory_space<semaphore_mem>>)
      %dma_wait3A = arith.constant 0 : i32
      %dma_wait3A_23 = tpu.memref_slice %arg6[%arg0, %add3A_17, %dma_wait3A] : memref<2x10240x128xf32, #tpu.memory_space<hbm>> -> memref<1x128x128xf32, #tpu.memory_space<hbm>>
      %dma_wait3A_24 = tpu.memref_squeeze %dma_wait3A_23 : memref<1x128x128xf32, #tpu.memory_space<hbm>> -> memref<128x128xf32, #tpu.memory_space<hbm>>
      %dma_wait3A_25 = arith.constant 0 : i32
      %dma_wait3A_26 = tpu.memref_slice %arg6[%arg0, %add3A_17, %dma_wait3A_25] : memref<2x10240x128xf32, #tpu.memory_space<hbm>> -> memref<1x128x128xf32, #tpu.memory_space<hbm>>
      %dma_wait3A_27 = tpu.memref_squeeze %dma_wait3A_26 : memref<1x128x128xf32, #tpu.memory_space<hbm>> -> memref<128x128xf32, #tpu.memory_space<hbm>>
      tpu.wait_dma2 semaphore(%run_scoped3A : memref<!tpu.dma_semaphore, #tpu.memory_space<semaphore_mem>>) src(%arg9 : memref<128x128xf32, #tpu.memory_space<vmem>>) dst(%dma_wait3A_27 : memref<128x128xf32, #tpu.memory_space<hbm>>)
      tpu.yield
    }) : () -> ()
    return
  }
}

module attributes {stable_mosaic.version = 14 : i64} {
  func.func @_mm_body(%arg0: i32, %arg1: memref<1000x128xf32, #tpu.memory_space<vmem>>, %arg2: memref<128x128xf32, #tpu.memory_space<vmem>>, %arg3: memref<1000x128xf32, #tpu.memory_space<vmem>>) attributes {dimension_semantics = [#tpu.dimension_semantics<arbitrary>], iteration_bounds = array<i64: 10>, scalar_prefetch = 0 : i64, scratch_operands = 0 : i64, tpu.core_type = #tpu.core_type<tc>, window_params = [{transform_indices = @transform_0, window_bounds = array<i64: 1000, 128>}, {pipeline_mode = #tpu.pipeline_mode<synchronous>, transform_indices = @transform_1, window_bounds = array<i64: 128, 128>}, {transform_indices = @transform_2, window_bounds = array<i64: 1000, 128>}]} {
    %get3A = arith.constant 0 : index
    %get3A_0 = arith.constant 0 : index
    %get3A_1 = vector.load %arg1[%get3A, %get3A_0] : memref<1000x128xf32, #tpu.memory_space<vmem>>, vector<1000x128xf32>
    %get3A_2 = arith.constant 0 : index
    %get3A_3 = arith.constant 0 : index
    %get3A_4 = vector.load %arg2[%get3A_2, %get3A_3] : memref<128x128xf32, #tpu.memory_space<vmem>>, vector<128x128xf32>
    %dot_general3A = arith.constant dense<0.000000e+00> : vector<1000x128xf32>
    %dot_general3A_5 = tpu.matmul %get3A_1, %get3A_4, %dot_general3A {dimension_numbers = #tpu.dot_dimension_numbers<[1], [0], [0], [1], [0, 0, 1, 1], [], []>, transpose_lhs_hint = false} : vector<1000x128xf32>, vector<128x128xf32>, vector<1000x128xf32> -> vector<1000x128xf32>
    %swap3A = arith.constant 0 : index
    %swap3A_6 = arith.constant 0 : index
    %swap3A_7 = vector.load %arg3[%swap3A, %swap3A_6] : memref<1000x128xf32, #tpu.memory_space<vmem>>, vector<1000x128xf32>
    tpu.vector_store %arg3[%swap3A, %swap3A_6], %dot_general3A_5 {strides = array<i32>} : memref<1000x128xf32, #tpu.memory_space<vmem>>, vector<1000x128xf32>,
    return
  }
  func.func @transform_0(%arg0: i32) -> (i32, i32) {
    %c0_i32 = arith.constant 0 : i32
    %c0_i32_0 = arith.constant 0 : i32
    return %arg0, %c0_i32 : i32, i32
  }
  func.func @transform_1(%arg0: i32) -> (i32, i32) {
    %c0_i32 = arith.constant 0 : i32
    %c0_i32_0 = arith.constant 0 : i32
    %c0_i32_1 = arith.constant 0 : i32
    return %c0_i32, %c0_i32_0 : i32, i32
  }
  func.func @transform_2(%arg0: i32) -> (i32, i32) {
    %c0_i32 = arith.constant 0 : i32
    %c0_i32_0 = arith.constant 0 : i32
    return %arg0, %c0_i32 : i32, i32
  }
}

module attributes {stable_mosaic.version = 14 : i64} {
  func.func @_gru_body(%arg0: i32, %arg1: memref<1000x128xf32, #tpu.memory_space<vmem>>, %arg2: memref<2x1000x128xf32, #tpu.memory_space<vmem>>, %arg3: memref<128x384xf32, #tpu.memory_space<vmem>>, %arg4: memref<128x384xf32, #tpu.memory_space<vmem>>, %arg5: memref<1x384xf32, #tpu.memory_space<vmem>>, %arg6: memref<1x384xf32, #tpu.memory_space<vmem>>, %arg7: memref<128x128xf32, #tpu.memory_space<vmem>>, %arg8: memref<1000x128xf32, #tpu.memory_space<vmem>>, %arg9: memref<1000x128xf32, #tpu.memory_space<vmem>>) attributes {dimension_semantics = [#tpu.dimension_semantics<arbitrary>], iteration_bounds = array<i64: 10>, scalar_prefetch = 0 : i64, scratch_operands = 0 : i64, tpu.core_type = #tpu.core_type<tc>, window_params = [{transform_indices = @transform_0, window_bounds = array<i64: 1000, 128>}, {transform_indices = @transform_1, window_bounds = array<i64: 2, 1000, 128>}, {pipeline_mode = #tpu.pipeline_mode<synchronous>, transform_indices = @transform_2, window_bounds = array<i64: 128, 384>}, {pipeline_mode = #tpu.pipeline_mode<synchronous>, transform_indices = @transform_3, window_bounds = array<i64: 128, 384>}, {pipeline_mode = #tpu.pipeline_mode<synchronous>, transform_indices = @transform_4, window_bounds = array<i64: 1, 384>}, {pipeline_mode = #tpu.pipeline_mode<synchronous>, transform_indices = @transform_5, window_bounds = array<i64: 1, 384>}, {pipeline_mode = #tpu.pipeline_mode<synchronous>, transform_indices = @transform_6, window_bounds = array<i64: 128, 128>}, {transform_indices = @transform_7, window_bounds = array<i64: 1000, 128>}, {transform_indices = @transform_8, window_bounds = array<i64: 1000, 128>}]} {
    %get3A = arith.constant 0 : index
    %get3A_0 = arith.constant 0 : index
    %get3A_1 = vector.load %arg1[%get3A, %get3A_0] : memref<1000x128xf32, #tpu.memory_space<vmem>>, vector<1000x128xf32>
    %get3A_2 = arith.constant 0 : index
    %get3A_3 = arith.constant 0 : index
    %get3A_4 = arith.constant 0 : index
    %get3A_5 = vector.load %arg2[%get3A_2, %get3A_3, %get3A_4] : memref<2x1000x128xf32, #tpu.memory_space<vmem>>, vector<1x1000x128xf32>
    %get3A_6 = vector.shape_cast %get3A_5 : vector<1x1000x128xf32> to vector<1000x128xf32>
    %get3A_7 = arith.constant 1 : index
    %get3A_8 = arith.constant 0 : index
    %get3A_9 = arith.constant 0 : index
    %get3A_10 = vector.load %arg2[%get3A_7, %get3A_8, %get3A_9] : memref<2x1000x128xf32, #tpu.memory_space<vmem>>, vector<1x1000x128xf32>
    %get3A_11 = vector.shape_cast %get3A_10 : vector<1x1000x128xf32> to vector<1000x128xf32>
    %add3A = arith.addf %get3A_6, %get3A_11 : vector<1000x128xf32>
    %get3A_12 = arith.constant 0 : index
    %get3A_13 = arith.constant 0 : index
    %get3A_14 = vector.load %arg3[%get3A_12, %get3A_13] : memref<128x384xf32, #tpu.memory_space<vmem>>, vector<128x384xf32>
    %dot_general3A = arith.constant dense<0.000000e+00> : vector<1000x384xf32>
    %dot_general3A_15 = tpu.matmul %add3A, %get3A_14, %dot_general3A {dimension_numbers = #tpu.dot_dimension_numbers<[1], [0], [0], [1], [0, 0, 1, 1], [], []>, transpose_lhs_hint = false} : vector<1000x128xf32>, vector<128x384xf32>, vector<1000x384xf32> -> vector<1000x384xf32>
    %get3A_16 = arith.constant 0 : index
    %get3A_17 = arith.constant 0 : index
    %get3A_18 = vector.load %arg5[%get3A_16, %get3A_17] : memref<1x384xf32, #tpu.memory_space<vmem>>, vector<1x384xf32>
    %add3A_19 = vector.broadcast %get3A_18 : vector<1x384xf32> to vector<1000x384xf32>
    %add3A_20 = arith.addf %dot_general3A_15, %add3A_19 : vector<1000x384xf32>
    %get3A_21 = arith.constant 0 : index
    %get3A_22 = arith.constant 0 : index
    %get3A_23 = vector.load %arg4[%get3A_21, %get3A_22] : memref<128x384xf32, #tpu.memory_space<vmem>>, vector<128x384xf32>
    %dot_general3A_24 = arith.constant dense<0.000000e+00> : vector<1000x384xf32>
    %dot_general3A_25 = tpu.matmul %get3A_1, %get3A_23, %dot_general3A_24 {dimension_numbers = #tpu.dot_dimension_numbers<[1], [0], [0], [1], [0, 0, 1, 1], [], []>, transpose_lhs_hint = false} : vector<1000x128xf32>, vector<128x384xf32>, vector<1000x384xf32> -> vector<1000x384xf32>
    %get3A_26 = arith.constant 0 : index
    %get3A_27 = arith.constant 0 : index
    %get3A_28 = vector.load %arg6[%get3A_26, %get3A_27] : memref<1x384xf32, #tpu.memory_space<vmem>>, vector<1x384xf32>
    %add3A_29 = vector.broadcast %get3A_28 : vector<1x384xf32> to vector<1000x384xf32>
    %add3A_30 = arith.addf %dot_general3A_25, %add3A_29 : vector<1000x384xf32>
    %slice3A = vector.extract_strided_slice %add3A_20 {offsets = [0, 0], sizes = [1000, 128], strides = [1, 1]} : vector<1000x384xf32> to vector<1000x128xf32>
    %slice3A_31 = vector.extract_strided_slice %add3A_30 {offsets = [0, 0], sizes = [1000, 128], strides = [1, 1]} : vector<1000x384xf32> to vector<1000x128xf32>
    %add3A_32 = arith.addf %slice3A, %slice3A_31 : vector<1000x128xf32>
    %logistic3A = arith.negf %add3A_32 : vector<1000x128xf32>
    %logistic3A_33 = math.exp %logistic3A : vector<1000x128xf32>
    %logistic3A_34 = arith.constant 1.000000e+00 : f32
    %logistic3A_35 = vector.broadcast %logistic3A_34 : f32 to vector<1000x128xf32>
    %logistic3A_36 = arith.addf %logistic3A_35, %logistic3A_33 : vector<1000x128xf32>
    %logistic3A_37 = arith.divf %logistic3A_35, %logistic3A_36 : vector<1000x128xf32>
    %slice3A_38 = vector.extract_strided_slice %add3A_20 {offsets = [0, 128], sizes = [1000, 128], strides = [1, 1]} : vector<1000x384xf32> to vector<1000x128xf32>
    %slice3A_39 = vector.extract_strided_slice %add3A_30 {offsets = [0, 128], sizes = [1000, 128], strides = [1, 1]} : vector<1000x384xf32> to vector<1000x128xf32>
    %add3A_40 = arith.addf %slice3A_38, %slice3A_39 : vector<1000x128xf32>
    %logistic3A_41 = arith.negf %add3A_40 : vector<1000x128xf32>
    %logistic3A_42 = math.exp %logistic3A_41 : vector<1000x128xf32>
    %logistic3A_43 = arith.constant 1.000000e+00 : f32
    %logistic3A_44 = vector.broadcast %logistic3A_43 : f32 to vector<1000x128xf32>
    %logistic3A_45 = arith.addf %logistic3A_44, %logistic3A_42 : vector<1000x128xf32>
    %logistic3A_46 = arith.divf %logistic3A_44, %logistic3A_45 : vector<1000x128xf32>
    %slice3A_47 = vector.extract_strided_slice %add3A_20 {offsets = [0, 256], sizes = [1000, 128], strides = [1, 1]} : vector<1000x384xf32> to vector<1000x128xf32>
    %slice3A_48 = vector.extract_strided_slice %add3A_30 {offsets = [0, 256], sizes = [1000, 128], strides = [1, 1]} : vector<1000x384xf32> to vector<1000x128xf32>
    %mul3A = arith.mulf %logistic3A_37, %slice3A_48 : vector<1000x128xf32>
    %add3A_49 = arith.addf %slice3A_47, %mul3A : vector<1000x128xf32>
    %tanh3A = math.tanh %add3A_49 : vector<1000x128xf32>
    %sub3A = arith.constant 1.000000e+00 : f32
    %sub3A_50 = vector.broadcast %sub3A : f32 to vector<1000x128xf32>
    %sub3A_51 = arith.subf %sub3A_50, %logistic3A_46 : vector<1000x128xf32>
    %mul3A_52 = arith.mulf %sub3A_51, %tanh3A : vector<1000x128xf32>
    %mul3A_53 = arith.mulf %logistic3A_46, %get3A_1 : vector<1000x128xf32>
    %add3A_54 = arith.addf %mul3A_52, %mul3A_53 : vector<1000x128xf32>
    %swap3A = arith.constant 0 : index
    %swap3A_55 = arith.constant 0 : index
    %swap3A_56 = vector.load %arg8[%swap3A, %swap3A_55] : memref<1000x128xf32, #tpu.memory_space<vmem>>, vector<1000x128xf32>
    tpu.vector_store %arg8[%swap3A, %swap3A_55], %add3A_54 {strides = array<i32>} : memref<1000x128xf32, #tpu.memory_space<vmem>>, vector<1000x128xf32>,
    %get3A_57 = arith.constant 0 : index
    %get3A_58 = arith.constant 0 : index
    %get3A_59 = vector.load %arg7[%get3A_57, %get3A_58] : memref<128x128xf32, #tpu.memory_space<vmem>>, vector<128x128xf32>
    %dot_general3A_60 = arith.constant dense<0.000000e+00> : vector<1000x128xf32>
    %dot_general3A_61 = tpu.matmul %add3A_54, %get3A_59, %dot_general3A_60 {dimension_numbers = #tpu.dot_dimension_numbers<[1], [0], [0], [1], [0, 0, 1, 1], [], []>, transpose_lhs_hint = false} : vector<1000x128xf32>, vector<128x128xf32>, vector<1000x128xf32> -> vector<1000x128xf32>
    %swap3A_62 = arith.constant 0 : index
    %swap3A_63 = arith.constant 0 : index
    %swap3A_64 = vector.load %arg9[%swap3A_62, %swap3A_63] : memref<1000x128xf32, #tpu.memory_space<vmem>>, vector<1000x128xf32>
    tpu.vector_store %arg9[%swap3A_62, %swap3A_63], %dot_general3A_61 {strides = array<i32>} : memref<1000x128xf32, #tpu.memory_space<vmem>>, vector<1000x128xf32>,
    return
  }
  func.func @transform_0(%arg0: i32) -> (i32, i32) {
    %c0_i32 = arith.constant 0 : i32
    %c0_i32_0 = arith.constant 0 : i32
    return %arg0, %c0_i32 : i32, i32
  }
  func.func @transform_1(%arg0: i32) -> (i32, i32, i32) {
    %c0_i32 = arith.constant 0 : i32
    %c0_i32_0 = arith.constant 0 : i32
    %c0_i32_1 = arith.constant 0 : i32
    return %c0_i32, %arg0, %c0_i32_0 : i32, i32, i32
  }
  func.func @transform_2(%arg0: i32) -> (i32, i32) {
    %c0_i32 = arith.constant 0 : i32
    %c0_i32_0 = arith.constant 0 : i32
    %c0_i32_1 = arith.constant 0 : i32
    return %c0_i32, %c0_i32_0 : i32, i32
  }
  func.func @transform_3(%arg0: i32) -> (i32, i32) {
    %c0_i32 = arith.constant 0 : i32
    %c0_i32_0 = arith.constant 0 : i32
    %c0_i32_1 = arith.constant 0 : i32
    return %c0_i32, %c0_i32_0 : i32, i32
  }
  func.func @transform_4(%arg0: i32) -> (i32, i32) {
    %c0_i32 = arith.constant 0 : i32
    %c0_i32_0 = arith.constant 0 : i32
    %c0_i32_1 = arith.constant 0 : i32
    return %c0_i32, %c0_i32_0 : i32, i32
  }
  func.func @transform_5(%arg0: i32) -> (i32, i32) {
    %c0_i32 = arith.constant 0 : i32
    %c0_i32_0 = arith.constant 0 : i32
    %c0_i32_1 = arith.constant 0 : i32
    return %c0_i32, %c0_i32_0 : i32, i32
  }
  func.func @transform_6(%arg0: i32) -> (i32, i32) {
    %c0_i32 = arith.constant 0 : i32
    %c0_i32_0 = arith.constant 0 : i32
    %c0_i32_1 = arith.constant 0 : i32
    return %c0_i32, %c0_i32_0 : i32, i32
  }
  func.func @transform_7(%arg0: i32) -> (i32, i32) {
    %c0_i32 = arith.constant 0 : i32
    %c0_i32_0 = arith.constant 0 : i32
    return %arg0, %c0_i32 : i32, i32
  }
  func.func @transform_8(%arg0: i32) -> (i32, i32) {
    %c0_i32 = arith.constant 0 : i32
    %c0_i32_0 = arith.constant 0 : i32
    return %arg0, %c0_i32 : i32, i32
  }
}

module attributes {stable_mosaic.version = 14 : i64} {
  func.func @_gru_body(%arg0: i32, %arg1: memref<1000x128xf32, #tpu.memory_space<vmem>>, %arg2: memref<2x1000x128xf32, #tpu.memory_space<vmem>>, %arg3: memref<128x384xf32, #tpu.memory_space<vmem>>, %arg4: memref<128x384xf32, #tpu.memory_space<vmem>>, %arg5: memref<1x384xf32, #tpu.memory_space<vmem>>, %arg6: memref<1x384xf32, #tpu.memory_space<vmem>>, %arg7: memref<128x128xf32, #tpu.memory_space<vmem>>, %arg8: memref<1000x128xf32, #tpu.memory_space<vmem>>, %arg9: memref<1000x128xf32, #tpu.memory_space<vmem>>) attributes {dimension_semantics = [#tpu.dimension_semantics<arbitrary>], iteration_bounds = array<i64: 10>, scalar_prefetch = 0 : i64, scratch_operands = 0 : i64, tpu.core_type = #tpu.core_type<tc>, window_params = [{transform_indices = @transform_0, window_bounds = array<i64: 1000, 128>}, {transform_indices = @transform_1, window_bounds = array<i64: 2, 1000, 128>}, {pipeline_mode = #tpu.pipeline_mode<synchronous>, transform_indices = @transform_2, window_bounds = array<i64: 128, 384>}, {pipeline_mode = #tpu.pipeline_mode<synchronous>, transform_indices = @transform_3, window_bounds = array<i64: 128, 384>}, {pipeline_mode = #tpu.pipeline_mode<synchronous>, transform_indices = @transform_4, window_bounds = array<i64: 1, 384>}, {pipeline_mode = #tpu.pipeline_mode<synchronous>, transform_indices = @transform_5, window_bounds = array<i64: 1, 384>}, {pipeline_mode = #tpu.pipeline_mode<synchronous>, transform_indices = @transform_6, window_bounds = array<i64: 128, 128>}, {transform_indices = @transform_7, window_bounds = array<i64: 1000, 128>}, {transform_indices = @transform_8, window_bounds = array<i64: 1000, 128>}]} {
    %get3A = arith.constant 0 : index
    %get3A_0 = arith.constant 0 : index
    %get3A_1 = vector.load %arg1[%get3A, %get3A_0] : memref<1000x128xf32, #tpu.memory_space<vmem>>, vector<1000x128xf32>
    %get3A_2 = arith.constant 0 : index
    %get3A_3 = arith.constant 0 : index
    %get3A_4 = arith.constant 0 : index
    %get3A_5 = vector.load %arg2[%get3A_2, %get3A_3, %get3A_4] : memref<2x1000x128xf32, #tpu.memory_space<vmem>>, vector<1x1000x128xf32>
    %get3A_6 = vector.shape_cast %get3A_5 : vector<1x1000x128xf32> to vector<1000x128xf32>
    %get3A_7 = arith.constant 1 : index
    %get3A_8 = arith.constant 0 : index
    %get3A_9 = arith.constant 0 : index
    %get3A_10 = vector.load %arg2[%get3A_7, %get3A_8, %get3A_9] : memref<2x1000x128xf32, #tpu.memory_space<vmem>>, vector<1x1000x128xf32>
    %get3A_11 = vector.shape_cast %get3A_10 : vector<1x1000x128xf32> to vector<1000x128xf32>
    %add3A = arith.addf %get3A_6, %get3A_11 : vector<1000x128xf32>
    %get3A_12 = arith.constant 0 : index
    %get3A_13 = arith.constant 0 : index
    %get3A_14 = vector.load %arg3[%get3A_12, %get3A_13] : memref<128x384xf32, #tpu.memory_space<vmem>>, vector<128x384xf32>
    %dot_general3A = arith.constant dense<0.000000e+00> : vector<1000x384xf32>
    %dot_general3A_15 = tpu.matmul %add3A, %get3A_14, %dot_general3A {dimension_numbers = #tpu.dot_dimension_numbers<[1], [0], [0], [1], [0, 0, 1, 1], [], []>, transpose_lhs_hint = false} : vector<1000x128xf32>, vector<128x384xf32>, vector<1000x384xf32> -> vector<1000x384xf32>
    %get3A_16 = arith.constant 0 : index
    %get3A_17 = arith.constant 0 : index
    %get3A_18 = vector.load %arg5[%get3A_16, %get3A_17] : memref<1x384xf32, #tpu.memory_space<vmem>>, vector<1x384xf32>
    %add3A_19 = vector.broadcast %get3A_18 : vector<1x384xf32> to vector<1000x384xf32>
    %add3A_20 = arith.addf %dot_general3A_15, %add3A_19 : vector<1000x384xf32>
    %get3A_21 = arith.constant 0 : index
    %get3A_22 = arith.constant 0 : index
    %get3A_23 = vector.load %arg4[%get3A_21, %get3A_22] : memref<128x384xf32, #tpu.memory_space<vmem>>, vector<128x384xf32>
    %dot_general3A_24 = arith.constant dense<0.000000e+00> : vector<1000x384xf32>
    %dot_general3A_25 = tpu.matmul %get3A_1, %get3A_23, %dot_general3A_24 {dimension_numbers = #tpu.dot_dimension_numbers<[1], [0], [0], [1], [0, 0, 1, 1], [], []>, transpose_lhs_hint = false} : vector<1000x128xf32>, vector<128x384xf32>, vector<1000x384xf32> -> vector<1000x384xf32>
    %get3A_26 = arith.constant 0 : index
    %get3A_27 = arith.constant 0 : index
    %get3A_28 = vector.load %arg6[%get3A_26, %get3A_27] : memref<1x384xf32, #tpu.memory_space<vmem>>, vector<1x384xf32>
    %add3A_29 = vector.broadcast %get3A_28 : vector<1x384xf32> to vector<1000x384xf32>
    %add3A_30 = arith.addf %dot_general3A_25, %add3A_29 : vector<1000x384xf32>
    %slice3A = vector.extract_strided_slice %add3A_20 {offsets = [0, 0], sizes = [1000, 128], strides = [1, 1]} : vector<1000x384xf32> to vector<1000x128xf32>
    %slice3A_31 = vector.extract_strided_slice %add3A_30 {offsets = [0, 0], sizes = [1000, 128], strides = [1, 1]} : vector<1000x384xf32> to vector<1000x128xf32>
    %add3A_32 = arith.addf %slice3A, %slice3A_31 : vector<1000x128xf32>
    %logistic3A = arith.negf %add3A_32 : vector<1000x128xf32>
    %logistic3A_33 = math.exp %logistic3A : vector<1000x128xf32>
    %logistic3A_34 = arith.constant 1.000000e+00 : f32
    %logistic3A_35 = vector.broadcast %logistic3A_34 : f32 to vector<1000x128xf32>
    %logistic3A_36 = arith.addf %logistic3A_35, %logistic3A_33 : vector<1000x128xf32>
    %logistic3A_37 = arith.divf %logistic3A_35, %logistic3A_36 : vector<1000x128xf32>
    %slice3A_38 = vector.extract_strided_slice %add3A_20 {offsets = [0, 128], sizes = [1000, 128], strides = [1, 1]} : vector<1000x384xf32> to vector<1000x128xf32>
    %slice3A_39 = vector.extract_strided_slice %add3A_30 {offsets = [0, 128], sizes = [1000, 128], strides = [1, 1]} : vector<1000x384xf32> to vector<1000x128xf32>
    %add3A_40 = arith.addf %slice3A_38, %slice3A_39 : vector<1000x128xf32>
    %logistic3A_41 = arith.negf %add3A_40 : vector<1000x128xf32>
    %logistic3A_42 = math.exp %logistic3A_41 : vector<1000x128xf32>
    %logistic3A_43 = arith.constant 1.000000e+00 : f32
    %logistic3A_44 = vector.broadcast %logistic3A_43 : f32 to vector<1000x128xf32>
    %logistic3A_45 = arith.addf %logistic3A_44, %logistic3A_42 : vector<1000x128xf32>
    %logistic3A_46 = arith.divf %logistic3A_44, %logistic3A_45 : vector<1000x128xf32>
    %slice3A_47 = vector.extract_strided_slice %add3A_20 {offsets = [0, 256], sizes = [1000, 128], strides = [1, 1]} : vector<1000x384xf32> to vector<1000x128xf32>
    %slice3A_48 = vector.extract_strided_slice %add3A_30 {offsets = [0, 256], sizes = [1000, 128], strides = [1, 1]} : vector<1000x384xf32> to vector<1000x128xf32>
    %mul3A = arith.mulf %logistic3A_37, %slice3A_48 : vector<1000x128xf32>
    %add3A_49 = arith.addf %slice3A_47, %mul3A : vector<1000x128xf32>
    %tanh3A = math.tanh %add3A_49 : vector<1000x128xf32>
    %sub3A = arith.constant 1.000000e+00 : f32
    %sub3A_50 = vector.broadcast %sub3A : f32 to vector<1000x128xf32>
    %sub3A_51 = arith.subf %sub3A_50, %logistic3A_46 : vector<1000x128xf32>
    %mul3A_52 = arith.mulf %sub3A_51, %tanh3A : vector<1000x128xf32>
    %mul3A_53 = arith.mulf %logistic3A_46, %get3A_1 : vector<1000x128xf32>
    %add3A_54 = arith.addf %mul3A_52, %mul3A_53 : vector<1000x128xf32>
    %swap3A = arith.constant 0 : index
    %swap3A_55 = arith.constant 0 : index
    %swap3A_56 = vector.load %arg8[%swap3A, %swap3A_55] : memref<1000x128xf32, #tpu.memory_space<vmem>>, vector<1000x128xf32>
    tpu.vector_store %arg8[%swap3A, %swap3A_55], %add3A_54 {strides = array<i32>} : memref<1000x128xf32, #tpu.memory_space<vmem>>, vector<1000x128xf32>,
    %get3A_57 = arith.constant 0 : index
    %get3A_58 = arith.constant 0 : index
    %get3A_59 = vector.load %arg7[%get3A_57, %get3A_58] : memref<128x128xf32, #tpu.memory_space<vmem>>, vector<128x128xf32>
    %dot_general3A_60 = arith.constant dense<0.000000e+00> : vector<1000x128xf32>
    %dot_general3A_61 = tpu.matmul %add3A_54, %get3A_59, %dot_general3A_60 {dimension_numbers = #tpu.dot_dimension_numbers<[1], [0], [0], [1], [0, 0, 1, 1], [], []>, transpose_lhs_hint = false} : vector<1000x128xf32>, vector<128x128xf32>, vector<1000x128xf32> -> vector<1000x128xf32>
    %swap3A_62 = arith.constant 0 : index
    %swap3A_63 = arith.constant 0 : index
    %swap3A_64 = vector.load %arg9[%swap3A_62, %swap3A_63] : memref<1000x128xf32, #tpu.memory_space<vmem>>, vector<1000x128xf32>
    tpu.vector_store %arg9[%swap3A_62, %swap3A_63], %dot_general3A_61 {strides = array<i32>} : memref<1000x128xf32, #tpu.memory_space<vmem>>, vector<1000x128xf32>,
    return
  }
  func.func @transform_0(%arg0: i32) -> (i32, i32) {
    %c0_i32 = arith.constant 0 : i32
    %c0_i32_0 = arith.constant 0 : i32
    return %arg0, %c0_i32 : i32, i32
  }
  func.func @transform_1(%arg0: i32) -> (i32, i32, i32) {
    %c0_i32 = arith.constant 0 : i32
    %c0_i32_0 = arith.constant 0 : i32
    %c0_i32_1 = arith.constant 0 : i32
    return %c0_i32, %arg0, %c0_i32_0 : i32, i32, i32
  }
  func.func @transform_2(%arg0: i32) -> (i32, i32) {
    %c0_i32 = arith.constant 0 : i32
    %c0_i32_0 = arith.constant 0 : i32
    %c0_i32_1 = arith.constant 0 : i32
    return %c0_i32, %c0_i32_0 : i32, i32
  }
  func.func @transform_3(%arg0: i32) -> (i32, i32) {
    %c0_i32 = arith.constant 0 : i32
    %c0_i32_0 = arith.constant 0 : i32
    %c0_i32_1 = arith.constant 0 : i32
    return %c0_i32, %c0_i32_0 : i32, i32
  }
  func.func @transform_4(%arg0: i32) -> (i32, i32) {
    %c0_i32 = arith.constant 0 : i32
    %c0_i32_0 = arith.constant 0 : i32
    %c0_i32_1 = arith.constant 0 : i32
    return %c0_i32, %c0_i32_0 : i32, i32
  }
  func.func @transform_5(%arg0: i32) -> (i32, i32) {
    %c0_i32 = arith.constant 0 : i32
    %c0_i32_0 = arith.constant 0 : i32
    %c0_i32_1 = arith.constant 0 : i32
    return %c0_i32, %c0_i32_0 : i32, i32
  }
  func.func @transform_6(%arg0: i32) -> (i32, i32) {
    %c0_i32 = arith.constant 0 : i32
    %c0_i32_0 = arith.constant 0 : i32
    %c0_i32_1 = arith.constant 0 : i32
    return %c0_i32, %c0_i32_0 : i32, i32
  }
  func.func @transform_7(%arg0: i32) -> (i32, i32) {
    %c0_i32 = arith.constant 0 : i32
    %c0_i32_0 = arith.constant 0 : i32
    return %arg0, %c0_i32 : i32, i32
  }
  func.func @transform_8(%arg0: i32) -> (i32, i32) {
    %c0_i32 = arith.constant 0 : i32
    %c0_i32_0 = arith.constant 0 : i32
    return %arg0, %c0_i32 : i32, i32
  }
}

module attributes {stable_mosaic.version = 14 : i64} {
  func.func @_head_body(%arg0: i32, %arg1: memref<1x256x200xf32, #tpu.memory_space<vmem>>, %arg2: memref<1x128x200xf32, #tpu.memory_space<vmem>>, %arg3: memref<3x200x100xf32, #tpu.memory_space<vmem>>, %arg4: memref<1x100xf32, #tpu.memory_space<vmem>>, %arg5: memref<3x126x254xf32, #tpu.memory_space<vmem>>, %arg6: memref<100x50xf32, #tpu.memory_space<vmem>>, %arg7: memref<1x50xf32, #tpu.memory_space<vmem>>, %arg8: memref<2x63x126xf32, #tpu.memory_space<vmem>>, %arg9: memref<3x50x1xf32, #tpu.memory_space<vmem>>, %arg10: memref<1x1xf32, #tpu.memory_space<vmem>>, %arg11: memref<31x61xf32, #tpu.memory_space<vmem>>, %arg12: memref<1x31xf32, #tpu.memory_space<vmem>>, %arg13: memref<1x1xf32, #tpu.memory_space<vmem>>, %arg14: memref<3x200x100xf32, #tpu.memory_space<vmem>>, %arg15: memref<1x100xf32, #tpu.memory_space<vmem>>, %arg16: memref<3x62x126xf32, #tpu.memory_space<vmem>>, %arg17: memref<100x50xf32, #tpu.memory_space<vmem>>, %arg18: memref<1x50xf32, #tpu.memory_space<vmem>>, %arg19: memref<2x31x62xf32, #tpu.memory_space<vmem>>, %arg20: memref<3x50x1xf32, #tpu.memory_space<vmem>>, %arg21: memref<1x1xf32, #tpu.memory_space<vmem>>, %arg22: memref<15x29xf32, #tpu.memory_space<vmem>>, %arg23: memref<1x15xf32, #tpu.memory_space<vmem>>, %arg24: memref<1x1xf32, #tpu.memory_space<vmem>>, %arg25: memref<1x1x128xf32, #tpu.memory_space<vmem>>) attributes {dimension_semantics = [#tpu.dimension_semantics<arbitrary>], iteration_bounds = array<i64: 50>, scalar_prefetch = 0 : i64, scratch_operands = 0 : i64, tpu.core_type = #tpu.core_type<tc>, window_params = [{transform_indices = @transform_0, window_bounds = array<i64: 1, 256, 200>}, {transform_indices = @transform_1, window_bounds = array<i64: 1, 128, 200>}, {pipeline_mode = #tpu.pipeline_mode<synchronous>, transform_indices = @transform_2, window_bounds = array<i64: 3, 200, 100>}, {pipeline_mode = #tpu.pipeline_mode<synchronous>, transform_indices = @transform_3, window_bounds = array<i64: 1, 100>}, {pipeline_mode = #tpu.pipeline_mode<synchronous>, transform_indices = @transform_4, window_bounds = array<i64: 3, 126, 254>}, {pipeline_mode = #tpu.pipeline_mode<synchronous>, transform_indices = @transform_5, window_bounds = array<i64: 100, 50>}, {pipeline_mode = #tpu.pipeline_mode<synchronous>, transform_indices = @transform_6, window_bounds = array<i64: 1, 50>}, {pipeline_mode = #tpu.pipeline_mode<synchronous>, transform_indices = @transform_7, window_bounds = array<i64: 2, 63, 126>}, {pipeline_mode = #tpu.pipeline_mode<synchronous>, transform_indices = @transform_8, window_bounds = array<i64: 3, 50, 1>}, {pipeline_mode = #tpu.pipeline_mode<synchronous>, transform_indices = @transform_9, window_bounds = array<i64: 1, 1>}, {pipeline_mode = #tpu.pipeline_mode<synchronous>, transform_indices = @transform_10, window_bounds = array<i64: 31, 61>}, {pipeline_mode = #tpu.pipeline_mode<synchronous>, transform_indices = @transform_11, window_bounds = array<i64: 1, 31>}, {pipeline_mode = #tpu.pipeline_mode<synchronous>, transform_indices = @transform_12, window_bounds = array<i64: 1, 1>}, {pipeline_mode = #tpu.pipeline_mode<synchronous>, transform_indices = @transform_13, window_bounds = array<i64: 3, 200, 100>}, {pipeline_mode = #tpu.pipeline_mode<synchronous>, transform_indices = @transform_14, window_bounds = array<i64: 1, 100>}, {pipeline_mode = #tpu.pipeline_mode<synchronous>, transform_indices = @transform_15, window_bounds = array<i64: 3, 62, 126>}, {pipeline_mode = #tpu.pipeline_mode<synchronous>, transform_indices = @transform_16, window_bounds = array<i64: 100, 50>}, {pipeline_mode = #tpu.pipeline_mode<synchronous>, transform_indices = @transform_17, window_bounds = array<i64: 1, 50>}, {pipeline_mode = #tpu.pipeline_mode<synchronous>, transform_indices = @transform_18, window_bounds = array<i64: 2, 31, 62>}, {pipeline_mode = #tpu.pipeline_mode<synchronous>, transform_indices = @transform_19, window_bounds = array<i64: 3, 50, 1>}, {pipeline_mode = #tpu.pipeline_mode<synchronous>, transform_indices = @transform_20, window_bounds = array<i64: 1, 1>}, {pipeline_mode = #tpu.pipeline_mode<synchronous>, transform_indices = @transform_21, window_bounds = array<i64: 15, 29>}, {pipeline_mode = #tpu.pipeline_mode<synchronous>, transform_indices = @transform_22, window_bounds = array<i64: 1, 15>}, {pipeline_mode = #tpu.pipeline_mode<synchronous>, transform_indices = @transform_23, window_bounds = array<i64: 1, 1>}, {transform_indices = @transform_24, window_bounds = array<i64: 1, 1, 128>}]} {
    %get3A = arith.constant 0 : index
    %get3A_0 = arith.constant 0 : index
    %get3A_1 = arith.constant 0 : index
    %get3A_2 = vector.load %arg1[%get3A, %get3A_0, %get3A_1] : memref<1x256x200xf32, #tpu.memory_space<vmem>>, vector<1x256x200xf32>
    %get3A_3 = vector.shape_cast %get3A_2 : vector<1x256x200xf32> to vector<256x200xf32>
    %get3A_4 = arith.constant 0 : index
    %get3A_5 = arith.constant 0 : index
    %get3A_6 = arith.constant 0 : index
    %get3A_7 = vector.load %arg3[%get3A_4, %get3A_5, %get3A_6] : memref<3x200x100xf32, #tpu.memory_space<vmem>>, vector<3x200x100xf32>
    %get3A_8 = arith.constant 0 : index
    %get3A_9 = arith.constant 0 : index
    %get3A_10 = vector.load %arg4[%get3A_8, %get3A_9] : memref<1x100xf32, #tpu.memory_space<vmem>>, vector<1x100xf32>
    %get3A_11 = arith.constant 0 : index
    %get3A_12 = arith.constant 0 : index
    %get3A_13 = arith.constant 0 : index
    %get3A_14 = vector.load %arg5[%get3A_11, %get3A_12, %get3A_13] : memref<3x126x254xf32, #tpu.memory_space<vmem>>, vector<3x126x254xf32>
    %get3A_15 = arith.constant 0 : index
    %get3A_16 = arith.constant 0 : index
    %get3A_17 = vector.load %arg6[%get3A_15, %get3A_16] : memref<100x50xf32, #tpu.memory_space<vmem>>, vector<100x50xf32>
    %get3A_18 = arith.constant 0 : index
    %get3A_19 = arith.constant 0 : index
    %get3A_20 = vector.load %arg7[%get3A_18, %get3A_19] : memref<1x50xf32, #tpu.memory_space<vmem>>, vector<1x50xf32>
    %get3A_21 = arith.constant 0 : index
    %get3A_22 = arith.constant 0 : index
    %get3A_23 = arith.constant 0 : index
    %get3A_24 = vector.load %arg8[%get3A_21, %get3A_22, %get3A_23] : memref<2x63x126xf32, #tpu.memory_space<vmem>>, vector<2x63x126xf32>
    %get3A_25 = arith.constant 0 : index
    %get3A_26 = arith.constant 0 : index
    %get3A_27 = arith.constant 0 : index
    %get3A_28 = vector.load %arg9[%get3A_25, %get3A_26, %get3A_27] : memref<3x50x1xf32, #tpu.memory_space<vmem>>, vector<3x50x1xf32>
    %get3A_29 = arith.constant 0 : index
    %get3A_30 = arith.constant 0 : index
    %get3A_31 = vector.load %arg10[%get3A_29, %get3A_30] : memref<1x1xf32, #tpu.memory_space<vmem>>, vector<1x1xf32>
    %get3A_32 = arith.constant 0 : index
    %get3A_33 = arith.constant 0 : index
    %get3A_34 = vector.load %arg11[%get3A_32, %get3A_33] : memref<31x61xf32, #tpu.memory_space<vmem>>, vector<31x61xf32>
    %slice3A = vector.extract_strided_slice %get3A_3 {offsets = [0, 0], sizes = [254, 200], strides = [1, 1]} : vector<256x200xf32> to vector<254x200xf32>
    %slice3A_35 = vector.extract_strided_slice %get3A_7 {offsets = [0, 0, 0], sizes = [1, 200, 100], strides = [1, 1, 1]} : vector<3x200x100xf32> to vector<1x200x100xf32>
    %squeeze3A = vector.shape_cast %slice3A_35 : vector<1x200x100xf32> to vector<200x100xf32>
    %dot_general3A = arith.constant dense<0.000000e+00> : vector<254x100xf32>
    %dot_general3A_36 = tpu.matmul %slice3A, %squeeze3A, %dot_general3A {dimension_numbers = #tpu.dot_dimension_numbers<[1], [0], [0], [1], [0, 0, 1, 1], [], []>, transpose_lhs_hint = false} : vector<254x200xf32>, vector<200x100xf32>, vector<254x100xf32> -> vector<254x100xf32>
    %slice3A_37 = vector.extract_strided_slice %get3A_3 {offsets = [1, 0], sizes = [254, 200], strides = [1, 1]} : vector<256x200xf32> to vector<254x200xf32>
    %slice3A_38 = vector.extract_strided_slice %get3A_7 {offsets = [1, 0, 0], sizes = [1, 200, 100], strides = [1, 1, 1]} : vector<3x200x100xf32> to vector<1x200x100xf32>
    %squeeze3A_39 = vector.shape_cast %slice3A_38 : vector<1x200x100xf32> to vector<200x100xf32>
    %dot_general3A_40 = arith.constant dense<0.000000e+00> : vector<254x100xf32>
    %dot_general3A_41 = tpu.matmul %slice3A_37, %squeeze3A_39, %dot_general3A_40 {dimension_numbers = #tpu.dot_dimension_numbers<[1], [0], [0], [1], [0, 0, 1, 1], [], []>, transpose_lhs_hint = false} : vector<254x200xf32>, vector<200x100xf32>, vector<254x100xf32> -> vector<254x100xf32>
    %add3A = arith.addf %dot_general3A_36, %dot_general3A_41 : vector<254x100xf32>
    %slice3A_42 = vector.extract_strided_slice %get3A_3 {offsets = [2, 0], sizes = [254, 200], strides = [1, 1]} : vector<256x200xf32> to vector<254x200xf32>
    %slice3A_43 = vector.extract_strided_slice %get3A_7 {offsets = [2, 0, 0], sizes = [1, 200, 100], strides = [1, 1, 1]} : vector<3x200x100xf32> to vector<1x200x100xf32>
    %squeeze3A_44 = vector.shape_cast %slice3A_43 : vector<1x200x100xf32> to vector<200x100xf32>
    %dot_general3A_45 = arith.constant dense<0.000000e+00> : vector<254x100xf32>
    %dot_general3A_46 = tpu.matmul %slice3A_42, %squeeze3A_44, %dot_general3A_45 {dimension_numbers = #tpu.dot_dimension_numbers<[1], [0], [0], [1], [0, 0, 1, 1], [], []>, transpose_lhs_hint = false} : vector<254x200xf32>, vector<200x100xf32>, vector<254x100xf32> -> vector<254x100xf32>
    %add3A_47 = arith.addf %add3A, %dot_general3A_46 : vector<254x100xf32>
    %add3A_48 = vector.broadcast %get3A_10 : vector<1x100xf32> to vector<254x100xf32>
    %add3A_49 = arith.addf %add3A_47, %add3A_48 : vector<254x100xf32>
    %max3A = arith.constant 0.000000e+00 : f32
    %max3A_50 = vector.broadcast %max3A : f32 to vector<254x100xf32>
    %max3A_51 = arith.maximumf %add3A_49, %max3A_50 : vector<254x100xf32>
    %slice3A_52 = vector.extract_strided_slice %get3A_14 {offsets = [0, 0, 0], sizes = [1, 126, 254], strides = [1, 1, 1]} : vector<3x126x254xf32> to vector<1x126x254xf32>
    %squeeze3A_53 = vector.shape_cast %slice3A_52 : vector<1x126x254xf32> to vector<126x254xf32>
    %dot_general3A_54 = arith.constant dense<0.000000e+00> : vector<126x100xf32>
    %dot_general3A_55 = tpu.matmul %squeeze3A_53, %max3A_51, %dot_general3A_54 {dimension_numbers = #tpu.dot_dimension_numbers<[1], [0], [0], [1], [0, 0, 1, 1], [], []>, transpose_lhs_hint = false} : vector<126x254xf32>, vector<254x100xf32>, vector<126x100xf32> -> vector<126x100xf32>
    %slice3A_56 = vector.extract_strided_slice %get3A_14 {offsets = [1, 0, 0], sizes = [1, 126, 254], strides = [1, 1, 1]} : vector<3x126x254xf32> to vector<1x126x254xf32>
    %squeeze3A_57 = vector.shape_cast %slice3A_56 : vector<1x126x254xf32> to vector<126x254xf32>
    %dot_general3A_58 = arith.constant dense<0.000000e+00> : vector<126x100xf32>
    %dot_general3A_59 = tpu.matmul %squeeze3A_57, %max3A_51, %dot_general3A_58 {dimension_numbers = #tpu.dot_dimension_numbers<[1], [0], [0], [1], [0, 0, 1, 1], [], []>, transpose_lhs_hint = false} : vector<126x254xf32>, vector<254x100xf32>, vector<126x100xf32> -> vector<126x100xf32>
    %max3A_60 = arith.maximumf %dot_general3A_55, %dot_general3A_59 : vector<126x100xf32>
    %slice3A_61 = vector.extract_strided_slice %get3A_14 {offsets = [2, 0, 0], sizes = [1, 126, 254], strides = [1, 1, 1]} : vector<3x126x254xf32> to vector<1x126x254xf32>
    %squeeze3A_62 = vector.shape_cast %slice3A_61 : vector<1x126x254xf32> to vector<126x254xf32>
    %dot_general3A_63 = arith.constant dense<0.000000e+00> : vector<126x100xf32>
    %dot_general3A_64 = tpu.matmul %squeeze3A_62, %max3A_51, %dot_general3A_63 {dimension_numbers = #tpu.dot_dimension_numbers<[1], [0], [0], [1], [0, 0, 1, 1], [], []>, transpose_lhs_hint = false} : vector<126x254xf32>, vector<254x100xf32>, vector<126x100xf32> -> vector<126x100xf32>
    %max3A_65 = arith.maximumf %max3A_60, %dot_general3A_64 : vector<126x100xf32>
    %dot_general3A_66 = arith.constant dense<0.000000e+00> : vector<126x50xf32>
    %dot_general3A_67 = tpu.matmul %max3A_65, %get3A_17, %dot_general3A_66 {dimension_numbers = #tpu.dot_dimension_numbers<[1], [0], [0], [1], [0, 0, 1, 1], [], []>, transpose_lhs_hint = false} : vector<126x100xf32>, vector<100x50xf32>, vector<126x50xf32> -> vector<126x50xf32>
    %add3A_68 = vector.broadcast %get3A_20 : vector<1x50xf32> to vector<126x50xf32>
    %add3A_69 = arith.addf %dot_general3A_67, %add3A_68 : vector<126x50xf32>
    %max3A_70 = arith.constant 0.000000e+00 : f32
    %max3A_71 = vector.broadcast %max3A_70 : f32 to vector<126x50xf32>
    %max3A_72 = arith.maximumf %add3A_69, %max3A_71 : vector<126x50xf32>
    %slice3A_73 = vector.extract_strided_slice %get3A_24 {offsets = [0, 0, 0], sizes = [1, 63, 126], strides = [1, 1, 1]} : vector<2x63x126xf32> to vector<1x63x126xf32>
    %squeeze3A_74 = vector.shape_cast %slice3A_73 : vector<1x63x126xf32> to vector<63x126xf32>
    %dot_general3A_75 = arith.constant dense<0.000000e+00> : vector<63x50xf32>
    %dot_general3A_76 = tpu.matmul %squeeze3A_74, %max3A_72, %dot_general3A_75 {dimension_numbers = #tpu.dot_dimension_numbers<[1], [0], [0], [1], [0, 0, 1, 1], [], []>, transpose_lhs_hint = false} : vector<63x126xf32>, vector<126x50xf32>, vector<63x50xf32> -> vector<63x50xf32>
    %slice3A_77 = vector.extract_strided_slice %get3A_24 {offsets = [1, 0, 0], sizes = [1, 63, 126], strides = [1, 1, 1]} : vector<2x63x126xf32> to vector<1x63x126xf32>
    %squeeze3A_78 = vector.shape_cast %slice3A_77 : vector<1x63x126xf32> to vector<63x126xf32>
    %dot_general3A_79 = arith.constant dense<0.000000e+00> : vector<63x50xf32>
    %dot_general3A_80 = tpu.matmul %squeeze3A_78, %max3A_72, %dot_general3A_79 {dimension_numbers = #tpu.dot_dimension_numbers<[1], [0], [0], [1], [0, 0, 1, 1], [], []>, transpose_lhs_hint = false} : vector<63x126xf32>, vector<126x50xf32>, vector<63x50xf32> -> vector<63x50xf32>
    %max3A_81 = arith.maximumf %dot_general3A_76, %dot_general3A_80 : vector<63x50xf32>
    %slice3A_82 = vector.extract_strided_slice %max3A_81 {offsets = [0, 0], sizes = [61, 50], strides = [1, 1]} : vector<63x50xf32> to vector<61x50xf32>
    %slice3A_83 = vector.extract_strided_slice %get3A_28 {offsets = [0, 0, 0], sizes = [1, 50, 1], strides = [1, 1, 1]} : vector<3x50x1xf32> to vector<1x50x1xf32>
    %squeeze3A_84 = vector.shape_cast %slice3A_83 : vector<1x50x1xf32> to vector<50x1xf32>
    %dot_general3A_85 = arith.constant dense<0.000000e+00> : vector<61x1xf32>
    %dot_general3A_86 = tpu.matmul %slice3A_82, %squeeze3A_84, %dot_general3A_85 {dimension_numbers = #tpu.dot_dimension_numbers<[1], [0], [0], [1], [0, 0, 1, 1], [], []>, transpose_lhs_hint = false} : vector<61x50xf32>, vector<50x1xf32>, vector<61x1xf32> -> vector<61x1xf32>
    %slice3A_87 = vector.extract_strided_slice %max3A_81 {offsets = [1, 0], sizes = [61, 50], strides = [1, 1]} : vector<63x50xf32> to vector<61x50xf32>
    %slice3A_88 = vector.extract_strided_slice %get3A_28 {offsets = [1, 0, 0], sizes = [1, 50, 1], strides = [1, 1, 1]} : vector<3x50x1xf32> to vector<1x50x1xf32>
    %squeeze3A_89 = vector.shape_cast %slice3A_88 : vector<1x50x1xf32> to vector<50x1xf32>
    %dot_general3A_90 = arith.constant dense<0.000000e+00> : vector<61x1xf32>
    %dot_general3A_91 = tpu.matmul %slice3A_87, %squeeze3A_89, %dot_general3A_90 {dimension_numbers = #tpu.dot_dimension_numbers<[1], [0], [0], [1], [0, 0, 1, 1], [], []>, transpose_lhs_hint = false} : vector<61x50xf32>, vector<50x1xf32>, vector<61x1xf32> -> vector<61x1xf32>
    %add3A_92 = arith.addf %dot_general3A_86, %dot_general3A_91 : vector<61x1xf32>
    %slice3A_93 = vector.extract_strided_slice %max3A_81 {offsets = [2, 0], sizes = [61, 50], strides = [1, 1]} : vector<63x50xf32> to vector<61x50xf32>
    %slice3A_94 = vector.extract_strided_slice %get3A_28 {offsets = [2, 0, 0], sizes = [1, 50, 1], strides = [1, 1, 1]} : vector<3x50x1xf32> to vector<1x50x1xf32>
    %squeeze3A_95 = vector.shape_cast %slice3A_94 : vector<1x50x1xf32> to vector<50x1xf32>
    %dot_general3A_96 = arith.constant dense<0.000000e+00> : vector<61x1xf32>
    %dot_general3A_97 = tpu.matmul %slice3A_93, %squeeze3A_95, %dot_general3A_96 {dimension_numbers = #tpu.dot_dimension_numbers<[1], [0], [0], [1], [0, 0, 1, 1], [], []>, transpose_lhs_hint = false} : vector<61x50xf32>, vector<50x1xf32>, vector<61x1xf32> -> vector<61x1xf32>
    %add3A_98 = arith.addf %add3A_92, %dot_general3A_97 : vector<61x1xf32>
    %add3A_99 = vector.broadcast %get3A_31 : vector<1x1xf32> to vector<61x1xf32>
    %add3A_100 = arith.addf %add3A_98, %add3A_99 : vector<61x1xf32>
    %max3A_101 = arith.constant 0.000000e+00 : f32
    %max3A_102 = vector.broadcast %max3A_101 : f32 to vector<61x1xf32>
    %max3A_103 = arith.maximumf %add3A_100, %max3A_102 : vector<61x1xf32>
    %dot_general3A_104 = arith.constant dense<0.000000e+00> : vector<31x1xf32>
    %dot_general3A_105 = tpu.matmul %get3A_34, %max3A_103, %dot_general3A_104 {dimension_numbers = #tpu.dot_dimension_numbers<[1], [0], [0], [1], [0, 0, 1, 1], [], []>, transpose_lhs_hint = false} : vector<31x61xf32>, vector<61x1xf32>, vector<31x1xf32> -> vector<31x1xf32>
    %get3A_106 = arith.constant 0 : index
    %get3A_107 = arith.constant 0 : index
    %get3A_108 = arith.constant 0 : index
    %get3A_109 = vector.load %arg2[%get3A_106, %get3A_107, %get3A_108] : memref<1x128x200xf32, #tpu.memory_space<vmem>>, vector<1x128x200xf32>
    %get3A_110 = vector.shape_cast %get3A_109 : vector<1x128x200xf32> to vector<128x200xf32>
    %get3A_111 = arith.constant 0 : index
    %get3A_112 = arith.constant 0 : index
    %get3A_113 = arith.constant 0 : index
    %get3A_114 = vector.load %arg14[%get3A_111, %get3A_112, %get3A_113] : memref<3x200x100xf32, #tpu.memory_space<vmem>>, vector<3x200x100xf32>
    %get3A_115 = arith.constant 0 : index
    %get3A_116 = arith.constant 0 : index
    %get3A_117 = vector.load %arg15[%get3A_115, %get3A_116] : memref<1x100xf32, #tpu.memory_space<vmem>>, vector<1x100xf32>
    %get3A_118 = arith.constant 0 : index
    %get3A_119 = arith.constant 0 : index
    %get3A_120 = arith.constant 0 : index
    %get3A_121 = vector.load %arg16[%get3A_118, %get3A_119, %get3A_120] : memref<3x62x126xf32, #tpu.memory_space<vmem>>, vector<3x62x126xf32>
    %get3A_122 = arith.constant 0 : index
    %get3A_123 = arith.constant 0 : index
    %get3A_124 = vector.load %arg17[%get3A_122, %get3A_123] : memref<100x50xf32, #tpu.memory_space<vmem>>, vector<100x50xf32>
    %get3A_125 = arith.constant 0 : index
    %get3A_126 = arith.constant 0 : index
    %get3A_127 = vector.load %arg18[%get3A_125, %get3A_126] : memref<1x50xf32, #tpu.memory_space<vmem>>, vector<1x50xf32>
    %get3A_128 = arith.constant 0 : index
    %get3A_129 = arith.constant 0 : index
    %get3A_130 = arith.constant 0 : index
    %get3A_131 = vector.load %arg19[%get3A_128, %get3A_129, %get3A_130] : memref<2x31x62xf32, #tpu.memory_space<vmem>>, vector<2x31x62xf32>
    %get3A_132 = arith.constant 0 : index
    %get3A_133 = arith.constant 0 : index
    %get3A_134 = arith.constant 0 : index
    %get3A_135 = vector.load %arg20[%get3A_132, %get3A_133, %get3A_134] : memref<3x50x1xf32, #tpu.memory_space<vmem>>, vector<3x50x1xf32>
    %get3A_136 = arith.constant 0 : index
    %get3A_137 = arith.constant 0 : index
    %get3A_138 = vector.load %arg21[%get3A_136, %get3A_137] : memref<1x1xf32, #tpu.memory_space<vmem>>, vector<1x1xf32>
    %get3A_139 = arith.constant 0 : index
    %get3A_140 = arith.constant 0 : index
    %get3A_141 = vector.load %arg22[%get3A_139, %get3A_140] : memref<15x29xf32, #tpu.memory_space<vmem>>, vector<15x29xf32>
    %slice3A_142 = vector.extract_strided_slice %get3A_110 {offsets = [0, 0], sizes = [126, 200], strides = [1, 1]} : vector<128x200xf32> to vector<126x200xf32>
    %slice3A_143 = vector.extract_strided_slice %get3A_114 {offsets = [0, 0, 0], sizes = [1, 200, 100], strides = [1, 1, 1]} : vector<3x200x100xf32> to vector<1x200x100xf32>
    %squeeze3A_144 = vector.shape_cast %slice3A_143 : vector<1x200x100xf32> to vector<200x100xf32>
    %dot_general3A_145 = arith.constant dense<0.000000e+00> : vector<126x100xf32>
    %dot_general3A_146 = tpu.matmul %slice3A_142, %squeeze3A_144, %dot_general3A_145 {dimension_numbers = #tpu.dot_dimension_numbers<[1], [0], [0], [1], [0, 0, 1, 1], [], []>, transpose_lhs_hint = false} : vector<126x200xf32>, vector<200x100xf32>, vector<126x100xf32> -> vector<126x100xf32>
    %slice3A_147 = vector.extract_strided_slice %get3A_110 {offsets = [1, 0], sizes = [126, 200], strides = [1, 1]} : vector<128x200xf32> to vector<126x200xf32>
    %slice3A_148 = vector.extract_strided_slice %get3A_114 {offsets = [1, 0, 0], sizes = [1, 200, 100], strides = [1, 1, 1]} : vector<3x200x100xf32> to vector<1x200x100xf32>
    %squeeze3A_149 = vector.shape_cast %slice3A_148 : vector<1x200x100xf32> to vector<200x100xf32>
    %dot_general3A_150 = arith.constant dense<0.000000e+00> : vector<126x100xf32>
    %dot_general3A_151 = tpu.matmul %slice3A_147, %squeeze3A_149, %dot_general3A_150 {dimension_numbers = #tpu.dot_dimension_numbers<[1], [0], [0], [1], [0, 0, 1, 1], [], []>, transpose_lhs_hint = false} : vector<126x200xf32>, vector<200x100xf32>, vector<126x100xf32> -> vector<126x100xf32>
    %add3A_152 = arith.addf %dot_general3A_146, %dot_general3A_151 : vector<126x100xf32>
    %slice3A_153 = vector.extract_strided_slice %get3A_110 {offsets = [2, 0], sizes = [126, 200], strides = [1, 1]} : vector<128x200xf32> to vector<126x200xf32>
    %slice3A_154 = vector.extract_strided_slice %get3A_114 {offsets = [2, 0, 0], sizes = [1, 200, 100], strides = [1, 1, 1]} : vector<3x200x100xf32> to vector<1x200x100xf32>
    %squeeze3A_155 = vector.shape_cast %slice3A_154 : vector<1x200x100xf32> to vector<200x100xf32>
    %dot_general3A_156 = arith.constant dense<0.000000e+00> : vector<126x100xf32>
    %dot_general3A_157 = tpu.matmul %slice3A_153, %squeeze3A_155, %dot_general3A_156 {dimension_numbers = #tpu.dot_dimension_numbers<[1], [0], [0], [1], [0, 0, 1, 1], [], []>, transpose_lhs_hint = false} : vector<126x200xf32>, vector<200x100xf32>, vector<126x100xf32> -> vector<126x100xf32>
    %add3A_158 = arith.addf %add3A_152, %dot_general3A_157 : vector<126x100xf32>
    %add3A_159 = vector.broadcast %get3A_117 : vector<1x100xf32> to vector<126x100xf32>
    %add3A_160 = arith.addf %add3A_158, %add3A_159 : vector<126x100xf32>
    %max3A_161 = arith.constant 0.000000e+00 : f32
    %max3A_162 = vector.broadcast %max3A_161 : f32 to vector<126x100xf32>
    %max3A_163 = arith.maximumf %add3A_160, %max3A_162 : vector<126x100xf32>
    %slice3A_164 = vector.extract_strided_slice %get3A_121 {offsets = [0, 0, 0], sizes = [1, 62, 126], strides = [1, 1, 1]} : vector<3x62x126xf32> to vector<1x62x126xf32>
    %squeeze3A_165 = vector.shape_cast %slice3A_164 : vector<1x62x126xf32> to vector<62x126xf32>
    %dot_general3A_166 = arith.constant dense<0.000000e+00> : vector<62x100xf32>
    %dot_general3A_167 = tpu.matmul %squeeze3A_165, %max3A_163, %dot_general3A_166 {dimension_numbers = #tpu.dot_dimension_numbers<[1], [0], [0], [1], [0, 0, 1, 1], [], []>, transpose_lhs_hint = false} : vector<62x126xf32>, vector<126x100xf32>, vector<62x100xf32> -> vector<62x100xf32>
    %slice3A_168 = vector.extract_strided_slice %get3A_121 {offsets = [1, 0, 0], sizes = [1, 62, 126], strides = [1, 1, 1]} : vector<3x62x126xf32> to vector<1x62x126xf32>
    %squeeze3A_169 = vector.shape_cast %slice3A_168 : vector<1x62x126xf32> to vector<62x126xf32>
    %dot_general3A_170 = arith.constant dense<0.000000e+00> : vector<62x100xf32>
    %dot_general3A_171 = tpu.matmul %squeeze3A_169, %max3A_163, %dot_general3A_170 {dimension_numbers = #tpu.dot_dimension_numbers<[1], [0], [0], [1], [0, 0, 1, 1], [], []>, transpose_lhs_hint = false} : vector<62x126xf32>, vector<126x100xf32>, vector<62x100xf32> -> vector<62x100xf32>
    %max3A_172 = arith.maximumf %dot_general3A_167, %dot_general3A_171 : vector<62x100xf32>
    %slice3A_173 = vector.extract_strided_slice %get3A_121 {offsets = [2, 0, 0], sizes = [1, 62, 126], strides = [1, 1, 1]} : vector<3x62x126xf32> to vector<1x62x126xf32>
    %squeeze3A_174 = vector.shape_cast %slice3A_173 : vector<1x62x126xf32> to vector<62x126xf32>
    %dot_general3A_175 = arith.constant dense<0.000000e+00> : vector<62x100xf32>
    %dot_general3A_176 = tpu.matmul %squeeze3A_174, %max3A_163, %dot_general3A_175 {dimension_numbers = #tpu.dot_dimension_numbers<[1], [0], [0], [1], [0, 0, 1, 1], [], []>, transpose_lhs_hint = false} : vector<62x126xf32>, vector<126x100xf32>, vector<62x100xf32> -> vector<62x100xf32>
    %max3A_177 = arith.maximumf %max3A_172, %dot_general3A_176 : vector<62x100xf32>
    %dot_general3A_178 = arith.constant dense<0.000000e+00> : vector<62x50xf32>
    %dot_general3A_179 = tpu.matmul %max3A_177, %get3A_124, %dot_general3A_178 {dimension_numbers = #tpu.dot_dimension_numbers<[1], [0], [0], [1], [0, 0, 1, 1], [], []>, transpose_lhs_hint = false} : vector<62x100xf32>, vector<100x50xf32>, vector<62x50xf32> -> vector<62x50xf32>
    %add3A_180 = vector.broadcast %get3A_127 : vector<1x50xf32> to vector<62x50xf32>
    %add3A_181 = arith.addf %dot_general3A_179, %add3A_180 : vector<62x50xf32>
    %max3A_182 = arith.constant 0.000000e+00 : f32
    %max3A_183 = vector.broadcast %max3A_182 : f32 to vector<62x50xf32>
    %max3A_184 = arith.maximumf %add3A_181, %max3A_183 : vector<62x50xf32>
    %slice3A_185 = vector.extract_strided_slice %get3A_131 {offsets = [0, 0, 0], sizes = [1, 31, 62], strides = [1, 1, 1]} : vector<2x31x62xf32> to vector<1x31x62xf32>
    %squeeze3A_186 = vector.shape_cast %slice3A_185 : vector<1x31x62xf32> to vector<31x62xf32>
    %dot_general3A_187 = arith.constant dense<0.000000e+00> : vector<31x50xf32>
    %dot_general3A_188 = tpu.matmul %squeeze3A_186, %max3A_184, %dot_general3A_187 {dimension_numbers = #tpu.dot_dimension_numbers<[1], [0], [0], [1], [0, 0, 1, 1], [], []>, transpose_lhs_hint = false} : vector<31x62xf32>, vector<62x50xf32>, vector<31x50xf32> -> vector<31x50xf32>
    %slice3A_189 = vector.extract_strided_slice %get3A_131 {offsets = [1, 0, 0], sizes = [1, 31, 62], strides = [1, 1, 1]} : vector<2x31x62xf32> to vector<1x31x62xf32>
    %squeeze3A_190 = vector.shape_cast %slice3A_189 : vector<1x31x62xf32> to vector<31x62xf32>
    %dot_general3A_191 = arith.constant dense<0.000000e+00> : vector<31x50xf32>
    %dot_general3A_192 = tpu.matmul %squeeze3A_190, %max3A_184, %dot_general3A_191 {dimension_numbers = #tpu.dot_dimension_numbers<[1], [0], [0], [1], [0, 0, 1, 1], [], []>, transpose_lhs_hint = false} : vector<31x62xf32>, vector<62x50xf32>, vector<31x50xf32> -> vector<31x50xf32>
    %max3A_193 = arith.maximumf %dot_general3A_188, %dot_general3A_192 : vector<31x50xf32>
    %slice3A_194 = vector.extract_strided_slice %max3A_193 {offsets = [0, 0], sizes = [29, 50], strides = [1, 1]} : vector<31x50xf32> to vector<29x50xf32>
    %slice3A_195 = vector.extract_strided_slice %get3A_135 {offsets = [0, 0, 0], sizes = [1, 50, 1], strides = [1, 1, 1]} : vector<3x50x1xf32> to vector<1x50x1xf32>
    %squeeze3A_196 = vector.shape_cast %slice3A_195 : vector<1x50x1xf32> to vector<50x1xf32>
    %dot_general3A_197 = arith.constant dense<0.000000e+00> : vector<29x1xf32>
    %dot_general3A_198 = tpu.matmul %slice3A_194, %squeeze3A_196, %dot_general3A_197 {dimension_numbers = #tpu.dot_dimension_numbers<[1], [0], [0], [1], [0, 0, 1, 1], [], []>, transpose_lhs_hint = false} : vector<29x50xf32>, vector<50x1xf32>, vector<29x1xf32> -> vector<29x1xf32>
    %slice3A_199 = vector.extract_strided_slice %max3A_193 {offsets = [1, 0], sizes = [29, 50], strides = [1, 1]} : vector<31x50xf32> to vector<29x50xf32>
    %slice3A_200 = vector.extract_strided_slice %get3A_135 {offsets = [1, 0, 0], sizes = [1, 50, 1], strides = [1, 1, 1]} : vector<3x50x1xf32> to vector<1x50x1xf32>
    %squeeze3A_201 = vector.shape_cast %slice3A_200 : vector<1x50x1xf32> to vector<50x1xf32>
    %dot_general3A_202 = arith.constant dense<0.000000e+00> : vector<29x1xf32>
    %dot_general3A_203 = tpu.matmul %slice3A_199, %squeeze3A_201, %dot_general3A_202 {dimension_numbers = #tpu.dot_dimension_numbers<[1], [0], [0], [1], [0, 0, 1, 1], [], []>, transpose_lhs_hint = false} : vector<29x50xf32>, vector<50x1xf32>, vector<29x1xf32> -> vector<29x1xf32>
    %add3A_204 = arith.addf %dot_general3A_198, %dot_general3A_203 : vector<29x1xf32>
    %slice3A_205 = vector.extract_strided_slice %max3A_193 {offsets = [2, 0], sizes = [29, 50], strides = [1, 1]} : vector<31x50xf32> to vector<29x50xf32>
    %slice3A_206 = vector.extract_strided_slice %get3A_135 {offsets = [2, 0, 0], sizes = [1, 50, 1], strides = [1, 1, 1]} : vector<3x50x1xf32> to vector<1x50x1xf32>
    %squeeze3A_207 = vector.shape_cast %slice3A_206 : vector<1x50x1xf32> to vector<50x1xf32>
    %dot_general3A_208 = arith.constant dense<0.000000e+00> : vector<29x1xf32>
    %dot_general3A_209 = tpu.matmul %slice3A_205, %squeeze3A_207, %dot_general3A_208 {dimension_numbers = #tpu.dot_dimension_numbers<[1], [0], [0], [1], [0, 0, 1, 1], [], []>, transpose_lhs_hint = false} : vector<29x50xf32>, vector<50x1xf32>, vector<29x1xf32> -> vector<29x1xf32>
    %add3A_210 = arith.addf %add3A_204, %dot_general3A_209 : vector<29x1xf32>
    %add3A_211 = vector.broadcast %get3A_138 : vector<1x1xf32> to vector<29x1xf32>
    %add3A_212 = arith.addf %add3A_210, %add3A_211 : vector<29x1xf32>
    %max3A_213 = arith.constant 0.000000e+00 : f32
    %max3A_214 = vector.broadcast %max3A_213 : f32 to vector<29x1xf32>
    %max3A_215 = arith.maximumf %add3A_212, %max3A_214 : vector<29x1xf32>
    %dot_general3A_216 = arith.constant dense<0.000000e+00> : vector<15x1xf32>
    %dot_general3A_217 = tpu.matmul %get3A_141, %max3A_215, %dot_general3A_216 {dimension_numbers = #tpu.dot_dimension_numbers<[1], [0], [0], [1], [0, 0, 1, 1], [], []>, transpose_lhs_hint = false} : vector<15x29xf32>, vector<29x1xf32>, vector<15x1xf32> -> vector<15x1xf32>
    %get3A_218 = arith.constant 0 : index
    %get3A_219 = arith.constant 0 : index
    %get3A_220 = vector.load %arg12[%get3A_218, %get3A_219] : memref<1x31xf32, #tpu.memory_space<vmem>>, vector<1x31xf32>
    %dot_general3A_221 = arith.constant dense<0.000000e+00> : vector<1x1xf32>
    %dot_general3A_222 = tpu.matmul %get3A_220, %dot_general3A_105, %dot_general3A_221 {dimension_numbers = #tpu.dot_dimension_numbers<[1], [0], [0], [1], [0, 0, 1, 1], [], []>, transpose_lhs_hint = false} : vector<1x31xf32>, vector<31x1xf32>, vector<1x1xf32> -> vector<1x1xf32>
    %get3A_223 = arith.constant 0 : index
    %get3A_224 = arith.constant 0 : index
    %get3A_225 = vector.load %arg13[%get3A_223, %get3A_224] : memref<1x1xf32, #tpu.memory_space<vmem>>, vector<1x1xf32>
    %add3A_226 = arith.addf %dot_general3A_222, %get3A_225 : vector<1x1xf32>
    %get3A_227 = arith.constant 0 : index
    %get3A_228 = arith.constant 0 : index
    %get3A_229 = vector.load %arg23[%get3A_227, %get3A_228] : memref<1x15xf32, #tpu.memory_space<vmem>>, vector<1x15xf32>
    %dot_general3A_230 = arith.constant dense<0.000000e+00> : vector<1x1xf32>
    %dot_general3A_231 = tpu.matmul %get3A_229, %dot_general3A_217, %dot_general3A_230 {dimension_numbers = #tpu.dot_dimension_numbers<[1], [0], [0], [1], [0, 0, 1, 1], [], []>, transpose_lhs_hint = false} : vector<1x15xf32>, vector<15x1xf32>, vector<1x1xf32> -> vector<1x1xf32>
    %get3A_232 = arith.constant 0 : index
    %get3A_233 = arith.constant 0 : index
    %get3A_234 = vector.load %arg24[%get3A_232, %get3A_233] : memref<1x1xf32, #tpu.memory_space<vmem>>, vector<1x1xf32>
    %add3A_235 = arith.addf %dot_general3A_231, %get3A_234 : vector<1x1xf32>
    %mul3A = arith.mulf %add3A_226, %add3A_235 : vector<1x1xf32>
    %logistic3A = arith.negf %mul3A : vector<1x1xf32>
    %logistic3A_236 = math.exp %logistic3A : vector<1x1xf32>
    %logistic3A_237 = arith.constant 1.000000e+00 : f32
    %logistic3A_238 = vector.broadcast %logistic3A_237 : f32 to vector<1x1xf32>
    %logistic3A_239 = arith.addf %logistic3A_238, %logistic3A_236 : vector<1x1xf32>
    %logistic3A_240 = arith.divf %logistic3A_238, %logistic3A_239 : vector<1x1xf32>
    %broadcast_in_dim3A = vector.shape_cast %logistic3A_240 : vector<1x1xf32> to vector<1x1x1xf32>
    %broadcast_in_dim3A_241 = vector.shape_cast %broadcast_in_dim3A : vector<1x1x1xf32> to vector<1x1x1xf32>
    %broadcast_in_dim3A_242 = vector.broadcast %broadcast_in_dim3A_241 : vector<1x1x1xf32> to vector<1x1x128xf32>
    %swap3A = arith.constant 0 : index
    %swap3A_243 = arith.constant 0 : index
    %swap3A_244 = arith.constant 0 : index
    %swap3A_245 = vector.load %arg25[%swap3A, %swap3A_243, %swap3A_244] : memref<1x1x128xf32, #tpu.memory_space<vmem>>, vector<1x1x128xf32>
    tpu.vector_store %arg25[%swap3A, %swap3A_243, %swap3A_244], %broadcast_in_dim3A_242 {strides = array<i32>} : memref<1x1x128xf32, #tpu.memory_space<vmem>>, vector<1x1x128xf32>,
    return
  }
  func.func @transform_0(%arg0: i32) -> (i32, i32, i32) {
    %c0_i32 = arith.constant 0 : i32
    %c0_i32_0 = arith.constant 0 : i32
    %c0_i32_1 = arith.constant 0 : i32
    return %arg0, %c0_i32, %c0_i32_0 : i32, i32, i32
  }
  func.func @transform_1(%arg0: i32) -> (i32, i32, i32) {
    %c0_i32 = arith.constant 0 : i32
    %c0_i32_0 = arith.constant 0 : i32
    %c0_i32_1 = arith.constant 0 : i32
    return %arg0, %c0_i32, %c0_i32_0 : i32, i32, i32
  }
  func.func @transform_2(%arg0: i32) -> (i32, i32, i32) {
    %c0_i32 = arith.constant 0 : i32
    %c0_i32_0 = arith.constant 0 : i32
    %c0_i32_1 = arith.constant 0 : i32
    %c0_i32_2 = arith.constant 0 : i32
    return %c0_i32, %c0_i32_0, %c0_i32_1 : i32, i32, i32
  }
  func.func @transform_3(%arg0: i32) -> (i32, i32) {
    %c0_i32 = arith.constant 0 : i32
    %c0_i32_0 = arith.constant 0 : i32
    %c0_i32_1 = arith.constant 0 : i32
    return %c0_i32, %c0_i32_0 : i32, i32
  }
  func.func @transform_4(%arg0: i32) -> (i32, i32, i32) {
    %c0_i32 = arith.constant 0 : i32
    %c0_i32_0 = arith.constant 0 : i32
    %c0_i32_1 = arith.constant 0 : i32
    %c0_i32_2 = arith.constant 0 : i32
    return %c0_i32, %c0_i32_0, %c0_i32_1 : i32, i32, i32
  }
  func.func @transform_5(%arg0: i32) -> (i32, i32) {
    %c0_i32 = arith.constant 0 : i32
    %c0_i32_0 = arith.constant 0 : i32
    %c0_i32_1 = arith.constant 0 : i32
    return %c0_i32, %c0_i32_0 : i32, i32
  }
  func.func @transform_6(%arg0: i32) -> (i32, i32) {
    %c0_i32 = arith.constant 0 : i32
    %c0_i32_0 = arith.constant 0 : i32
    %c0_i32_1 = arith.constant 0 : i32
    return %c0_i32, %c0_i32_0 : i32, i32
  }
  func.func @transform_7(%arg0: i32) -> (i32, i32, i32) {
    %c0_i32 = arith.constant 0 : i32
    %c0_i32_0 = arith.constant 0 : i32
    %c0_i32_1 = arith.constant 0 : i32
    %c0_i32_2 = arith.constant 0 : i32
    return %c0_i32, %c0_i32_0, %c0_i32_1 : i32, i32, i32
  }
  func.func @transform_8(%arg0: i32) -> (i32, i32, i32) {
    %c0_i32 = arith.constant 0 : i32
    %c0_i32_0 = arith.constant 0 : i32
    %c0_i32_1 = arith.constant 0 : i32
    %c0_i32_2 = arith.constant 0 : i32
    return %c0_i32, %c0_i32_0, %c0_i32_1 : i32, i32, i32
  }
  func.func @transform_9(%arg0: i32) -> (i32, i32) {
    %c0_i32 = arith.constant 0 : i32
    %c0_i32_0 = arith.constant 0 : i32
    %c0_i32_1 = arith.constant 0 : i32
    return %c0_i32, %c0_i32_0 : i32, i32
  }
  func.func @transform_10(%arg0: i32) -> (i32, i32) {
    %c0_i32 = arith.constant 0 : i32
    %c0_i32_0 = arith.constant 0 : i32
    %c0_i32_1 = arith.constant 0 : i32
    return %c0_i32, %c0_i32_0 : i32, i32
  }
  func.func @transform_11(%arg0: i32) -> (i32, i32) {
    %c0_i32 = arith.constant 0 : i32
    %c0_i32_0 = arith.constant 0 : i32
    %c0_i32_1 = arith.constant 0 : i32
    return %c0_i32, %c0_i32_0 : i32, i32
  }
  func.func @transform_12(%arg0: i32) -> (i32, i32) {
    %c0_i32 = arith.constant 0 : i32
    %c0_i32_0 = arith.constant 0 : i32
    %c0_i32_1 = arith.constant 0 : i32
    return %c0_i32, %c0_i32_0 : i32, i32
  }
  func.func @transform_13(%arg0: i32) -> (i32, i32, i32) {
    %c0_i32 = arith.constant 0 : i32
    %c0_i32_0 = arith.constant 0 : i32
    %c0_i32_1 = arith.constant 0 : i32
    %c0_i32_2 = arith.constant 0 : i32
    return %c0_i32, %c0_i32_0, %c0_i32_1 : i32, i32, i32
  }
  func.func @transform_14(%arg0: i32) -> (i32, i32) {
    %c0_i32 = arith.constant 0 : i32
    %c0_i32_0 = arith.constant 0 : i32
    %c0_i32_1 = arith.constant 0 : i32
    return %c0_i32, %c0_i32_0 : i32, i32
  }
  func.func @transform_15(%arg0: i32) -> (i32, i32, i32) {
    %c0_i32 = arith.constant 0 : i32
    %c0_i32_0 = arith.constant 0 : i32
    %c0_i32_1 = arith.constant 0 : i32
    %c0_i32_2 = arith.constant 0 : i32
    return %c0_i32, %c0_i32_0, %c0_i32_1 : i32, i32, i32
  }
  func.func @transform_16(%arg0: i32) -> (i32, i32) {
    %c0_i32 = arith.constant 0 : i32
    %c0_i32_0 = arith.constant 0 : i32
    %c0_i32_1 = arith.constant 0 : i32
    return %c0_i32, %c0_i32_0 : i32, i32
  }
  func.func @transform_17(%arg0: i32) -> (i32, i32) {
    %c0_i32 = arith.constant 0 : i32
    %c0_i32_0 = arith.constant 0 : i32
    %c0_i32_1 = arith.constant 0 : i32
    return %c0_i32, %c0_i32_0 : i32, i32
  }
  func.func @transform_18(%arg0: i32) -> (i32, i32, i32) {
    %c0_i32 = arith.constant 0 : i32
    %c0_i32_0 = arith.constant 0 : i32
    %c0_i32_1 = arith.constant 0 : i32
    %c0_i32_2 = arith.constant 0 : i32
    return %c0_i32, %c0_i32_0, %c0_i32_1 : i32, i32, i32
  }
  func.func @transform_19(%arg0: i32) -> (i32, i32, i32) {
    %c0_i32 = arith.constant 0 : i32
    %c0_i32_0 = arith.constant 0 : i32
    %c0_i32_1 = arith.constant 0 : i32
    %c0_i32_2 = arith.constant 0 : i32
    return %c0_i32, %c0_i32_0, %c0_i32_1 : i32, i32, i32
  }
  func.func @transform_20(%arg0: i32) -> (i32, i32) {
    %c0_i32 = arith.constant 0 : i32
    %c0_i32_0 = arith.constant 0 : i32
    %c0_i32_1 = arith.constant 0 : i32
    return %c0_i32, %c0_i32_0 : i32, i32
  }
  func.func @transform_21(%arg0: i32) -> (i32, i32) {
    %c0_i32 = arith.constant 0 : i32
    %c0_i32_0 = arith.constant 0 : i32
    %c0_i32_1 = arith.constant 0 : i32
    return %c0_i32, %c0_i32_0 : i32, i32
  }
  func.func @transform_22(%arg0: i32) -> (i32, i32) {
    %c0_i32 = arith.constant 0 : i32
    %c0_i32_0 = arith.constant 0 : i32
    %c0_i32_1 = arith.constant 0 : i32
    return %c0_i32, %c0_i32_0 : i32, i32
  }
  func.func @transform_23(%arg0: i32) -> (i32, i32) {
    %c0_i32 = arith.constant 0 : i32
    %c0_i32_0 = arith.constant 0 : i32
    %c0_i32_1 = arith.constant 0 : i32
    return %c0_i32, %c0_i32_0 : i32, i32
  }
  func.func @transform_24(%arg0: i32) -> (i32, i32, i32) {
    %c0_i32 = arith.constant 0 : i32
    %c0_i32_0 = arith.constant 0 : i32
    %c0_i32_1 = arith.constant 0 : i32
    return %arg0, %c0_i32, %c0_i32_0 : i32, i32, i32
  }
}

</mosaic_0001>

<sc_bundles>
// kernel: kernel.12.cloned.1.call-start
scs
__scs_entry_jumppad:
0x0: {  	(pc) =	sbr.rel $0x88, $3  }
0x1: {  	(tag) =	ssettag $0x0;
	lr =	simm.s32 $0x1  }
0x2: {  	[smem:$0x3F8A] =	sst lr;
	_ =	strace $0xD0000000  }
0x3: {  	_ = 	snop  }
0x4: {  	_ = 	snop  }
0x5: {  	_ = 	snop  }
0x6: {  	_ = 	snop  }
0x7: {  	_ = 	snop  }
__scs_overlays_trampoline_lowered:
0x8: {  	[smem:$0x3F99] =	sst s0  }
0x9: {  	[smem:$0x3F9A] =	sst s1  }
0xa: {  	[smem:$0x3F9B] =	sst s2  }
0xb: {  	[smem:$0x3F9C] =	sst s3  }
0xc: {  	[smem:$0x3F9D] =	sst s4  }
0xd: {  	[smem:$0x3F9E] =	sst s5  }
0xe: {  	[smem:$0x3F9F] =	sst s6  }
0xf: {  	[smem:$0x3FA0] =	sst s7  }
0x10: {  	[smem:$0x3FA1] =	sst s8  }
0x11: {  	[smem:$0x3FA2] =	sst s9;
	s0 =	simm.s32 @!p0 $0x0  }
0x12: {  	s1 =	sld [smem:$0x3F88];
	s0 =	simm.s32 @p0 $0x1  }
0x13: {  	[smem:$0x3FA3] =	sst s0;
	s0 =	simm.s32 @!p1 $0x0  }
0x14: {  	s2 =	sld [smem:$0x3F87];
	s0 =	simm.s32 @p1 $0x1  }
0x15: {  	[smem:$0x3FA4] =	sst s0;
	s0 =	simm.s32 @!p2 $0x0  }
0x16: {  	s3 =	sld [smem:$0x3FDB];
	s0 =	simm.s32 @p2 $0x1  }
0x17: {  	s4 =	simm.s32 $0x1BF5;
	[smem:$0x3FA6] =	sst s0  }
0x18: {  	s0 =	sld [smem:$0x3F89];
	_ =	swait.ge [sflag:s4], $0x0  }
0x19: {  	s7 =	sld [smem:$0x3F8A]  }
0x1a: {  	s8 =	sadd.s32 $0xFFFFE003, lr  }
0x1b: {  	s9 =	sadd.s32 $0xFFFFFEF7, lr;
	s5 =	simm.s32 $0xFFFFFFFF;
	p2 =	slt.u32 s8, $0xFFFFF086  }
0x1c: {  	p1 =	slt.u32 s9, $0xF7A;
	s5 =	simm.s32 @!p2 $0x0  }
0x1d: {  	s5 =	simm.s32 @p1 $0x1;
	p0 =	seq.s32 s7, s2  }
0x1e: {  	s7 =	smul.u32 @!p0 $0xF7A, s2;
	p2 =	seq.s32 @!p0 s5, $0x0  }
0x1f: {  	s9 =	smul.u32 $0xF7A, s1;
	s8 =	simm.s32 @!p0 $0x1BF5;
	p2 =	por !p2, p0  }
0x20: {  	[sflag:s8] =	ssyncset.s32 @!p0 $0xFFFFF086;
	s6 =	sadd.s32 @!p0 s3, s7;
	s7 =	simm.s32 @!p0 $0x108  }
0x21: {  	s3 =	sadd.s32 s3, s9;
	s6 =	sadd.s32 @!p0 $0x88, s6;
	s7 =	simm.s32 @p2 $0x1082  }
0x22: {  	[simem:s7], [sflag:s8] =	dma.local @!p0 [hbm:s6], $0xF7A  }
0x23: {  	s9 =	sor.u32 $0xD0000000, s2;
	s6 =	simm.s32 $0x108;
	_ =	swait.ge @!p0 [sflag:s8], $0x0  }
0x24: {  	s3 =	sadd.s32 $0x88, s3;
	s6 =	simm.s32 @!p1 $0x1082;
	[sflag:s4] =	ssyncset.s32 $0xFFFFF086  }
0x25: {  	[simem:s6], [sflag:s4] =	dma.local [hbm:s3], $0xF7A  }
0x26: {  	[smem:$0x3F8A] =	sst s1;
	(tag) =	ssettag s2;
	_ =	strace s9  }
0x27: {  	s1 =	sld [smem:$0x3F9A]  }
0x28: {  	s2 =	sld [smem:$0x3F9B]  }
0x29: {  	s4 =	sld [smem:$0x3F9D]  }
0x2a: {  	p0 =	seq.s32 s5, $0x0;
	s5 =	sld [smem:$0x3F9E]  }
0x2b: {  	s6 =	sld [smem:$0x3F9F]  }
0x2c: {  	s7 =	sld [smem:$0x3FA0]  }
0x2d: {  	s3 =	simm.s32 $0x108;
	s8 =	sld [smem:$0x3FA1]  }
0x2e: {  	s3 =	simm.s32 @!p0 $0x1082;
	s9 =	sld [smem:$0x3FA2]  }
0x2f: {  	lr =	sadd.s32 s0, s3;
	s0 =	sld [smem:$0x3F99]  }
0x30: {  	s3 =	sld [smem:$0x3F9C]  }
0x31: {  	[smem:$0x3FA5] =	sst s10  }
0x32: {  	s10 =	sld [smem:$0x3FA3];
	_ =	sdelay $0x3  }
0x33: {  	p0 =	seq.s32 s10, $0x1;
	s10 =	sld [smem:$0x3FA5];
	_ =	sdelay $0x3  }
0x34: {  	[smem:$0x3FA5] =	sst s10  }
0x35: {  	s10 =	sld [smem:$0x3FA4];
	_ =	sdelay $0x3  }
0x36: {  	p1 =	seq.s32 s10, $0x1;
	s10 =	sld [smem:$0x3FA5];
	_ =	sdelay $0x3  }
0x37: {  	[smem:$0x3FA5] =	sst s10  }
0x38: {  	s10 =	sld [smem:$0x3FA6]  }
0x39: {  	_ = 	snop;
	(pc) =	sbr.ind lr, $3  }
0x3a: {  	_ = 	snop  }
0x3b: {  	_ = 	snop  }
0x3c: {  	p2 =	seq.s32 s10, $0x1;
	s10 =	sld [smem:$0x3FA5]  }
0x3d: {  	_ =	shalt  }
0x3e: {  	_ =	shalt  }
0x3f: {  	_ =	shalt  }
0x40: {  	_ =	shalt  }
0x41: {  	_ =	shalt  }
0x42: {  	_ =	shalt  }
0x43: {  	_ =	shalt  }
0x44: {  	_ =	shalt  }
0x45: {  	_ =	shalt  }
0x46: {  	_ =	shalt  }
0x47: {  	_ =	shalt  }
0x48: {  	_ =	shalt  }
0x49: {  	_ =	shalt  }
0x4a: {  	_ =	shalt  }
0x4b: {  	_ =	shalt  }
0x4c: {  	_ =	shalt  }
0x4d: {  	_ =	shalt  }
0x4e: {  	_ =	shalt  }
0x4f: {  	_ =	shalt  }
0x50: {  	_ =	shalt  }
0x51: {  	_ =	shalt  }
0x52: {  	_ =	shalt  }
0x53: {  	_ =	shalt  }
0x54: {  	_ =	shalt  }
0x55: {  	_ =	shalt  }
0x56: {  	_ =	shalt  }
0x57: {  	_ =	shalt  }
0x58: {  	_ =	shalt  }
0x59: {  	_ =	shalt  }
0x5a: {  	_ =	shalt  }
0x5b: {  	_ =	shalt  }
0x5c: {  	_ =	shalt  }
0x5d: {  	_ =	shalt  }
0x5e: {  	_ =	shalt  }
0x5f: {  	_ =	shalt  }
0x60: {  	_ =	shalt  }
0x61: {  	_ =	shalt  }
0x62: {  	_ =	shalt  }
0x63: {  	_ =	shalt  }
0x64: {  	_ =	shalt  }
0x65: {  	_ =	shalt  }
0x66: {  	_ =	shalt  }
0x67: {  	_ =	shalt  }
0x68: {  	_ =	shalt  }
0x69: {  	_ =	shalt  }
0x6a: {  	_ =	shalt  }
0x6b: {  	_ =	shalt  }
0x6c: {  	_ =	shalt  }
0x6d: {  	_ =	shalt  }
0x6e: {  	_ =	shalt  }
0x6f: {  	_ =	shalt  }
0x70: {  	_ =	shalt  }
0x71: {  	_ =	shalt  }
0x72: {  	_ =	shalt  }
0x73: {  	_ =	shalt  }
0x74: {  	_ =	shalt  }
0x75: {  	_ =	shalt  }
0x76: {  	_ =	shalt  }
0x77: {  	_ =	shalt  }
0x78: {  	_ =	shalt  }
0x79: {  	_ =	shalt  }
0x7a: {  	_ =	shalt  }
0x7b: {  	_ =	shalt  }
0x7c: {  	_ =	shalt  }
0x7d: {  	_ =	shalt  }
0x7e: {  	_ =	shalt  }
0x7f: {  	_ =	shalt  }
0x80: {  	_ =	shalt  }
0x81: {  	_ =	shalt  }
0x82: {  	_ =	shalt  }
0x83: {  	_ =	shalt  }
0x84: {  	_ =	shalt  }
0x85: {  	_ =	shalt  }
0x86: {  	_ =	shalt  }
0x87: {  	_ =	shalt  }
.Lfunc_end0:
.L_simem_size_0:
called_computation_lowered:
.L_overlay_start_0:
0x88: {  	s2 =	sld [smem:$0x3FD9]  }
0x89: {  	s3 =	sld [smem:$0x3FFE];
	_ =	sdelay $0x1  }
0x8a: {  	s1 =	srdreg.scid  }
0x8b: {  	s0 =	sand.u32 $0x1, s1  }
0x8c: {  	s16 =	sshll.u32 s0, $0xA;
	s2 =	sadd.s32 s3, s2  }
0x8d: {  	s2 =	sadd.s32 s2, s16  }
0x8e: {  	[smem:$0x3FB1] =	sst s2  }
0x8f: {  	_ = 	snop  }
0x90: {  	(tm) =	ssettm $0x1  }
0x91: {  	s17 =	sld [smem:$0x3FFB];
	_ =	sdelay $0x3  }
0x92: {  	_ =	strace s17  }
0x93: {  	s2 =	sld [smem:$0x3FFC];
	_ =	sdelay $0x3  }
0x94: {  	_ =	strace s2  }
0x95: {  	s2 =	sld [smem:$0x3FFD];
	_ =	sdelay $0x3  }
0x96: {  	_ =	strace s2  }
0x97: {  	_ =	strace $0x8FFFFFFF  }
0x98: {  	s18 =	sld [smem:$0x3FDB];
	_ =	sdelay $0x1  }
0x99: {  	s19 =	simm.s32 $_scs_section_size  }
0x9a: {  	s4 =	simm.s32 $_size__tile_overlayer_lowered;
	s5 =	simm.s32 $_tile_overlayer_lowered  }
0x9b: {  	s22 =	simm.s32 $0x1BFF;
	s21 =	sshll.u32 s5, $0x1;
	s2 =	sadd.s32 s19, s18  }
0x9c: {  	s6 =	simm.s32 $0x0;
	s20 =	sshll.u32 s4, $0x1;
	s4 =	sadd.s32 s21, s2  }
0x9d: {  	[timem:s6], [sflag:s22] =	dma.local [hbm:s4], s20  }
0x9e: {  	_ =	swait.ge [sflag:s22], s20  }
0x9f: {  	s3 =	ssub.s32 $0x0, s20;
	[sflag:s22] =	ssyncset.done $0x0  }
0xa0: {  	[sflag:s22] =	ssyncadd.s32 s3;
	_ =	sdelay $0x1  }
0xa1: {  	s23 =	simm.s32 $0x1B8B  }
0xa2: {  	_ =	swait.ge [sflag:s23], $0x1  }
0xa3: {  	[sflag:s23] =	ssyncset.done $0x0  }
0xa4: {  	s25 =	simm.s32 $0x1B8E;
	s24 =	sld [smem:$0x3FFE];
	[sflag:s23] =	ssyncadd.s32 $0xFFFFFFFF  }
0xa5: {  	s26 =	simm.s32 $execute0_lowered;
	[smem:$0x3FD2] =	sst s25  }
0xa6: {  	s4 =	sshll.u32 s26, $0x1;
	_ =	strace $0x80000046;
	[dreg:$0x1] =	wrdreg $0xFFFFFFFF  }
0xa7: {  	s28 =	simm.s32 $_size_execute0_lowered;
	s2 =	sadd.s32 s2, s4;
	[dreg:$0x0] =	wrdreg $0x0  }
0xa8: {  	s4 =	sshll.u32 s28, $0x1;
	[dreg:$0x2] =	wrdreg s2  }
0xa9: {  	[dreg:$0x3] =	wrdreg s4  }
0xaa: {  	[dreg:$0x4] =	wrdreg $0xC0  }
0xab: {  	_ =	task [dreg:s6], $0x5FFFF  }
0xac: {  	[dreg:$0x1] =	wrdreg $0xFFFFFFFF  }
0xad: {  	[dreg:$0x0] =	wrdreg $0x60  }
0xae: {  	[dreg:$0x2] =	wrdreg s24  }
0xaf: {  	[dreg:$0x3] =	wrdreg $0x90000  }
0xb0: {  	[dreg:$0x4] =	wrdreg $0x9  }
0xb1: {  	_ =	task.clear_ibuf [dreg:s6], $0x5FFFF;
	_ =	strace $0x90000046  }
0xb2: {  	s29 =	simm.s32 $0x9;
	_ =	strace $0x80000048  }
0xb3: {  	_ =	swait.ge [sflag:s29], $0x1  }
0xb4: {  	[sflag:s29] =	ssyncadd.s32 $0xFFFFFFFF  }
0xb5: {  	_ =	strace $0x90000048  }
0xb6: {  	_ =	sfence  }
0xb7: {  	s30 =	sld [smem:$0x0];
	_ =	sdelay $0x2  }
0xb8: {  	s31 =	sshll.u32 s1, $0xD;
	s1 =	sshrl.u32 s1, $0x2  }
0xb9: {  	s3 =	sand.u32 $0x4000, s31;
	s1 =	sadd.s32 s1, s30  }
0xba: {  	s0 =	sor.u32 s3, s0;
	s1 =	sshll.u32 s1, $0x11  }
0xbb: {  	s0 =	sor.u32 s1, s0  }
0xbc: {  	s0 =	sadd.s32 $0x8F2B, s0  }
0xbd: {  	[sflag:s0] =	ssyncadd.remote.s32 $0x1  }
0xbe: {  	_ =	sfence.sel $0xFFFF  }
0xbf: {  	[dreg:$0x0] =	wrdreg $0xFFFFFFFF;
	(pc) =	sbr.abs _section_cstart, $3  }
0xc0: {  	[dreg:$0x1] =	wrdreg $0xFFFFFFFF  }
0xc1: {  	_ =	task.clear_ibuf [dreg:s6], $0x2FFFF;
	_ =	strace $0x9FFFFFFF  }
0xc2: {  	(tm) =	ssettm $0x7FFFFFFF  }
0xc3: {  	_ =	shalt  }
tec
execute0_lowered:
.L_overlay_start_1:
0x0: {  	(tag) =	ssettag $0x1  }
0x1: {  	s5 =	rddreg [dreg:$0x0]  }
0x2: {  	s2 =	rddreg [dreg:$0x1]  }
0x3: {  	s0 =	rddreg [dreg:$0x2]  }
0x4: {  	s4 =	srdreg.scid;
	s3 =	simm.s32 $0x0;
	s1 =	stileid.u32  }
0x5: {  	s22 =	simm.s32 $0x80;
	s23 =	simm.s32 $0x5000;
	s14 =	smul.u32 $0x14000, s1  }
0x6: {  	s6 =	sand.u32 $0x1, s4;
	[smem:$0x7FF] =	sst s3;
	s10 =	smul.u32 $0x50000, s1  }
0x7: {  	s18 =	sadd.s32 $0x67A00, s5;
	s26 =	sshll.u32 s1, $0x6;
	s4 =	sshll.u32 s6, $0x4  }
0x8: {  	_ =	strace $0x80000047;
	s9 =	ssub.s32 $0x2, s6;
	s15 =	smul.u32 $0x140000, s6  }
0x9: {  	s7 =	sor.u32 s1, s4;
	s4 =	sadd.s32 $0x18800, s5;
	s8 =	sshrl.u32 s14, $0x3  }
0xa: {  	s24 =	sshrl.u32 s9, $0x1;
	s25 =	sshrl.u32 s10, $0x2;
	s12 =	sadd.s32 $0x4000, s14  }
0xb: {  	s16 =	sadd.s32 $0x8000, s14;
	s17 =	sadd.s32 $0xC000, s14;
	s21 =	sadd.s32 $0x10000, s14  }
0xc: {  	s7 =	smul.u32 $0x500, s7;
	s8 =	sadd.s32 s8, s5;
	s19 =	ssub.s32 s9, s24  }
0xd: {  	s28 =	sadd.s32 s14, s15;
	s13 =	sadd.s32 s15, s12;
	s20 =	sadd.s32 s15, s17  }
0xe: {  	s31 =	sadd.s32 s15, s21;
	s24 =	simm.s32 $0x1;
	s6 =	sadd.s32 $0x3FA00, s8  }
0xf: {  	s29 =	sshrl.u32 s28, $0x3;
	s13 =	sshrl.u32 s13, $0x3;
	s30 =	sshrl.u32 s20, $0x3  }
0x10: {  	s20 =	sshrl.u32 s31, $0x3;
	s19 =	smax.u32 s19, $0x1;
	s11 =	sadd.s32 s7, s5  }
0x11: {  	s5 =	sadd.s32 s25, s2;
	s7 =	sor.u32 $0x1C02, s26;
	s10 =	sadd.s32 s18, s29  }
0x12: {  	s8 =	sadd.s32 $0x4800, s11;
	s9 =	sadd.s32 $0xE800, s11;
	s11 =	sadd.s32 s12, s2  }
0x13: {  	s12 =	sadd.s32 s18, s13;
	s13 =	sadd.s32 s16, s2;
	s16 =	sadd.s32 s15, s16  }
0x14: {  	s25 =	simm.s32 $0x0;
	s15 =	sadd.s32 s17, s2;
	s16 =	sshrl.u32 s16, $0x3  }
0x15: {  	s17 =	sadd.s32 s21, s2;
	s21 =	simm.s32 $0x2800;
	s14 =	sadd.s32 s18, s16  }
0x16: {  	s16 =	sadd.s32 s18, s30;
	s18 =	sadd.s32 s18, s20;
	s20 =	simm.s32 $0x2  }
.LBB2_1:
0x17: {  	s26 =	sshrl.u32 s5, $0x3  }
0x18: {  	[spmem:s26], [sflag:s7] =	dma.local [hbm:s6], $0x2800  }
0x19: {  	_ =	swait.ge [sflag:s20], $0x2800  }
0x1a: {  	[sflag:s20] =	ssyncset.done $0x0  }
0x1b: {  	[sflag:s20] =	ssyncadd.s32 $0xFFFFD800  }
0x1c: {  	[tilespmem:s3], [sflag:$0x2] =	stream.linear.gather [hbm4b:s8+s3], $0x2780, $0x38;
	[tilespmem:$0x1D000] =	vst v63  }
0x1d: {  	_ =	swait.ge [sflag:s20], $0x2780  }
0x1e: {  	[sflag:s20] =	ssyncset.done $0x0  }
0x1f: {  	[sflag:s20] =	ssyncadd.s32 $0xFFFFD880  }
0x20: {  	[tilespmem:s21], [sflag:$0x2] =	stream.linear.gather [hbm4b:s9+s3], $0x2780, $0x38;
	[tilespmem:$0x1D000] =	vst v63  }
0x21: {  	_ =	swait.ge [sflag:s20], $0x2780  }
0x22: {  	[sflag:s20] =	ssyncset.done $0x0  }
0x23: {  	[sflag:s20] =	ssyncadd.s32 $0xFFFFD880  }
0x24: {  	s30 =	simm.s32 $0x0;
	[bflag:$0x0] =	sbarrier.arrive $0xFFFF  }
0x25: {  	[tilespmem:s23], [sflag:$0x1] =	stream.indirect.gather [hbm4b:s4+s22], $0x80, s30, s22, $0xb8;
	[tilespmem:$0x1D000] =	vst v63  }
0x26: {  	_ =	swait.ge [sflag:s24], $0x4000  }
0x27: {  	[sflag:s24] =	ssyncset.done $0x0  }
0x28: {  	s31 =	simm.s32 $0x2800;
	[sflag:s24] =	ssyncadd.s32 $0xFFFFC000  }
0x29: {  	[spmem:s2] =	stream.indirect.scatter.add.f32 [tilespmem:s23], [sflag:$0x2], $0x80, s31, s22, $0xb8;
	[tilespmem:$0x1D000] =	vst v63  }
0x2a: {  	_ =	swait.ge [sflag:s20], $0x4000  }
0x2b: {  	s28 =	simm.s32 $0x400;
	s26 =	simm.s32 $0x200;
	[sflag:s20] =	ssyncset.done $0x0  }
.LBB2_2:
0x2c: {  	s29 =	sshra.s32 s26, $0x2  }
0x2d: {  	[sflag:s20] =	ssyncadd.s32 $0xFFFFC000;
	s26 =	smov.u32 s28;
	s30 =	sadd.s32 $0x200, s28  }
0x2e: {  	[tilespmem:s23], [sflag:$0x1] =	stream.indirect.gather [hbm4b:s4+s22], $0x80, s29, s22, $0xb8;
	[tilespmem:$0x1D000] =	vst v63  }
0x2f: {  	p0 =	sne.s32 s28, $0x9C00;
	_ =	swait.ge [sflag:s24], $0x4000  }
.Ltmp0:
0x30: {  	[sflag:s24] =	ssyncset.done $0x0;
	(pc) =	sbr.rel @p0 .LBB2_2-.Ltmp0, $4  }
0x31: {  	s28 =	sadd.s32 $0x2800, s29;
	[sflag:s24] =	ssyncadd.s32 $0xFFFFC000  }
0x32: {  	[spmem:s2] =	stream.indirect.scatter.add.f32 [tilespmem:s23], [sflag:$0x2], $0x80, s28, s22, $0xb8;
	[tilespmem:$0x1D000] =	vst v63  }
0x33: {  	_ =	swait.ge [sflag:s20], $0x4000  }
0x34: {  	s28 =	smov.u32 s30;
	[sflag:s20] =	ssyncset.done $0x0  }
0x35: {  	s26 =	sshra.s32 s26, $0x2;
	[sflag:s20] =	ssyncadd.s32 $0xFFFFC000  }
0x36: {  	[tilespmem:s23], [sflag:$0x1] =	stream.indirect.gather [hbm4b:s4+s22], $0x80, s26, s22, $0xb8;
	[tilespmem:$0x1D000] =	vst v63  }
0x37: {  	_ =	swait.ge [sflag:s24], $0x4000  }
0x38: {  	[sflag:s24] =	ssyncset.done $0x0  }
0x39: {  	s26 =	sadd.s32 $0x2800, s26;
	[sflag:s24] =	ssyncadd.s32 $0xFFFFC000  }
0x3a: {  	[spmem:s2] =	stream.indirect.scatter.add.f32 [tilespmem:s23], [sflag:$0x2], $0x80, s26, s22, $0xb8;
	[tilespmem:$0x1D000] =	vst v63  }
0x3b: {  	_ =	swait.ge [sflag:s20], $0x4000  }
0x3c: {  	[sflag:s20] =	ssyncset.done $0x0  }
0x3d: {  	[sflag:s20] =	ssyncadd.s32 $0xFFFFC000  }
0x3e: {  	[bflag:$0x0] =	sbarrier.arrive $0xFFFF  }
0x3f: {  	[tilespmem:s23], [sflag:$0x2] =	stream.linear.gather [spmem:s5], $0x4000, $0x38;
	[tilespmem:$0x1D000] =	vst v63  }
0x40: {  	_ =	swait.ge [sflag:s20], $0x4000  }
0x41: {  	[sflag:s20] =	ssyncset.done $0x0  }
0x42: {  	[sflag:s20] =	ssyncadd.s32 $0xFFFFC000  }
0x43: {  	[hbm4b:s10+s3] =	stream.linear.scatter [tilespmem:s23], [sflag:$0x2], $0x4000, $0x38;
	[tilespmem:$0x1D000] =	vst v63  }
0x44: {  	_ =	swait.ge [sflag:s20], $0x4000  }
0x45: {  	[sflag:s20] =	ssyncset.done $0x0  }
0x46: {  	[sflag:s20] =	ssyncadd.s32 $0xFFFFC000  }
0x47: {  	[tilespmem:s23], [sflag:$0x2] =	stream.linear.gather [spmem:s11], $0x4000, $0x38;
	[tilespmem:$0x1D000] =	vst v63  }
0x48: {  	_ =	swait.ge [sflag:s20], $0x4000  }
0x49: {  	[sflag:s20] =	ssyncset.done $0x0  }
0x4a: {  	[sflag:s20] =	ssyncadd.s32 $0xFFFFC000  }
0x4b: {  	[hbm4b:s12+s3] =	stream.linear.scatter [tilespmem:s23], [sflag:$0x2], $0x4000, $0x38;
	[tilespmem:$0x1D000] =	vst v63  }
0x4c: {  	_ =	swait.ge [sflag:s20], $0x4000  }
0x4d: {  	[sflag:s20] =	ssyncset.done $0x0  }
0x4e: {  	[sflag:s20] =	ssyncadd.s32 $0xFFFFC000  }
0x4f: {  	[tilespmem:s23], [sflag:$0x2] =	stream.linear.gather [spmem:s13], $0x4000, $0x38;
	[tilespmem:$0x1D000] =	vst v63  }
0x50: {  	_ =	swait.ge [sflag:s20], $0x4000  }
0x51: {  	[sflag:s20] =	ssyncset.done $0x0  }
0x52: {  	[sflag:s20] =	ssyncadd.s32 $0xFFFFC000  }
0x53: {  	[hbm4b:s14+s3] =	stream.linear.scatter [tilespmem:s23], [sflag:$0x2], $0x4000, $0x38;
	[tilespmem:$0x1D000] =	vst v63  }
0x54: {  	_ =	swait.ge [sflag:s20], $0x4000  }
0x55: {  	[sflag:s20] =	ssyncset.done $0x0  }
0x56: {  	[sflag:s20] =	ssyncadd.s32 $0xFFFFC000  }
0x57: {  	[tilespmem:s23], [sflag:$0x2] =	stream.linear.gather [spmem:s15], $0x4000, $0x38;
	[tilespmem:$0x1D000] =	vst v63  }
0x58: {  	_ =	swait.ge [sflag:s20], $0x4000  }
0x59: {  	[sflag:s20] =	ssyncset.done $0x0  }
0x5a: {  	[sflag:s20] =	ssyncadd.s32 $0xFFFFC000  }
0x5b: {  	[hbm4b:s16+s3] =	stream.linear.scatter [tilespmem:s23], [sflag:$0x2], $0x4000, $0x38;
	[tilespmem:$0x1D000] =	vst v63  }
0x5c: {  	_ =	swait.ge [sflag:s20], $0x4000  }
0x5d: {  	[sflag:s20] =	ssyncset.done $0x0  }
0x5e: {  	[sflag:s20] =	ssyncadd.s32 $0xFFFFC000  }
0x5f: {  	[tilespmem:s23], [sflag:$0x2] =	stream.linear.gather [spmem:s17], $0x4000, $0x38;
	[tilespmem:$0x1D000] =	vst v63  }
0x60: {  	s25 =	sadd.s32 $0x1, s25;
	_ =	swait.ge [sflag:s20], $0x4000  }
0x61: {  	p0 =	sne.s32 s25, s19;
	[sflag:s20] =	ssyncset.done $0x0  }
.Ltmp1:
0x62: {  	[sflag:s20] =	ssyncadd.s32 $0xFFFFC000;
	(pc) =	sbr.rel @p0 .LBB2_1-.Ltmp1, $4  }
0x63: {  	[hbm4b:s18+s3] =	stream.linear.scatter [tilespmem:s23], [sflag:$0x2], $0x4000, $0x38;
	[tilespmem:$0x1D000] =	vst v63  }
0x64: {  	_ =	swait.ge [sflag:s20], $0x4000  }
0x65: {  	[sflag:s20] =	ssyncset.done $0x0  }
0x66: {  	[sflag:s20] =	ssyncadd.s32 $0xFFFFC000  }
0x67: {  	_ =	sfence.sel $0x180000  }
0x68: {  	[bflag:$0x0] =	sbarrier.arrive $0xFFFF  }
0x69: {  	p0 =	sne.s32 s1, $0x0;
	_ =	strace $0x90000047  }
0x6a: {  	s0 =	sadd.s32 @!p0 $0x100000, s0;
	[bflag:$0x2] =	sbarrier.arrive $0xFFFF  }
0x6b: {  	[sflag:s0] =	ssyncadd.tile.s32 @!p0 $0x1;
	_ =	shalt  }
.Lfunc_end2:
_tile_overlayer_lowered:
.L_overlay_start_2:
0x6c: {  	(tag) =	ssettag $0x2  }
0x6d: {  	s0 =	rddreg [dreg:$0x0];
	s2 =	stileid.u32  }
0x6e: {  	s1 =	rddreg [dreg:$0x1];
	p0 =	sne.s32 s2, $0x0  }
0x6f: {  	s3 =	rddreg [dreg:$0x2];
	[bflag:$0x3] =	sbarrier.arrive $0xFFFF;
	s2 =	simm.s32 @!p0 $0x1C02  }
0x70: {  	[timem:s3], [sflag:s2] =	dma.local @!p0 [hbm:s0], s1  }
0x71: {  	s0 =	simm.s32 @!p0 $0x2  }
0x72: {  	_ =	swait.ge @!p0 [sflag:s0], s1  }
0x73: {  	s1 =	ssub.s32 @!p0 $0x0, s1;
	[sflag:s0] =	ssyncset.done @!p0 $0x0  }
0x74: {  	[sflag:s0] =	ssyncadd.s32 @!p0 s1  }
0x75: {  	[bflag:$0x3] =	sbarrier.arrive $0xFFFF  }
0x76: {  	_ =	shalt  }

// kernel: kernel.15.cloned.1.call-start
scs
__scs_entry_jumppad:
0x0: {  	(pc) =	sbr.rel $0x88, $3  }
0x1: {  	(tag) =	ssettag $0x0;
	lr =	simm.s32 $0x1  }
0x2: {  	[smem:$0x3F8A] =	sst lr;
	_ =	strace $0xD0000000  }
0x3: {  	_ = 	snop  }
0x4: {  	_ = 	snop  }
0x5: {  	_ = 	snop  }
0x6: {  	_ = 	snop  }
0x7: {  	_ = 	snop  }
__scs_overlays_trampoline_lowered:
0x8: {  	[smem:$0x3F99] =	sst s0  }
0x9: {  	[smem:$0x3F9A] =	sst s1  }
0xa: {  	[smem:$0x3F9B] =	sst s2  }
0xb: {  	[smem:$0x3F9C] =	sst s3  }
0xc: {  	[smem:$0x3F9D] =	sst s4  }
0xd: {  	[smem:$0x3F9E] =	sst s5  }
0xe: {  	[smem:$0x3F9F] =	sst s6  }
0xf: {  	[smem:$0x3FA0] =	sst s7  }
0x10: {  	[smem:$0x3FA1] =	sst s8  }
0x11: {  	[smem:$0x3FA2] =	sst s9;
	s0 =	simm.s32 @!p0 $0x0  }
0x12: {  	s1 =	sld [smem:$0x3F88];
	s0 =	simm.s32 @p0 $0x1  }
0x13: {  	[smem:$0x3FA3] =	sst s0;
	s0 =	simm.s32 @!p1 $0x0  }
0x14: {  	s2 =	sld [smem:$0x3F87];
	s0 =	simm.s32 @p1 $0x1  }
0x15: {  	[smem:$0x3FA4] =	sst s0;
	s0 =	simm.s32 @!p2 $0x0  }
0x16: {  	s3 =	sld [smem:$0x3FDB];
	s0 =	simm.s32 @p2 $0x1  }
0x17: {  	s4 =	simm.s32 $0x1BF5;
	[smem:$0x3FA6] =	sst s0  }
0x18: {  	s0 =	sld [smem:$0x3F89];
	_ =	swait.ge [sflag:s4], $0x0  }
0x19: {  	s7 =	sld [smem:$0x3F8A]  }
0x1a: {  	s8 =	sadd.s32 $0xFFFFE003, lr  }
0x1b: {  	s9 =	sadd.s32 $0xFFFFFEF7, lr;
	s5 =	simm.s32 $0xFFFFFFFF;
	p2 =	slt.u32 s8, $0xFFFFF086  }
0x1c: {  	p1 =	slt.u32 s9, $0xF7A;
	s5 =	simm.s32 @!p2 $0x0  }
0x1d: {  	s5 =	simm.s32 @p1 $0x1;
	p0 =	seq.s32 s7, s2  }
0x1e: {  	s7 =	smul.u32 @!p0 $0xF7A, s2;
	p2 =	seq.s32 @!p0 s5, $0x0  }
0x1f: {  	s9 =	smul.u32 $0xF7A, s1;
	s8 =	simm.s32 @!p0 $0x1BF5;
	p2 =	por !p2, p0  }
0x20: {  	[sflag:s8] =	ssyncset.s32 @!p0 $0xFFFFF086;
	s6 =	sadd.s32 @!p0 s3, s7;
	s7 =	simm.s32 @!p0 $0x108  }
0x21: {  	s3 =	sadd.s32 s3, s9;
	s6 =	sadd.s32 @!p0 $0x88, s6;
	s7 =	simm.s32 @p2 $0x1082  }
0x22: {  	[simem:s7], [sflag:s8] =	dma.local @!p0 [hbm:s6], $0xF7A  }
0x23: {  	s9 =	sor.u32 $0xD0000000, s2;
	s6 =	simm.s32 $0x108;
	_ =	swait.ge @!p0 [sflag:s8], $0x0  }
0x24: {  	s3 =	sadd.s32 $0x88, s3;
	s6 =	simm.s32 @!p1 $0x1082;
	[sflag:s4] =	ssyncset.s32 $0xFFFFF086  }
0x25: {  	[simem:s6], [sflag:s4] =	dma.local [hbm:s3], $0xF7A  }
0x26: {  	[smem:$0x3F8A] =	sst s1;
	(tag) =	ssettag s2;
	_ =	strace s9  }
0x27: {  	s1 =	sld [smem:$0x3F9A]  }
0x28: {  	s2 =	sld [smem:$0x3F9B]  }
0x29: {  	s4 =	sld [smem:$0x3F9D]  }
0x2a: {  	p0 =	seq.s32 s5, $0x0;
	s5 =	sld [smem:$0x3F9E]  }
0x2b: {  	s6 =	sld [smem:$0x3F9F]  }
0x2c: {  	s7 =	sld [smem:$0x3FA0]  }
0x2d: {  	s3 =	simm.s32 $0x108;
	s8 =	sld [smem:$0x3FA1]  }
0x2e: {  	s3 =	simm.s32 @!p0 $0x1082;
	s9 =	sld [smem:$0x3FA2]  }
0x2f: {  	lr =	sadd.s32 s0, s3;
	s0 =	sld [smem:$0x3F99]  }
0x30: {  	s3 =	sld [smem:$0x3F9C]  }
0x31: {  	[smem:$0x3FA5] =	sst s10  }
0x32: {  	s10 =	sld [smem:$0x3FA3];
	_ =	sdelay $0x3  }
0x33: {  	p0 =	seq.s32 s10, $0x1;
	s10 =	sld [smem:$0x3FA5];
	_ =	sdelay $0x3  }
0x34: {  	[smem:$0x3FA5] =	sst s10  }
0x35: {  	s10 =	sld [smem:$0x3FA4];
	_ =	sdelay $0x3  }
0x36: {  	p1 =	seq.s32 s10, $0x1;
	s10 =	sld [smem:$0x3FA5];
	_ =	sdelay $0x3  }
0x37: {  	[smem:$0x3FA5] =	sst s10  }
0x38: {  	s10 =	sld [smem:$0x3FA6]  }
0x39: {  	_ = 	snop;
	(pc) =	sbr.ind lr, $3  }
0x3a: {  	_ = 	snop  }
0x3b: {  	_ = 	snop  }
0x3c: {  	p2 =	seq.s32 s10, $0x1;
	s10 =	sld [smem:$0x3FA5]  }
0x3d: {  	_ =	shalt  }
0x3e: {  	_ =	shalt  }
0x3f: {  	_ =	shalt  }
0x40: {  	_ =	shalt  }
0x41: {  	_ =	shalt  }
0x42: {  	_ =	shalt  }
0x43: {  	_ =	shalt  }
0x44: {  	_ =	shalt  }
0x45: {  	_ =	shalt  }
0x46: {  	_ =	shalt  }
0x47: {  	_ =	shalt  }
0x48: {  	_ =	shalt  }
0x49: {  	_ =	shalt  }
0x4a: {  	_ =	shalt  }
0x4b: {  	_ =	shalt  }
0x4c: {  	_ =	shalt  }
0x4d: {  	_ =	shalt  }
0x4e: {  	_ =	shalt  }
0x4f: {  	_ =	shalt  }
0x50: {  	_ =	shalt  }
0x51: {  	_ =	shalt  }
0x52: {  	_ =	shalt  }
0x53: {  	_ =	shalt  }
0x54: {  	_ =	shalt  }
0x55: {  	_ =	shalt  }
0x56: {  	_ =	shalt  }
0x57: {  	_ =	shalt  }
0x58: {  	_ =	shalt  }
0x59: {  	_ =	shalt  }
0x5a: {  	_ =	shalt  }
0x5b: {  	_ =	shalt  }
0x5c: {  	_ =	shalt  }
0x5d: {  	_ =	shalt  }
0x5e: {  	_ =	shalt  }
0x5f: {  	_ =	shalt  }
0x60: {  	_ =	shalt  }
0x61: {  	_ =	shalt  }
0x62: {  	_ =	shalt  }
0x63: {  	_ =	shalt  }
0x64: {  	_ =	shalt  }
0x65: {  	_ =	shalt  }
0x66: {  	_ =	shalt  }
0x67: {  	_ =	shalt  }
0x68: {  	_ =	shalt  }
0x69: {  	_ =	shalt  }
0x6a: {  	_ =	shalt  }
0x6b: {  	_ =	shalt  }
0x6c: {  	_ =	shalt  }
0x6d: {  	_ =	shalt  }
0x6e: {  	_ =	shalt  }
0x6f: {  	_ =	shalt  }
0x70: {  	_ =	shalt  }
0x71: {  	_ =	shalt  }
0x72: {  	_ =	shalt  }
0x73: {  	_ =	shalt  }
0x74: {  	_ =	shalt  }
0x75: {  	_ =	shalt  }
0x76: {  	_ =	shalt  }
0x77: {  	_ =	shalt  }
0x78: {  	_ =	shalt  }
0x79: {  	_ =	shalt  }
0x7a: {  	_ =	shalt  }
0x7b: {  	_ =	shalt  }
0x7c: {  	_ =	shalt  }
0x7d: {  	_ =	shalt  }
0x7e: {  	_ =	shalt  }
0x7f: {  	_ =	shalt  }
0x80: {  	_ =	shalt  }
0x81: {  	_ =	shalt  }
0x82: {  	_ =	shalt  }
0x83: {  	_ =	shalt  }
0x84: {  	_ =	shalt  }
0x85: {  	_ =	shalt  }
0x86: {  	_ =	shalt  }
0x87: {  	_ =	shalt  }
.Lfunc_end0:
.L_simem_size_0:
called_computation.1_lowered:
.L_overlay_start_0:
0x88: {  	s2 =	sld [smem:$0x3FD9]  }
0x89: {  	s3 =	sld [smem:$0x3FFE];
	_ =	sdelay $0x1  }
0x8a: {  	s1 =	srdreg.scid  }
0x8b: {  	s0 =	sand.u32 $0x1, s1  }
0x8c: {  	s16 =	sshll.u32 s0, $0xA;
	s2 =	sadd.s32 s3, s2  }
0x8d: {  	s2 =	sadd.s32 s2, s16  }
0x8e: {  	[smem:$0x3FB1] =	sst s2  }
0x8f: {  	_ = 	snop  }
0x90: {  	(tm) =	ssettm $0x1  }
0x91: {  	s17 =	sld [smem:$0x3FFB];
	_ =	sdelay $0x3  }
0x92: {  	_ =	strace s17  }
0x93: {  	s2 =	sld [smem:$0x3FFC];
	_ =	sdelay $0x3  }
0x94: {  	_ =	strace s2  }
0x95: {  	s2 =	sld [smem:$0x3FFD];
	_ =	sdelay $0x3  }
0x96: {  	_ =	strace s2  }
0x97: {  	_ =	strace $0x8FFFFFFF  }
0x98: {  	s18 =	sld [smem:$0x3FDB];
	_ =	sdelay $0x1  }
0x99: {  	s19 =	simm.s32 $_scs_section_size  }
0x9a: {  	s4 =	simm.s32 $_size__tile_overlayer_lowered;
	s5 =	simm.s32 $_tile_overlayer_lowered  }
0x9b: {  	s22 =	simm.s32 $0x1BFF;
	s21 =	sshll.u32 s5, $0x1;
	s2 =	sadd.s32 s19, s18  }
0x9c: {  	s6 =	simm.s32 $0x0;
	s20 =	sshll.u32 s4, $0x1;
	s4 =	sadd.s32 s21, s2  }
0x9d: {  	[timem:s6], [sflag:s22] =	dma.local [hbm:s4], s20  }
0x9e: {  	_ =	swait.ge [sflag:s22], s20  }
0x9f: {  	s3 =	ssub.s32 $0x0, s20;
	[sflag:s22] =	ssyncset.done $0x0  }
0xa0: {  	[sflag:s22] =	ssyncadd.s32 s3;
	_ =	sdelay $0x1  }
0xa1: {  	s23 =	simm.s32 $0x1B8B  }
0xa2: {  	_ =	swait.ge [sflag:s23], $0x1  }
0xa3: {  	[sflag:s23] =	ssyncset.done $0x0  }
0xa4: {  	s25 =	simm.s32 $0x1B8E;
	s24 =	sld [smem:$0x3FFE];
	[sflag:s23] =	ssyncadd.s32 $0xFFFFFFFF  }
0xa5: {  	s26 =	simm.s32 $execute0_lowered;
	[smem:$0x3FD2] =	sst s25  }
0xa6: {  	s4 =	sshll.u32 s26, $0x1;
	_ =	strace $0x80000049;
	[dreg:$0x1] =	wrdreg $0xFFFFFFFF  }
0xa7: {  	s28 =	simm.s32 $_size_execute0_lowered;
	s2 =	sadd.s32 s2, s4;
	[dreg:$0x0] =	wrdreg $0x0  }
0xa8: {  	s4 =	sshll.u32 s28, $0x1;
	[dreg:$0x2] =	wrdreg s2  }
0xa9: {  	[dreg:$0x3] =	wrdreg s4  }
0xaa: {  	[dreg:$0x4] =	wrdreg $0xC0  }
0xab: {  	_ =	task [dreg:s6], $0x5FFFF  }
0xac: {  	[dreg:$0x1] =	wrdreg $0xFFFFFFFF  }
0xad: {  	[dreg:$0x0] =	wrdreg $0x60  }
0xae: {  	[dreg:$0x2] =	wrdreg s24  }
0xaf: {  	[dreg:$0x3] =	wrdreg $0x90000  }
0xb0: {  	[dreg:$0x4] =	wrdreg $0x9  }
0xb1: {  	_ =	task.clear_ibuf [dreg:s6], $0x5FFFF;
	_ =	strace $0x90000049  }
0xb2: {  	s29 =	simm.s32 $0x9;
	_ =	strace $0x8000004B  }
0xb3: {  	_ =	swait.ge [sflag:s29], $0x1  }
0xb4: {  	[sflag:s29] =	ssyncadd.s32 $0xFFFFFFFF  }
0xb5: {  	_ =	strace $0x9000004B  }
0xb6: {  	_ =	sfence  }
0xb7: {  	s30 =	sld [smem:$0x0];
	_ =	sdelay $0x2  }
0xb8: {  	s31 =	sshll.u32 s1, $0xD;
	s1 =	sshrl.u32 s1, $0x2  }
0xb9: {  	s3 =	sand.u32 $0x4000, s31;
	s1 =	sadd.s32 s1, s30  }
0xba: {  	s0 =	sor.u32 s3, s0;
	s1 =	sshll.u32 s1, $0x11  }
0xbb: {  	s0 =	sor.u32 s1, s0  }
0xbc: {  	s0 =	sadd.s32 $0x8F2B, s0  }
0xbd: {  	[sflag:s0] =	ssyncadd.remote.s32 $0x1  }
0xbe: {  	_ =	sfence.sel $0xFFFF  }
0xbf: {  	[dreg:$0x0] =	wrdreg $0xFFFFFFFF;
	(pc) =	sbr.abs _section_cstart, $3  }
0xc0: {  	[dreg:$0x1] =	wrdreg $0xFFFFFFFF  }
0xc1: {  	_ =	task.clear_ibuf [dreg:s6], $0x2FFFF;
	_ =	strace $0x9FFFFFFF  }
0xc2: {  	(tm) =	ssettm $0x7FFFFFFF  }
0xc3: {  	_ =	shalt  }
tec
execute0_lowered:
.L_overlay_start_1:
0x0: {  	(tag) =	ssettag $0x1  }
0x1: {  	s5 =	rddreg [dreg:$0x0]  }
0x2: {  	s2 =	rddreg [dreg:$0x1]  }
0x3: {  	s0 =	rddreg [dreg:$0x2]  }
0x4: {  	s4 =	srdreg.scid;
	s3 =	simm.s32 $0x0;
	s1 =	stileid.u32  }
0x5: {  	s22 =	simm.s32 $0x80;
	s23 =	simm.s32 $0x5000;
	s14 =	smul.u32 $0x14000, s1  }
0x6: {  	s6 =	sand.u32 $0x1, s4;
	[smem:$0x7FF] =	sst s3;
	s10 =	smul.u32 $0x50000, s1  }
0x7: {  	s18 =	sadd.s32 $0x67A00, s5;
	s26 =	sshll.u32 s1, $0x6;
	s4 =	sshll.u32 s6, $0x4  }
0x8: {  	_ =	strace $0x8000004A;
	s9 =	ssub.s32 $0x2, s6;
	s15 =	smul.u32 $0x140000, s6  }
0x9: {  	s7 =	sor.u32 s1, s4;
	s4 =	sadd.s32 $0x18800, s5;
	s8 =	sshrl.u32 s14, $0x3  }
0xa: {  	s24 =	sshrl.u32 s9, $0x1;
	s25 =	sshrl.u32 s10, $0x2;
	s12 =	sadd.s32 $0x4000, s14  }
0xb: {  	s16 =	sadd.s32 $0x8000, s14;
	s17 =	sadd.s32 $0xC000, s14;
	s21 =	sadd.s32 $0x10000, s14  }
0xc: {  	s7 =	smul.u32 $0x500, s7;
	s8 =	sadd.s32 s8, s5;
	s19 =	ssub.s32 s9, s24  }
0xd: {  	s28 =	sadd.s32 s14, s15;
	s13 =	sadd.s32 s15, s12;
	s20 =	sadd.s32 s15, s17  }
0xe: {  	s31 =	sadd.s32 s15, s21;
	s24 =	simm.s32 $0x1;
	s6 =	sadd.s32 $0x3FA00, s8  }
0xf: {  	s29 =	sshrl.u32 s28, $0x3;
	s13 =	sshrl.u32 s13, $0x3;
	s30 =	sshrl.u32 s20, $0x3  }
0x10: {  	s20 =	sshrl.u32 s31, $0x3;
	s19 =	smax.u32 s19, $0x1;
	s11 =	sadd.s32 s7, s5  }
0x11: {  	s5 =	sadd.s32 s25, s2;
	s7 =	sor.u32 $0x1C02, s26;
	s10 =	sadd.s32 s18, s29  }
0x12: {  	s8 =	sadd.s32 $0x4800, s11;
	s9 =	sadd.s32 $0xE800, s11;
	s11 =	sadd.s32 s12, s2  }
0x13: {  	s12 =	sadd.s32 s18, s13;
	s13 =	sadd.s32 s16, s2;
	s16 =	sadd.s32 s15, s16  }
0x14: {  	s25 =	simm.s32 $0x0;
	s15 =	sadd.s32 s17, s2;
	s16 =	sshrl.u32 s16, $0x3  }
0x15: {  	s17 =	sadd.s32 s21, s2;
	s21 =	simm.s32 $0x2800;
	s14 =	sadd.s32 s18, s16  }
0x16: {  	s16 =	sadd.s32 s18, s30;
	s18 =	sadd.s32 s18, s20;
	s20 =	simm.s32 $0x2  }
.LBB2_1:
0x17: {  	s26 =	sshrl.u32 s5, $0x3  }
0x18: {  	[spmem:s26], [sflag:s7] =	dma.local [hbm:s6], $0x2800  }
0x19: {  	_ =	swait.ge [sflag:s20], $0x2800  }
0x1a: {  	[sflag:s20] =	ssyncset.done $0x0  }
0x1b: {  	[sflag:s20] =	ssyncadd.s32 $0xFFFFD800  }
0x1c: {  	[tilespmem:s3], [sflag:$0x2] =	stream.linear.gather [hbm4b:s8+s3], $0x2780, $0x38;
	[tilespmem:$0x1D000] =	vst v63  }
0x1d: {  	_ =	swait.ge [sflag:s20], $0x2780  }
0x1e: {  	[sflag:s20] =	ssyncset.done $0x0  }
0x1f: {  	[sflag:s20] =	ssyncadd.s32 $0xFFFFD880  }
0x20: {  	[tilespmem:s21], [sflag:$0x2] =	stream.linear.gather [hbm4b:s9+s3], $0x2780, $0x38;
	[tilespmem:$0x1D000] =	vst v63  }
0x21: {  	_ =	swait.ge [sflag:s20], $0x2780  }
0x22: {  	[sflag:s20] =	ssyncset.done $0x0  }
0x23: {  	[sflag:s20] =	ssyncadd.s32 $0xFFFFD880  }
0x24: {  	s30 =	simm.s32 $0x0;
	[bflag:$0x0] =	sbarrier.arrive $0xFFFF  }
0x25: {  	[tilespmem:s23], [sflag:$0x1] =	stream.indirect.gather [hbm4b:s4+s22], $0x80, s30, s22, $0xb8;
	[tilespmem:$0x1D000] =	vst v63  }
0x26: {  	_ =	swait.ge [sflag:s24], $0x4000  }
0x27: {  	[sflag:s24] =	ssyncset.done $0x0  }
0x28: {  	s31 =	simm.s32 $0x2800;
	[sflag:s24] =	ssyncadd.s32 $0xFFFFC000  }
0x29: {  	[spmem:s2] =	stream.indirect.scatter.add.f32 [tilespmem:s23], [sflag:$0x2], $0x80, s31, s22, $0xb8;
	[tilespmem:$0x1D000] =	vst v63  }
0x2a: {  	_ =	swait.ge [sflag:s20], $0x4000  }
0x2b: {  	s28 =	simm.s32 $0x400;
	s26 =	simm.s32 $0x200;
	[sflag:s20] =	ssyncset.done $0x0  }
.LBB2_2:
0x2c: {  	s29 =	sshra.s32 s26, $0x2  }
0x2d: {  	[sflag:s20] =	ssyncadd.s32 $0xFFFFC000;
	s26 =	smov.u32 s28;
	s30 =	sadd.s32 $0x200, s28  }
0x2e: {  	[tilespmem:s23], [sflag:$0x1] =	stream.indirect.gather [hbm4b:s4+s22], $0x80, s29, s22, $0xb8;
	[tilespmem:$0x1D000] =	vst v63  }
0x2f: {  	p0 =	sne.s32 s28, $0x9C00;
	_ =	swait.ge [sflag:s24], $0x4000  }
.Ltmp0:
0x30: {  	[sflag:s24] =	ssyncset.done $0x0;
	(pc) =	sbr.rel @p0 .LBB2_2-.Ltmp0, $4  }
0x31: {  	s28 =	sadd.s32 $0x2800, s29;
	[sflag:s24] =	ssyncadd.s32 $0xFFFFC000  }
0x32: {  	[spmem:s2] =	stream.indirect.scatter.add.f32 [tilespmem:s23], [sflag:$0x2], $0x80, s28, s22, $0xb8;
	[tilespmem:$0x1D000] =	vst v63  }
0x33: {  	_ =	swait.ge [sflag:s20], $0x4000  }
0x34: {  	s28 =	smov.u32 s30;
	[sflag:s20] =	ssyncset.done $0x0  }
0x35: {  	s26 =	sshra.s32 s26, $0x2;
	[sflag:s20] =	ssyncadd.s32 $0xFFFFC000  }
0x36: {  	[tilespmem:s23], [sflag:$0x1] =	stream.indirect.gather [hbm4b:s4+s22], $0x80, s26, s22, $0xb8;
	[tilespmem:$0x1D000] =	vst v63  }
0x37: {  	_ =	swait.ge [sflag:s24], $0x4000  }
0x38: {  	[sflag:s24] =	ssyncset.done $0x0  }
0x39: {  	s26 =	sadd.s32 $0x2800, s26;
	[sflag:s24] =	ssyncadd.s32 $0xFFFFC000  }
0x3a: {  	[spmem:s2] =	stream.indirect.scatter.add.f32 [tilespmem:s23], [sflag:$0x2], $0x80, s26, s22, $0xb8;
	[tilespmem:$0x1D000] =	vst v63  }
0x3b: {  	_ =	swait.ge [sflag:s20], $0x4000  }
0x3c: {  	[sflag:s20] =	ssyncset.done $0x0  }
0x3d: {  	[sflag:s20] =	ssyncadd.s32 $0xFFFFC000  }
0x3e: {  	[bflag:$0x0] =	sbarrier.arrive $0xFFFF  }
0x3f: {  	[tilespmem:s23], [sflag:$0x2] =	stream.linear.gather [spmem:s5], $0x4000, $0x38;
	[tilespmem:$0x1D000] =	vst v63  }
0x40: {  	_ =	swait.ge [sflag:s20], $0x4000  }
0x41: {  	[sflag:s20] =	ssyncset.done $0x0  }
0x42: {  	[sflag:s20] =	ssyncadd.s32 $0xFFFFC000  }
0x43: {  	[hbm4b:s10+s3] =	stream.linear.scatter [tilespmem:s23], [sflag:$0x2], $0x4000, $0x38;
	[tilespmem:$0x1D000] =	vst v63  }
0x44: {  	_ =	swait.ge [sflag:s20], $0x4000  }
0x45: {  	[sflag:s20] =	ssyncset.done $0x0  }
0x46: {  	[sflag:s20] =	ssyncadd.s32 $0xFFFFC000  }
0x47: {  	[tilespmem:s23], [sflag:$0x2] =	stream.linear.gather [spmem:s11], $0x4000, $0x38;
	[tilespmem:$0x1D000] =	vst v63  }
0x48: {  	_ =	swait.ge [sflag:s20], $0x4000  }
0x49: {  	[sflag:s20] =	ssyncset.done $0x0  }
0x4a: {  	[sflag:s20] =	ssyncadd.s32 $0xFFFFC000  }
0x4b: {  	[hbm4b:s12+s3] =	stream.linear.scatter [tilespmem:s23], [sflag:$0x2], $0x4000, $0x38;
	[tilespmem:$0x1D000] =	vst v63  }
0x4c: {  	_ =	swait.ge [sflag:s20], $0x4000  }
0x4d: {  	[sflag:s20] =	ssyncset.done $0x0  }
0x4e: {  	[sflag:s20] =	ssyncadd.s32 $0xFFFFC000  }
0x4f: {  	[tilespmem:s23], [sflag:$0x2] =	stream.linear.gather [spmem:s13], $0x4000, $0x38;
	[tilespmem:$0x1D000] =	vst v63  }
0x50: {  	_ =	swait.ge [sflag:s20], $0x4000  }
0x51: {  	[sflag:s20] =	ssyncset.done $0x0  }
0x52: {  	[sflag:s20] =	ssyncadd.s32 $0xFFFFC000  }
0x53: {  	[hbm4b:s14+s3] =	stream.linear.scatter [tilespmem:s23], [sflag:$0x2], $0x4000, $0x38;
	[tilespmem:$0x1D000] =	vst v63  }
0x54: {  	_ =	swait.ge [sflag:s20], $0x4000  }
0x55: {  	[sflag:s20] =	ssyncset.done $0x0  }
0x56: {  	[sflag:s20] =	ssyncadd.s32 $0xFFFFC000  }
0x57: {  	[tilespmem:s23], [sflag:$0x2] =	stream.linear.gather [spmem:s15], $0x4000, $0x38;
	[tilespmem:$0x1D000] =	vst v63  }
0x58: {  	_ =	swait.ge [sflag:s20], $0x4000  }
0x59: {  	[sflag:s20] =	ssyncset.done $0x0  }
0x5a: {  	[sflag:s20] =	ssyncadd.s32 $0xFFFFC000  }
0x5b: {  	[hbm4b:s16+s3] =	stream.linear.scatter [tilespmem:s23], [sflag:$0x2], $0x4000, $0x38;
	[tilespmem:$0x1D000] =	vst v63  }
0x5c: {  	_ =	swait.ge [sflag:s20], $0x4000  }
0x5d: {  	[sflag:s20] =	ssyncset.done $0x0  }
0x5e: {  	[sflag:s20] =	ssyncadd.s32 $0xFFFFC000  }
0x5f: {  	[tilespmem:s23], [sflag:$0x2] =	stream.linear.gather [spmem:s17], $0x4000, $0x38;
	[tilespmem:$0x1D000] =	vst v63  }
0x60: {  	s25 =	sadd.s32 $0x1, s25;
	_ =	swait.ge [sflag:s20], $0x4000  }
0x61: {  	p0 =	sne.s32 s25, s19;
	[sflag:s20] =	ssyncset.done $0x0  }
.Ltmp1:
0x62: {  	[sflag:s20] =	ssyncadd.s32 $0xFFFFC000;
	(pc) =	sbr.rel @p0 .LBB2_1-.Ltmp1, $4  }
0x63: {  	[hbm4b:s18+s3] =	stream.linear.scatter [tilespmem:s23], [sflag:$0x2], $0x4000, $0x38;
	[tilespmem:$0x1D000] =	vst v63  }
0x64: {  	_ =	swait.ge [sflag:s20], $0x4000  }
0x65: {  	[sflag:s20] =	ssyncset.done $0x0  }
0x66: {  	[sflag:s20] =	ssyncadd.s32 $0xFFFFC000  }
0x67: {  	_ =	sfence.sel $0x180000  }
0x68: {  	[bflag:$0x0] =	sbarrier.arrive $0xFFFF  }
0x69: {  	p0 =	sne.s32 s1, $0x0;
	_ =	strace $0x9000004A  }
0x6a: {  	s0 =	sadd.s32 @!p0 $0x100000, s0;
	[bflag:$0x2] =	sbarrier.arrive $0xFFFF  }
0x6b: {  	[sflag:s0] =	ssyncadd.tile.s32 @!p0 $0x1;
	_ =	shalt  }
.Lfunc_end2:
_tile_overlayer_lowered:
.L_overlay_start_2:
0x6c: {  	(tag) =	ssettag $0x2  }
0x6d: {  	s0 =	rddreg [dreg:$0x0];
	s2 =	stileid.u32  }
0x6e: {  	s1 =	rddreg [dreg:$0x1];
	p0 =	sne.s32 s2, $0x0  }
0x6f: {  	s3 =	rddreg [dreg:$0x2];
	[bflag:$0x3] =	sbarrier.arrive $0xFFFF;
	s2 =	simm.s32 @!p0 $0x1C02  }
0x70: {  	[timem:s3], [sflag:s2] =	dma.local @!p0 [hbm:s0], s1  }
0x71: {  	s0 =	simm.s32 @!p0 $0x2  }
0x72: {  	_ =	swait.ge @!p0 [sflag:s0], s1  }
0x73: {  	s1 =	ssub.s32 @!p0 $0x0, s1;
	[sflag:s0] =	ssyncset.done @!p0 $0x0  }
0x74: {  	[sflag:s0] =	ssyncadd.s32 @!p0 s1  }
0x75: {  	[bflag:$0x3] =	sbarrier.arrive $0xFFFF  }
0x76: {  	_ =	shalt  }

// kernel: kernel.18.cloned.1.call-start
scs
__scs_entry_jumppad:
0x0: {  	(pc) =	sbr.rel $0x88, $3  }
0x1: {  	(tag) =	ssettag $0x0;
	lr =	simm.s32 $0x1  }
0x2: {  	[smem:$0x3F8A] =	sst lr;
	_ =	strace $0xD0000000  }
0x3: {  	_ = 	snop  }
0x4: {  	_ = 	snop  }
0x5: {  	_ = 	snop  }
0x6: {  	_ = 	snop  }
0x7: {  	_ = 	snop  }
__scs_overlays_trampoline_lowered:
0x8: {  	[smem:$0x3F99] =	sst s0  }
0x9: {  	[smem:$0x3F9A] =	sst s1  }
0xa: {  	[smem:$0x3F9B] =	sst s2  }
0xb: {  	[smem:$0x3F9C] =	sst s3  }
0xc: {  	[smem:$0x3F9D] =	sst s4  }
0xd: {  	[smem:$0x3F9E] =	sst s5  }
0xe: {  	[smem:$0x3F9F] =	sst s6  }
0xf: {  	[smem:$0x3FA0] =	sst s7  }
0x10: {  	[smem:$0x3FA1] =	sst s8  }
0x11: {  	[smem:$0x3FA2] =	sst s9;
	s0 =	simm.s32 @!p0 $0x0  }
0x12: {  	s1 =	sld [smem:$0x3F88];
	s0 =	simm.s32 @p0 $0x1  }
0x13: {  	[smem:$0x3FA3] =	sst s0;
	s0 =	simm.s32 @!p1 $0x0  }
0x14: {  	s2 =	sld [smem:$0x3F87];
	s0 =	simm.s32 @p1 $0x1  }
0x15: {  	[smem:$0x3FA4] =	sst s0;
	s0 =	simm.s32 @!p2 $0x0  }
0x16: {  	s3 =	sld [smem:$0x3FDB];
	s0 =	simm.s32 @p2 $0x1  }
0x17: {  	s4 =	simm.s32 $0x1BF5;
	[smem:$0x3FA6] =	sst s0  }
0x18: {  	s0 =	sld [smem:$0x3F89];
	_ =	swait.ge [sflag:s4], $0x0  }
0x19: {  	s7 =	sld [smem:$0x3F8A]  }
0x1a: {  	s8 =	sadd.s32 $0xFFFFE003, lr  }
0x1b: {  	s9 =	sadd.s32 $0xFFFFFEF7, lr;
	s5 =	simm.s32 $0xFFFFFFFF;
	p2 =	slt.u32 s8, $0xFFFFF086  }
0x1c: {  	p1 =	slt.u32 s9, $0xF7A;
	s5 =	simm.s32 @!p2 $0x0  }
0x1d: {  	s5 =	simm.s32 @p1 $0x1;
	p0 =	seq.s32 s7, s2  }
0x1e: {  	s7 =	smul.u32 @!p0 $0xF7A, s2;
	p2 =	seq.s32 @!p0 s5, $0x0  }
0x1f: {  	s9 =	smul.u32 $0xF7A, s1;
	s8 =	simm.s32 @!p0 $0x1BF5;
	p2 =	por !p2, p0  }
0x20: {  	[sflag:s8] =	ssyncset.s32 @!p0 $0xFFFFF086;
	s6 =	sadd.s32 @!p0 s3, s7;
	s7 =	simm.s32 @!p0 $0x108  }
0x21: {  	s3 =	sadd.s32 s3, s9;
	s6 =	sadd.s32 @!p0 $0x88, s6;
	s7 =	simm.s32 @p2 $0x1082  }
0x22: {  	[simem:s7], [sflag:s8] =	dma.local @!p0 [hbm:s6], $0xF7A  }
0x23: {  	s9 =	sor.u32 $0xD0000000, s2;
	s6 =	simm.s32 $0x108;
	_ =	swait.ge @!p0 [sflag:s8], $0x0  }
0x24: {  	s3 =	sadd.s32 $0x88, s3;
	s6 =	simm.s32 @!p1 $0x1082;
	[sflag:s4] =	ssyncset.s32 $0xFFFFF086  }
0x25: {  	[simem:s6], [sflag:s4] =	dma.local [hbm:s3], $0xF7A  }
0x26: {  	[smem:$0x3F8A] =	sst s1;
	(tag) =	ssettag s2;
	_ =	strace s9  }
0x27: {  	s1 =	sld [smem:$0x3F9A]  }
0x28: {  	s2 =	sld [smem:$0x3F9B]  }
0x29: {  	s4 =	sld [smem:$0x3F9D]  }
0x2a: {  	p0 =	seq.s32 s5, $0x0;
	s5 =	sld [smem:$0x3F9E]  }
0x2b: {  	s6 =	sld [smem:$0x3F9F]  }
0x2c: {  	s7 =	sld [smem:$0x3FA0]  }
0x2d: {  	s3 =	simm.s32 $0x108;
	s8 =	sld [smem:$0x3FA1]  }
0x2e: {  	s3 =	simm.s32 @!p0 $0x1082;
	s9 =	sld [smem:$0x3FA2]  }
0x2f: {  	lr =	sadd.s32 s0, s3;
	s0 =	sld [smem:$0x3F99]  }
0x30: {  	s3 =	sld [smem:$0x3F9C]  }
0x31: {  	[smem:$0x3FA5] =	sst s10  }
0x32: {  	s10 =	sld [smem:$0x3FA3];
	_ =	sdelay $0x3  }
0x33: {  	p0 =	seq.s32 s10, $0x1;
	s10 =	sld [smem:$0x3FA5];
	_ =	sdelay $0x3  }
0x34: {  	[smem:$0x3FA5] =	sst s10  }
0x35: {  	s10 =	sld [smem:$0x3FA4];
	_ =	sdelay $0x3  }
0x36: {  	p1 =	seq.s32 s10, $0x1;
	s10 =	sld [smem:$0x3FA5];
	_ =	sdelay $0x3  }
0x37: {  	[smem:$0x3FA5] =	sst s10  }
0x38: {  	s10 =	sld [smem:$0x3FA6]  }
0x39: {  	_ = 	snop;
	(pc) =	sbr.ind lr, $3  }
0x3a: {  	_ = 	snop  }
0x3b: {  	_ = 	snop  }
0x3c: {  	p2 =	seq.s32 s10, $0x1;
	s10 =	sld [smem:$0x3FA5]  }
0x3d: {  	_ =	shalt  }
0x3e: {  	_ =	shalt  }
0x3f: {  	_ =	shalt  }
0x40: {  	_ =	shalt  }
0x41: {  	_ =	shalt  }
0x42: {  	_ =	shalt  }
0x43: {  	_ =	shalt  }
0x44: {  	_ =	shalt  }
0x45: {  	_ =	shalt  }
0x46: {  	_ =	shalt  }
0x47: {  	_ =	shalt  }
0x48: {  	_ =	shalt  }
0x49: {  	_ =	shalt  }
0x4a: {  	_ =	shalt  }
0x4b: {  	_ =	shalt  }
0x4c: {  	_ =	shalt  }
0x4d: {  	_ =	shalt  }
0x4e: {  	_ =	shalt  }
0x4f: {  	_ =	shalt  }
0x50: {  	_ =	shalt  }
0x51: {  	_ =	shalt  }
0x52: {  	_ =	shalt  }
0x53: {  	_ =	shalt  }
0x54: {  	_ =	shalt  }
0x55: {  	_ =	shalt  }
0x56: {  	_ =	shalt  }
0x57: {  	_ =	shalt  }
0x58: {  	_ =	shalt  }
0x59: {  	_ =	shalt  }
0x5a: {  	_ =	shalt  }
0x5b: {  	_ =	shalt  }
0x5c: {  	_ =	shalt  }
0x5d: {  	_ =	shalt  }
0x5e: {  	_ =	shalt  }
0x5f: {  	_ =	shalt  }
0x60: {  	_ =	shalt  }
0x61: {  	_ =	shalt  }
0x62: {  	_ =	shalt  }
0x63: {  	_ =	shalt  }
0x64: {  	_ =	shalt  }
0x65: {  	_ =	shalt  }
0x66: {  	_ =	shalt  }
0x67: {  	_ =	shalt  }
0x68: {  	_ =	shalt  }
0x69: {  	_ =	shalt  }
0x6a: {  	_ =	shalt  }
0x6b: {  	_ =	shalt  }
0x6c: {  	_ =	shalt  }
0x6d: {  	_ =	shalt  }
0x6e: {  	_ =	shalt  }
0x6f: {  	_ =	shalt  }
0x70: {  	_ =	shalt  }
0x71: {  	_ =	shalt  }
0x72: {  	_ =	shalt  }
0x73: {  	_ =	shalt  }
0x74: {  	_ =	shalt  }
0x75: {  	_ =	shalt  }
0x76: {  	_ =	shalt  }
0x77: {  	_ =	shalt  }
0x78: {  	_ =	shalt  }
0x79: {  	_ =	shalt  }
0x7a: {  	_ =	shalt  }
0x7b: {  	_ =	shalt  }
0x7c: {  	_ =	shalt  }
0x7d: {  	_ =	shalt  }
0x7e: {  	_ =	shalt  }
0x7f: {  	_ =	shalt  }
0x80: {  	_ =	shalt  }
0x81: {  	_ =	shalt  }
0x82: {  	_ =	shalt  }
0x83: {  	_ =	shalt  }
0x84: {  	_ =	shalt  }
0x85: {  	_ =	shalt  }
0x86: {  	_ =	shalt  }
0x87: {  	_ =	shalt  }
.Lfunc_end0:
.L_simem_size_0:
called_computation.2_lowered:
.L_overlay_start_0:
0x88: {  	s2 =	sld [smem:$0x3FD9]  }
0x89: {  	s3 =	sld [smem:$0x3FFE];
	_ =	sdelay $0x1  }
0x8a: {  	s1 =	srdreg.scid  }
0x8b: {  	s0 =	sand.u32 $0x1, s1  }
0x8c: {  	s16 =	sshll.u32 s0, $0xA;
	s2 =	sadd.s32 s3, s2  }
0x8d: {  	s2 =	sadd.s32 s2, s16  }
0x8e: {  	[smem:$0x3FB1] =	sst s2  }
0x8f: {  	_ = 	snop  }
0x90: {  	(tm) =	ssettm $0x1  }
0x91: {  	s17 =	sld [smem:$0x3FFB];
	_ =	sdelay $0x3  }
0x92: {  	_ =	strace s17  }
0x93: {  	s2 =	sld [smem:$0x3FFC];
	_ =	sdelay $0x3  }
0x94: {  	_ =	strace s2  }
0x95: {  	s2 =	sld [smem:$0x3FFD];
	_ =	sdelay $0x3  }
0x96: {  	_ =	strace s2  }
0x97: {  	_ =	strace $0x8FFFFFFF  }
0x98: {  	s18 =	sld [smem:$0x3FDB];
	_ =	sdelay $0x1  }
0x99: {  	s19 =	simm.s32 $_scs_section_size  }
0x9a: {  	s4 =	simm.s32 $_size__tile_overlayer_lowered;
	s5 =	simm.s32 $_tile_overlayer_lowered  }
0x9b: {  	s22 =	simm.s32 $0x1BFF;
	s21 =	sshll.u32 s5, $0x1;
	s2 =	sadd.s32 s19, s18  }
0x9c: {  	s6 =	simm.s32 $0x0;
	s20 =	sshll.u32 s4, $0x1;
	s4 =	sadd.s32 s21, s2  }
0x9d: {  	[timem:s6], [sflag:s22] =	dma.local [hbm:s4], s20  }
0x9e: {  	_ =	swait.ge [sflag:s22], s20  }
0x9f: {  	s3 =	ssub.s32 $0x0, s20;
	[sflag:s22] =	ssyncset.done $0x0  }
0xa0: {  	[sflag:s22] =	ssyncadd.s32 s3;
	_ =	sdelay $0x1  }
0xa1: {  	s23 =	simm.s32 $0x1B8B  }
0xa2: {  	_ =	swait.ge [sflag:s23], $0x1  }
0xa3: {  	[sflag:s23] =	ssyncset.done $0x0  }
0xa4: {  	s25 =	simm.s32 $0x1B8E;
	s24 =	sld [smem:$0x3FFE];
	[sflag:s23] =	ssyncadd.s32 $0xFFFFFFFF  }
0xa5: {  	s26 =	simm.s32 $execute0_lowered;
	[smem:$0x3FD2] =	sst s25  }
0xa6: {  	s4 =	sshll.u32 s26, $0x1;
	_ =	strace $0x8000004C;
	[dreg:$0x1] =	wrdreg $0xFFFFFFFF  }
0xa7: {  	s28 =	simm.s32 $_size_execute0_lowered;
	s2 =	sadd.s32 s2, s4;
	[dreg:$0x0] =	wrdreg $0x0  }
0xa8: {  	s4 =	sshll.u32 s28, $0x1;
	[dreg:$0x2] =	wrdreg s2  }
0xa9: {  	[dreg:$0x3] =	wrdreg s4  }
0xaa: {  	[dreg:$0x4] =	wrdreg $0xC0  }
0xab: {  	_ =	task [dreg:s6], $0x5FFFF  }
0xac: {  	[dreg:$0x1] =	wrdreg $0xFFFFFFFF  }
0xad: {  	[dreg:$0x0] =	wrdreg $0x60  }
0xae: {  	[dreg:$0x2] =	wrdreg s24  }
0xaf: {  	[dreg:$0x3] =	wrdreg $0x90000  }
0xb0: {  	[dreg:$0x4] =	wrdreg $0x9  }
0xb1: {  	_ =	task.clear_ibuf [dreg:s6], $0x5FFFF;
	_ =	strace $0x9000004C  }
0xb2: {  	s29 =	simm.s32 $0x9;
	_ =	strace $0x8000004E  }
0xb3: {  	_ =	swait.ge [sflag:s29], $0x1  }
0xb4: {  	[sflag:s29] =	ssyncadd.s32 $0xFFFFFFFF  }
0xb5: {  	_ =	strace $0x9000004E  }
0xb6: {  	_ =	sfence  }
0xb7: {  	s30 =	sld [smem:$0x0];
	_ =	sdelay $0x2  }
0xb8: {  	s31 =	sshll.u32 s1, $0xD;
	s1 =	sshrl.u32 s1, $0x2  }
0xb9: {  	s3 =	sand.u32 $0x4000, s31;
	s1 =	sadd.s32 s1, s30  }
0xba: {  	s0 =	sor.u32 s3, s0;
	s1 =	sshll.u32 s1, $0x11  }
0xbb: {  	s0 =	sor.u32 s1, s0  }
0xbc: {  	s0 =	sadd.s32 $0x8F2B, s0  }
0xbd: {  	[sflag:s0] =	ssyncadd.remote.s32 $0x1  }
0xbe: {  	_ =	sfence.sel $0xFFFF  }
0xbf: {  	[dreg:$0x0] =	wrdreg $0xFFFFFFFF;
	(pc) =	sbr.abs _section_cstart, $3  }
0xc0: {  	[dreg:$0x1] =	wrdreg $0xFFFFFFFF  }
0xc1: {  	_ =	task.clear_ibuf [dreg:s6], $0x2FFFF;
	_ =	strace $0x9FFFFFFF  }
0xc2: {  	(tm) =	ssettm $0x7FFFFFFF  }
0xc3: {  	_ =	shalt  }
tec
execute0_lowered:
.L_overlay_start_1:
0x0: {  	(tag) =	ssettag $0x1  }
0x1: {  	s5 =	rddreg [dreg:$0x0]  }
0x2: {  	s2 =	rddreg [dreg:$0x1]  }
0x3: {  	s0 =	rddreg [dreg:$0x2]  }
0x4: {  	s4 =	srdreg.scid;
	s3 =	simm.s32 $0x0;
	s1 =	stileid.u32  }
0x5: {  	s22 =	simm.s32 $0x80;
	s23 =	simm.s32 $0x5000;
	s14 =	smul.u32 $0x14000, s1  }
0x6: {  	s6 =	sand.u32 $0x1, s4;
	[smem:$0x7FF] =	sst s3;
	s10 =	smul.u32 $0x50000, s1  }
0x7: {  	s18 =	sadd.s32 $0x67A00, s5;
	s26 =	sshll.u32 s1, $0x6;
	s4 =	sshll.u32 s6, $0x4  }
0x8: {  	_ =	strace $0x8000004D;
	s9 =	ssub.s32 $0x2, s6;
	s15 =	smul.u32 $0x140000, s6  }
0x9: {  	s7 =	sor.u32 s1, s4;
	s4 =	sadd.s32 $0x18800, s5;
	s8 =	sshrl.u32 s14, $0x3  }
0xa: {  	s24 =	sshrl.u32 s9, $0x1;
	s25 =	sshrl.u32 s10, $0x2;
	s12 =	sadd.s32 $0x4000, s14  }
0xb: {  	s16 =	sadd.s32 $0x8000, s14;
	s17 =	sadd.s32 $0xC000, s14;
	s21 =	sadd.s32 $0x10000, s14  }
0xc: {  	s7 =	smul.u32 $0x500, s7;
	s8 =	sadd.s32 s8, s5;
	s19 =	ssub.s32 s9, s24  }
0xd: {  	s28 =	sadd.s32 s14, s15;
	s13 =	sadd.s32 s15, s12;
	s20 =	sadd.s32 s15, s17  }
0xe: {  	s31 =	sadd.s32 s15, s21;
	s24 =	simm.s32 $0x1;
	s6 =	sadd.s32 $0x3FA00, s8  }
0xf: {  	s29 =	sshrl.u32 s28, $0x3;
	s13 =	sshrl.u32 s13, $0x3;
	s30 =	sshrl.u32 s20, $0x3  }
0x10: {  	s20 =	sshrl.u32 s31, $0x3;
	s19 =	smax.u32 s19, $0x1;
	s11 =	sadd.s32 s7, s5  }
0x11: {  	s5 =	sadd.s32 s25, s2;
	s7 =	sor.u32 $0x1C02, s26;
	s10 =	sadd.s32 s18, s29  }
0x12: {  	s8 =	sadd.s32 $0x4800, s11;
	s9 =	sadd.s32 $0xE800, s11;
	s11 =	sadd.s32 s12, s2  }
0x13: {  	s12 =	sadd.s32 s18, s13;
	s13 =	sadd.s32 s16, s2;
	s16 =	sadd.s32 s15, s16  }
0x14: {  	s25 =	simm.s32 $0x0;
	s15 =	sadd.s32 s17, s2;
	s16 =	sshrl.u32 s16, $0x3  }
0x15: {  	s17 =	sadd.s32 s21, s2;
	s21 =	simm.s32 $0x2800;
	s14 =	sadd.s32 s18, s16  }
0x16: {  	s16 =	sadd.s32 s18, s30;
	s18 =	sadd.s32 s18, s20;
	s20 =	simm.s32 $0x2  }
.LBB2_1:
0x17: {  	s26 =	sshrl.u32 s5, $0x3  }
0x18: {  	[spmem:s26], [sflag:s7] =	dma.local [hbm:s6], $0x2800  }
0x19: {  	_ =	swait.ge [sflag:s20], $0x2800  }
0x1a: {  	[sflag:s20] =	ssyncset.done $0x0  }
0x1b: {  	[sflag:s20] =	ssyncadd.s32 $0xFFFFD800  }
0x1c: {  	[tilespmem:s3], [sflag:$0x2] =	stream.linear.gather [hbm4b:s8+s3], $0x2780, $0x38;
	[tilespmem:$0x1D000] =	vst v63  }
0x1d: {  	_ =	swait.ge [sflag:s20], $0x2780  }
0x1e: {  	[sflag:s20] =	ssyncset.done $0x0  }
0x1f: {  	[sflag:s20] =	ssyncadd.s32 $0xFFFFD880  }
0x20: {  	[tilespmem:s21], [sflag:$0x2] =	stream.linear.gather [hbm4b:s9+s3], $0x2780, $0x38;
	[tilespmem:$0x1D000] =	vst v63  }
0x21: {  	_ =	swait.ge [sflag:s20], $0x2780  }
0x22: {  	[sflag:s20] =	ssyncset.done $0x0  }
0x23: {  	[sflag:s20] =	ssyncadd.s32 $0xFFFFD880  }
0x24: {  	s30 =	simm.s32 $0x0;
	[bflag:$0x0] =	sbarrier.arrive $0xFFFF  }
0x25: {  	[tilespmem:s23], [sflag:$0x1] =	stream.indirect.gather [hbm4b:s4+s22], $0x80, s30, s22, $0xb8;
	[tilespmem:$0x1D000] =	vst v63  }
0x26: {  	_ =	swait.ge [sflag:s24], $0x4000  }
0x27: {  	[sflag:s24] =	ssyncset.done $0x0  }
0x28: {  	s31 =	simm.s32 $0x2800;
	[sflag:s24] =	ssyncadd.s32 $0xFFFFC000  }
0x29: {  	[spmem:s2] =	stream.indirect.scatter.add.f32 [tilespmem:s23], [sflag:$0x2], $0x80, s31, s22, $0xb8;
	[tilespmem:$0x1D000] =	vst v63  }
0x2a: {  	_ =	swait.ge [sflag:s20], $0x4000  }
0x2b: {  	s28 =	simm.s32 $0x400;
	s26 =	simm.s32 $0x200;
	[sflag:s20] =	ssyncset.done $0x0  }
.LBB2_2:
0x2c: {  	s29 =	sshra.s32 s26, $0x2  }
0x2d: {  	[sflag:s20] =	ssyncadd.s32 $0xFFFFC000;
	s26 =	smov.u32 s28;
	s30 =	sadd.s32 $0x200, s28  }
0x2e: {  	[tilespmem:s23], [sflag:$0x1] =	stream.indirect.gather [hbm4b:s4+s22], $0x80, s29, s22, $0xb8;
	[tilespmem:$0x1D000] =	vst v63  }
0x2f: {  	p0 =	sne.s32 s28, $0x9C00;
	_ =	swait.ge [sflag:s24], $0x4000  }
.Ltmp0:
0x30: {  	[sflag:s24] =	ssyncset.done $0x0;
	(pc) =	sbr.rel @p0 .LBB2_2-.Ltmp0, $4  }
0x31: {  	s28 =	sadd.s32 $0x2800, s29;
	[sflag:s24] =	ssyncadd.s32 $0xFFFFC000  }
0x32: {  	[spmem:s2] =	stream.indirect.scatter.add.f32 [tilespmem:s23], [sflag:$0x2], $0x80, s28, s22, $0xb8;
	[tilespmem:$0x1D000] =	vst v63  }
0x33: {  	_ =	swait.ge [sflag:s20], $0x4000  }
0x34: {  	s28 =	smov.u32 s30;
	[sflag:s20] =	ssyncset.done $0x0  }
0x35: {  	s26 =	sshra.s32 s26, $0x2;
	[sflag:s20] =	ssyncadd.s32 $0xFFFFC000  }
0x36: {  	[tilespmem:s23], [sflag:$0x1] =	stream.indirect.gather [hbm4b:s4+s22], $0x80, s26, s22, $0xb8;
	[tilespmem:$0x1D000] =	vst v63  }
0x37: {  	_ =	swait.ge [sflag:s24], $0x4000  }
0x38: {  	[sflag:s24] =	ssyncset.done $0x0  }
0x39: {  	s26 =	sadd.s32 $0x2800, s26;
	[sflag:s24] =	ssyncadd.s32 $0xFFFFC000  }
0x3a: {  	[spmem:s2] =	stream.indirect.scatter.add.f32 [tilespmem:s23], [sflag:$0x2], $0x80, s26, s22, $0xb8;
	[tilespmem:$0x1D000] =	vst v63  }
0x3b: {  	_ =	swait.ge [sflag:s20], $0x4000  }
0x3c: {  	[sflag:s20] =	ssyncset.done $0x0  }
0x3d: {  	[sflag:s20] =	ssyncadd.s32 $0xFFFFC000  }
0x3e: {  	[bflag:$0x0] =	sbarrier.arrive $0xFFFF  }
0x3f: {  	[tilespmem:s23], [sflag:$0x2] =	stream.linear.gather [spmem:s5], $0x4000, $0x38;
	[tilespmem:$0x1D000] =	vst v63  }
0x40: {  	_ =	swait.ge [sflag:s20], $0x4000  }
0x41: {  	[sflag:s20] =	ssyncset.done $0x0  }
0x42: {  	[sflag:s20] =	ssyncadd.s32 $0xFFFFC000  }
0x43: {  	[hbm4b:s10+s3] =	stream.linear.scatter [tilespmem:s23], [sflag:$0x2], $0x4000, $0x38;
	[tilespmem:$0x1D000] =	vst v63  }
0x44: {  	_ =	swait.ge [sflag:s20], $0x4000  }
0x45: {  	[sflag:s20] =	ssyncset.done $0x0  }
0x46: {  	[sflag:s20] =	ssyncadd.s32 $0xFFFFC000  }
0x47: {  	[tilespmem:s23], [sflag:$0x2] =	stream.linear.gather [spmem:s11], $0x4000, $0x38;
	[tilespmem:$0x1D000] =	vst v63  }
0x48: {  	_ =	swait.ge [sflag:s20], $0x4000  }
0x49: {  	[sflag:s20] =	ssyncset.done $0x0  }
0x4a: {  	[sflag:s20] =	ssyncadd.s32 $0xFFFFC000  }
0x4b: {  	[hbm4b:s12+s3] =	stream.linear.scatter [tilespmem:s23], [sflag:$0x2], $0x4000, $0x38;
	[tilespmem:$0x1D000] =	vst v63  }
0x4c: {  	_ =	swait.ge [sflag:s20], $0x4000  }
0x4d: {  	[sflag:s20] =	ssyncset.done $0x0  }
0x4e: {  	[sflag:s20] =	ssyncadd.s32 $0xFFFFC000  }
0x4f: {  	[tilespmem:s23], [sflag:$0x2] =	stream.linear.gather [spmem:s13], $0x4000, $0x38;
	[tilespmem:$0x1D000] =	vst v63  }
0x50: {  	_ =	swait.ge [sflag:s20], $0x4000  }
0x51: {  	[sflag:s20] =	ssyncset.done $0x0  }
0x52: {  	[sflag:s20] =	ssyncadd.s32 $0xFFFFC000  }
0x53: {  	[hbm4b:s14+s3] =	stream.linear.scatter [tilespmem:s23], [sflag:$0x2], $0x4000, $0x38;
	[tilespmem:$0x1D000] =	vst v63  }
0x54: {  	_ =	swait.ge [sflag:s20], $0x4000  }
0x55: {  	[sflag:s20] =	ssyncset.done $0x0  }
0x56: {  	[sflag:s20] =	ssyncadd.s32 $0xFFFFC000  }
0x57: {  	[tilespmem:s23], [sflag:$0x2] =	stream.linear.gather [spmem:s15], $0x4000, $0x38;
	[tilespmem:$0x1D000] =	vst v63  }
0x58: {  	_ =	swait.ge [sflag:s20], $0x4000  }
0x59: {  	[sflag:s20] =	ssyncset.done $0x0  }
0x5a: {  	[sflag:s20] =	ssyncadd.s32 $0xFFFFC000  }
0x5b: {  	[hbm4b:s16+s3] =	stream.linear.scatter [tilespmem:s23], [sflag:$0x2], $0x4000, $0x38;
	[tilespmem:$0x1D000] =	vst v63  }
0x5c: {  	_ =	swait.ge [sflag:s20], $0x4000  }
0x5d: {  	[sflag:s20] =	ssyncset.done $0x0  }
0x5e: {  	[sflag:s20] =	ssyncadd.s32 $0xFFFFC000  }
0x5f: {  	[tilespmem:s23], [sflag:$0x2] =	stream.linear.gather [spmem:s17], $0x4000, $0x38;
	[tilespmem:$0x1D000] =	vst v63  }
0x60: {  	s25 =	sadd.s32 $0x1, s25;
	_ =	swait.ge [sflag:s20], $0x4000  }
0x61: {  	p0 =	sne.s32 s25, s19;
	[sflag:s20] =	ssyncset.done $0x0  }
.Ltmp1:
0x62: {  	[sflag:s20] =	ssyncadd.s32 $0xFFFFC000;
	(pc) =	sbr.rel @p0 .LBB2_1-.Ltmp1, $4  }
0x63: {  	[hbm4b:s18+s3] =	stream.linear.scatter [tilespmem:s23], [sflag:$0x2], $0x4000, $0x38;
	[tilespmem:$0x1D000] =	vst v63  }
0x64: {  	_ =	swait.ge [sflag:s20], $0x4000  }
0x65: {  	[sflag:s20] =	ssyncset.done $0x0  }
0x66: {  	[sflag:s20] =	ssyncadd.s32 $0xFFFFC000  }
0x67: {  	_ =	sfence.sel $0x180000  }
0x68: {  	[bflag:$0x0] =	sbarrier.arrive $0xFFFF  }
0x69: {  	p0 =	sne.s32 s1, $0x0;
	_ =	strace $0x9000004D  }
0x6a: {  	s0 =	sadd.s32 @!p0 $0x100000, s0;
	[bflag:$0x2] =	sbarrier.arrive $0xFFFF  }
0x6b: {  	[sflag:s0] =	ssyncadd.tile.s32 @!p0 $0x1;
	_ =	shalt  }
.Lfunc_end2:
_tile_overlayer_lowered:
.L_overlay_start_2:
0x6c: {  	(tag) =	ssettag $0x2  }
0x6d: {  	s0 =	rddreg [dreg:$0x0];
	s2 =	stileid.u32  }
0x6e: {  	s1 =	rddreg [dreg:$0x1];
	p0 =	sne.s32 s2, $0x0  }
0x6f: {  	s3 =	rddreg [dreg:$0x2];
	[bflag:$0x3] =	sbarrier.arrive $0xFFFF;
	s2 =	simm.s32 @!p0 $0x1C02  }
0x70: {  	[timem:s3], [sflag:s2] =	dma.local @!p0 [hbm:s0], s1  }
0x71: {  	s0 =	simm.s32 @!p0 $0x2  }
0x72: {  	_ =	swait.ge @!p0 [sflag:s0], s1  }
0x73: {  	s1 =	ssub.s32 @!p0 $0x0, s1;
	[sflag:s0] =	ssyncset.done @!p0 $0x0  }
0x74: {  	[sflag:s0] =	ssyncadd.s32 @!p0 s1  }
0x75: {  	[bflag:$0x3] =	sbarrier.arrive $0xFFFF  }
0x76: {  	_ =	shalt  }

// kernel: kernel.21.cloned.1.call-start
scs
__scs_entry_jumppad:
0x0: {  	(pc) =	sbr.rel $0x88, $3  }
0x1: {  	(tag) =	ssettag $0x0;
	lr =	simm.s32 $0x1  }
0x2: {  	[smem:$0x3F8A] =	sst lr;
	_ =	strace $0xD0000000  }
0x3: {  	_ = 	snop  }
0x4: {  	_ = 	snop  }
0x5: {  	_ = 	snop  }
0x6: {  	_ = 	snop  }
0x7: {  	_ = 	snop  }
__scs_overlays_trampoline_lowered:
0x8: {  	[smem:$0x3F99] =	sst s0  }
0x9: {  	[smem:$0x3F9A] =	sst s1  }
0xa: {  	[smem:$0x3F9B] =	sst s2  }
0xb: {  	[smem:$0x3F9C] =	sst s3  }
0xc: {  	[smem:$0x3F9D] =	sst s4  }
0xd: {  	[smem:$0x3F9E] =	sst s5  }
0xe: {  	[smem:$0x3F9F] =	sst s6  }
0xf: {  	[smem:$0x3FA0] =	sst s7  }
0x10: {  	[smem:$0x3FA1] =	sst s8  }
0x11: {  	[smem:$0x3FA2] =	sst s9;
	s0 =	simm.s32 @!p0 $0x0  }
0x12: {  	s1 =	sld [smem:$0x3F88];
	s0 =	simm.s32 @p0 $0x1  }
0x13: {  	[smem:$0x3FA3] =	sst s0;
	s0 =	simm.s32 @!p1 $0x0  }
0x14: {  	s2 =	sld [smem:$0x3F87];
	s0 =	simm.s32 @p1 $0x1  }
0x15: {  	[smem:$0x3FA4] =	sst s0;
	s0 =	simm.s32 @!p2 $0x0  }
0x16: {  	s3 =	sld [smem:$0x3FDB];
	s0 =	simm.s32 @p2 $0x1  }
0x17: {  	s4 =	simm.s32 $0x1BF5;
	[smem:$0x3FA6] =	sst s0  }
0x18: {  	s0 =	sld [smem:$0x3F89];
	_ =	swait.ge [sflag:s4], $0x0  }
0x19: {  	s7 =	sld [smem:$0x3F8A]  }
0x1a: {  	s8 =	sadd.s32 $0xFFFFE003, lr  }
0x1b: {  	s9 =	sadd.s32 $0xFFFFFEF7, lr;
	s5 =	simm.s32 $0xFFFFFFFF;
	p2 =	slt.u32 s8, $0xFFFFF086  }
0x1c: {  	p1 =	slt.u32 s9, $0xF7A;
	s5 =	simm.s32 @!p2 $0x0  }
0x1d: {  	s5 =	simm.s32 @p1 $0x1;
	p0 =	seq.s32 s7, s2  }
0x1e: {  	s7 =	smul.u32 @!p0 $0xF7A, s2;
	p2 =	seq.s32 @!p0 s5, $0x0  }
0x1f: {  	s9 =	smul.u32 $0xF7A, s1;
	s8 =	simm.s32 @!p0 $0x1BF5;
	p2 =	por !p2, p0  }
0x20: {  	[sflag:s8] =	ssyncset.s32 @!p0 $0xFFFFF086;
	s6 =	sadd.s32 @!p0 s3, s7;
	s7 =	simm.s32 @!p0 $0x108  }
0x21: {  	s3 =	sadd.s32 s3, s9;
	s6 =	sadd.s32 @!p0 $0x88, s6;
	s7 =	simm.s32 @p2 $0x1082  }
0x22: {  	[simem:s7], [sflag:s8] =	dma.local @!p0 [hbm:s6], $0xF7A  }
0x23: {  	s9 =	sor.u32 $0xD0000000, s2;
	s6 =	simm.s32 $0x108;
	_ =	swait.ge @!p0 [sflag:s8], $0x0  }
0x24: {  	s3 =	sadd.s32 $0x88, s3;
	s6 =	simm.s32 @!p1 $0x1082;
	[sflag:s4] =	ssyncset.s32 $0xFFFFF086  }
0x25: {  	[simem:s6], [sflag:s4] =	dma.local [hbm:s3], $0xF7A  }
0x26: {  	[smem:$0x3F8A] =	sst s1;
	(tag) =	ssettag s2;
	_ =	strace s9  }
0x27: {  	s1 =	sld [smem:$0x3F9A]  }
0x28: {  	s2 =	sld [smem:$0x3F9B]  }
0x29: {  	s4 =	sld [smem:$0x3F9D]  }
0x2a: {  	p0 =	seq.s32 s5, $0x0;
	s5 =	sld [smem:$0x3F9E]  }
0x2b: {  	s6 =	sld [smem:$0x3F9F]  }
0x2c: {  	s7 =	sld [smem:$0x3FA0]  }
0x2d: {  	s3 =	simm.s32 $0x108;
	s8 =	sld [smem:$0x3FA1]  }
0x2e: {  	s3 =	simm.s32 @!p0 $0x1082;
	s9 =	sld [smem:$0x3FA2]  }
0x2f: {  	lr =	sadd.s32 s0, s3;
	s0 =	sld [smem:$0x3F99]  }
0x30: {  	s3 =	sld [smem:$0x3F9C]  }
0x31: {  	[smem:$0x3FA5] =	sst s10  }
0x32: {  	s10 =	sld [smem:$0x3FA3];
	_ =	sdelay $0x3  }
0x33: {  	p0 =	seq.s32 s10, $0x1;
	s10 =	sld [smem:$0x3FA5];
	_ =	sdelay $0x3  }
0x34: {  	[smem:$0x3FA5] =	sst s10  }
0x35: {  	s10 =	sld [smem:$0x3FA4];
	_ =	sdelay $0x3  }
0x36: {  	p1 =	seq.s32 s10, $0x1;
	s10 =	sld [smem:$0x3FA5];
	_ =	sdelay $0x3  }
0x37: {  	[smem:$0x3FA5] =	sst s10  }
0x38: {  	s10 =	sld [smem:$0x3FA6]  }
0x39: {  	_ = 	snop;
	(pc) =	sbr.ind lr, $3  }
0x3a: {  	_ = 	snop  }
0x3b: {  	_ = 	snop  }
0x3c: {  	p2 =	seq.s32 s10, $0x1;
	s10 =	sld [smem:$0x3FA5]  }
0x3d: {  	_ =	shalt  }
0x3e: {  	_ =	shalt  }
0x3f: {  	_ =	shalt  }
0x40: {  	_ =	shalt  }
0x41: {  	_ =	shalt  }
0x42: {  	_ =	shalt  }
0x43: {  	_ =	shalt  }
0x44: {  	_ =	shalt  }
0x45: {  	_ =	shalt  }
0x46: {  	_ =	shalt  }
0x47: {  	_ =	shalt  }
0x48: {  	_ =	shalt  }
0x49: {  	_ =	shalt  }
0x4a: {  	_ =	shalt  }
0x4b: {  	_ =	shalt  }
0x4c: {  	_ =	shalt  }
0x4d: {  	_ =	shalt  }
0x4e: {  	_ =	shalt  }
0x4f: {  	_ =	shalt  }
0x50: {  	_ =	shalt  }
0x51: {  	_ =	shalt  }
0x52: {  	_ =	shalt  }
0x53: {  	_ =	shalt  }
0x54: {  	_ =	shalt  }
0x55: {  	_ =	shalt  }
0x56: {  	_ =	shalt  }
0x57: {  	_ =	shalt  }
0x58: {  	_ =	shalt  }
0x59: {  	_ =	shalt  }
0x5a: {  	_ =	shalt  }
0x5b: {  	_ =	shalt  }
0x5c: {  	_ =	shalt  }
0x5d: {  	_ =	shalt  }
0x5e: {  	_ =	shalt  }
0x5f: {  	_ =	shalt  }
0x60: {  	_ =	shalt  }
0x61: {  	_ =	shalt  }
0x62: {  	_ =	shalt  }
0x63: {  	_ =	shalt  }
0x64: {  	_ =	shalt  }
0x65: {  	_ =	shalt  }
0x66: {  	_ =	shalt  }
0x67: {  	_ =	shalt  }
0x68: {  	_ =	shalt  }
0x69: {  	_ =	shalt  }
0x6a: {  	_ =	shalt  }
0x6b: {  	_ =	shalt  }
0x6c: {  	_ =	shalt  }
0x6d: {  	_ =	shalt  }
0x6e: {  	_ =	shalt  }
0x6f: {  	_ =	shalt  }
0x70: {  	_ =	shalt  }
0x71: {  	_ =	shalt  }
0x72: {  	_ =	shalt  }
0x73: {  	_ =	shalt  }
0x74: {  	_ =	shalt  }
0x75: {  	_ =	shalt  }
0x76: {  	_ =	shalt  }
0x77: {  	_ =	shalt  }
0x78: {  	_ =	shalt  }
0x79: {  	_ =	shalt  }
0x7a: {  	_ =	shalt  }
0x7b: {  	_ =	shalt  }
0x7c: {  	_ =	shalt  }
0x7d: {  	_ =	shalt  }
0x7e: {  	_ =	shalt  }
0x7f: {  	_ =	shalt  }
0x80: {  	_ =	shalt  }
0x81: {  	_ =	shalt  }
0x82: {  	_ =	shalt  }
0x83: {  	_ =	shalt  }
0x84: {  	_ =	shalt  }
0x85: {  	_ =	shalt  }
0x86: {  	_ =	shalt  }
0x87: {  	_ =	shalt  }
.Lfunc_end0:
.L_simem_size_0:
called_computation.3_lowered:
.L_overlay_start_0:
0x88: {  	s2 =	sld [smem:$0x3FD9]  }
0x89: {  	s3 =	sld [smem:$0x3FFE];
	_ =	sdelay $0x1  }
0x8a: {  	s1 =	srdreg.scid  }
0x8b: {  	s0 =	sand.u32 $0x1, s1  }
0x8c: {  	s16 =	sshll.u32 s0, $0xA;
	s2 =	sadd.s32 s3, s2  }
0x8d: {  	s2 =	sadd.s32 s2, s16  }
0x8e: {  	[smem:$0x3FB1] =	sst s2  }
0x8f: {  	_ = 	snop  }
0x90: {  	(tm) =	ssettm $0x1  }
0x91: {  	s17 =	sld [smem:$0x3FFB];
	_ =	sdelay $0x3  }
0x92: {  	_ =	strace s17  }
0x93: {  	s2 =	sld [smem:$0x3FFC];
	_ =	sdelay $0x3  }
0x94: {  	_ =	strace s2  }
0x95: {  	s2 =	sld [smem:$0x3FFD];
	_ =	sdelay $0x3  }
0x96: {  	_ =	strace s2  }
0x97: {  	_ =	strace $0x8FFFFFFF  }
0x98: {  	s18 =	sld [smem:$0x3FDB];
	_ =	sdelay $0x1  }
0x99: {  	s19 =	simm.s32 $_scs_section_size  }
0x9a: {  	s4 =	simm.s32 $_size__tile_overlayer_lowered;
	s5 =	simm.s32 $_tile_overlayer_lowered  }
0x9b: {  	s22 =	simm.s32 $0x1BFF;
	s21 =	sshll.u32 s5, $0x1;
	s2 =	sadd.s32 s19, s18  }
0x9c: {  	s6 =	simm.s32 $0x0;
	s20 =	sshll.u32 s4, $0x1;
	s4 =	sadd.s32 s21, s2  }
0x9d: {  	[timem:s6], [sflag:s22] =	dma.local [hbm:s4], s20  }
0x9e: {  	_ =	swait.ge [sflag:s22], s20  }
0x9f: {  	s3 =	ssub.s32 $0x0, s20;
	[sflag:s22] =	ssyncset.done $0x0  }
0xa0: {  	[sflag:s22] =	ssyncadd.s32 s3;
	_ =	sdelay $0x1  }
0xa1: {  	s23 =	simm.s32 $0x1B8B  }
0xa2: {  	_ =	swait.ge [sflag:s23], $0x1  }
0xa3: {  	[sflag:s23] =	ssyncset.done $0x0  }
0xa4: {  	s25 =	simm.s32 $0x1B8E;
	s24 =	sld [smem:$0x3FFE];
	[sflag:s23] =	ssyncadd.s32 $0xFFFFFFFF  }
0xa5: {  	s26 =	simm.s32 $execute0_lowered;
	[smem:$0x3FD2] =	sst s25  }
0xa6: {  	s4 =	sshll.u32 s26, $0x1;
	_ =	strace $0x8000004F;
	[dreg:$0x1] =	wrdreg $0xFFFFFFFF  }
0xa7: {  	s28 =	simm.s32 $_size_execute0_lowered;
	s2 =	sadd.s32 s2, s4;
	[dreg:$0x0] =	wrdreg $0x0  }
0xa8: {  	s4 =	sshll.u32 s28, $0x1;
	[dreg:$0x2] =	wrdreg s2  }
0xa9: {  	[dreg:$0x3] =	wrdreg s4  }
0xaa: {  	[dreg:$0x4] =	wrdreg $0xC0  }
0xab: {  	_ =	task [dreg:s6], $0x5FFFF  }
0xac: {  	[dreg:$0x1] =	wrdreg $0xFFFFFFFF  }
0xad: {  	[dreg:$0x0] =	wrdreg $0x60  }
0xae: {  	[dreg:$0x2] =	wrdreg s24  }
0xaf: {  	[dreg:$0x3] =	wrdreg $0x90000  }
0xb0: {  	[dreg:$0x4] =	wrdreg $0x9  }
0xb1: {  	_ =	task.clear_ibuf [dreg:s6], $0x5FFFF;
	_ =	strace $0x9000004F  }
0xb2: {  	s29 =	simm.s32 $0x9;
	_ =	strace $0x80000051  }
0xb3: {  	_ =	swait.ge [sflag:s29], $0x1  }
0xb4: {  	[sflag:s29] =	ssyncadd.s32 $0xFFFFFFFF  }
0xb5: {  	_ =	strace $0x90000051  }
0xb6: {  	_ =	sfence  }
0xb7: {  	s30 =	sld [smem:$0x0];
	_ =	sdelay $0x2  }
0xb8: {  	s31 =	sshll.u32 s1, $0xD;
	s1 =	sshrl.u32 s1, $0x2  }
0xb9: {  	s3 =	sand.u32 $0x4000, s31;
	s1 =	sadd.s32 s1, s30  }
0xba: {  	s0 =	sor.u32 s3, s0;
	s1 =	sshll.u32 s1, $0x11  }
0xbb: {  	s0 =	sor.u32 s1, s0  }
0xbc: {  	s0 =	sadd.s32 $0x8F2B, s0  }
0xbd: {  	[sflag:s0] =	ssyncadd.remote.s32 $0x1  }
0xbe: {  	_ =	sfence.sel $0xFFFF  }
0xbf: {  	[dreg:$0x0] =	wrdreg $0xFFFFFFFF;
	(pc) =	sbr.abs _section_cstart, $3  }
0xc0: {  	[dreg:$0x1] =	wrdreg $0xFFFFFFFF  }
0xc1: {  	_ =	task.clear_ibuf [dreg:s6], $0x2FFFF;
	_ =	strace $0x9FFFFFFF  }
0xc2: {  	(tm) =	ssettm $0x7FFFFFFF  }
0xc3: {  	_ =	shalt  }
tec
execute0_lowered:
.L_overlay_start_1:
0x0: {  	(tag) =	ssettag $0x1  }
0x1: {  	s5 =	rddreg [dreg:$0x0]  }
0x2: {  	s2 =	rddreg [dreg:$0x1]  }
0x3: {  	s0 =	rddreg [dreg:$0x2]  }
0x4: {  	s4 =	srdreg.scid;
	s3 =	simm.s32 $0x0;
	s1 =	stileid.u32  }
0x5: {  	s22 =	simm.s32 $0x80;
	s23 =	simm.s32 $0x5000;
	s14 =	smul.u32 $0x14000, s1  }
0x6: {  	s6 =	sand.u32 $0x1, s4;
	[smem:$0x7FF] =	sst s3;
	s10 =	smul.u32 $0x50000, s1  }
0x7: {  	s18 =	sadd.s32 $0x67A00, s5;
	s26 =	sshll.u32 s1, $0x6;
	s4 =	sshll.u32 s6, $0x4  }
0x8: {  	_ =	strace $0x80000050;
	s9 =	ssub.s32 $0x2, s6;
	s15 =	smul.u32 $0x140000, s6  }
0x9: {  	s7 =	sor.u32 s1, s4;
	s4 =	sadd.s32 $0x18800, s5;
	s8 =	sshrl.u32 s14, $0x3  }
0xa: {  	s24 =	sshrl.u32 s9, $0x1;
	s25 =	sshrl.u32 s10, $0x2;
	s12 =	sadd.s32 $0x4000, s14  }
0xb: {  	s16 =	sadd.s32 $0x8000, s14;
	s17 =	sadd.s32 $0xC000, s14;
	s21 =	sadd.s32 $0x10000, s14  }
0xc: {  	s7 =	smul.u32 $0x500, s7;
	s8 =	sadd.s32 s8, s5;
	s19 =	ssub.s32 s9, s24  }
0xd: {  	s28 =	sadd.s32 s14, s15;
	s13 =	sadd.s32 s15, s12;
	s20 =	sadd.s32 s15, s17  }
0xe: {  	s31 =	sadd.s32 s15, s21;
	s24 =	simm.s32 $0x1;
	s6 =	sadd.s32 $0x3FA00, s8  }
0xf: {  	s29 =	sshrl.u32 s28, $0x3;
	s13 =	sshrl.u32 s13, $0x3;
	s30 =	sshrl.u32 s20, $0x3  }
0x10: {  	s20 =	sshrl.u32 s31, $0x3;
	s19 =	smax.u32 s19, $0x1;
	s11 =	sadd.s32 s7, s5  }
0x11: {  	s5 =	sadd.s32 s25, s2;
	s7 =	sor.u32 $0x1C02, s26;
	s10 =	sadd.s32 s18, s29  }
0x12: {  	s8 =	sadd.s32 $0x4800, s11;
	s9 =	sadd.s32 $0xE800, s11;
	s11 =	sadd.s32 s12, s2  }
0x13: {  	s12 =	sadd.s32 s18, s13;
	s13 =	sadd.s32 s16, s2;
	s16 =	sadd.s32 s15, s16  }
0x14: {  	s25 =	simm.s32 $0x0;
	s15 =	sadd.s32 s17, s2;
	s16 =	sshrl.u32 s16, $0x3  }
0x15: {  	s17 =	sadd.s32 s21, s2;
	s21 =	simm.s32 $0x2800;
	s14 =	sadd.s32 s18, s16  }
0x16: {  	s16 =	sadd.s32 s18, s30;
	s18 =	sadd.s32 s18, s20;
	s20 =	simm.s32 $0x2  }
.LBB2_1:
0x17: {  	s26 =	sshrl.u32 s5, $0x3  }
0x18: {  	[spmem:s26], [sflag:s7] =	dma.local [hbm:s6], $0x2800  }
0x19: {  	_ =	swait.ge [sflag:s20], $0x2800  }
0x1a: {  	[sflag:s20] =	ssyncset.done $0x0  }
0x1b: {  	[sflag:s20] =	ssyncadd.s32 $0xFFFFD800  }
0x1c: {  	[tilespmem:s3], [sflag:$0x2] =	stream.linear.gather [hbm4b:s8+s3], $0x2780, $0x38;
	[tilespmem:$0x1D000] =	vst v63  }
0x1d: {  	_ =	swait.ge [sflag:s20], $0x2780  }
0x1e: {  	[sflag:s20] =	ssyncset.done $0x0  }
0x1f: {  	[sflag:s20] =	ssyncadd.s32 $0xFFFFD880  }
0x20: {  	[tilespmem:s21], [sflag:$0x2] =	stream.linear.gather [hbm4b:s9+s3], $0x2780, $0x38;
	[tilespmem:$0x1D000] =	vst v63  }
0x21: {  	_ =	swait.ge [sflag:s20], $0x2780  }
0x22: {  	[sflag:s20] =	ssyncset.done $0x0  }
0x23: {  	[sflag:s20] =	ssyncadd.s32 $0xFFFFD880  }
0x24: {  	s30 =	simm.s32 $0x0;
	[bflag:$0x0] =	sbarrier.arrive $0xFFFF  }
0x25: {  	[tilespmem:s23], [sflag:$0x1] =	stream.indirect.gather [hbm4b:s4+s22], $0x80, s30, s22, $0xb8;
	[tilespmem:$0x1D000] =	vst v63  }
0x26: {  	_ =	swait.ge [sflag:s24], $0x4000  }
0x27: {  	[sflag:s24] =	ssyncset.done $0x0  }
0x28: {  	s31 =	simm.s32 $0x2800;
	[sflag:s24] =	ssyncadd.s32 $0xFFFFC000  }
0x29: {  	[spmem:s2] =	stream.indirect.scatter.add.f32 [tilespmem:s23], [sflag:$0x2], $0x80, s31, s22, $0xb8;
	[tilespmem:$0x1D000] =	vst v63  }
0x2a: {  	_ =	swait.ge [sflag:s20], $0x4000  }
0x2b: {  	s28 =	simm.s32 $0x400;
	s26 =	simm.s32 $0x200;
	[sflag:s20] =	ssyncset.done $0x0  }
.LBB2_2:
0x2c: {  	s29 =	sshra.s32 s26, $0x2  }
0x2d: {  	[sflag:s20] =	ssyncadd.s32 $0xFFFFC000;
	s26 =	smov.u32 s28;
	s30 =	sadd.s32 $0x200, s28  }
0x2e: {  	[tilespmem:s23], [sflag:$0x1] =	stream.indirect.gather [hbm4b:s4+s22], $0x80, s29, s22, $0xb8;
	[tilespmem:$0x1D000] =	vst v63  }
0x2f: {  	p0 =	sne.s32 s28, $0x9C00;
	_ =	swait.ge [sflag:s24], $0x4000  }
.Ltmp0:
0x30: {  	[sflag:s24] =	ssyncset.done $0x0;
	(pc) =	sbr.rel @p0 .LBB2_2-.Ltmp0, $4  }
0x31: {  	s28 =	sadd.s32 $0x2800, s29;
	[sflag:s24] =	ssyncadd.s32 $0xFFFFC000  }
0x32: {  	[spmem:s2] =	stream.indirect.scatter.add.f32 [tilespmem:s23], [sflag:$0x2], $0x80, s28, s22, $0xb8;
	[tilespmem:$0x1D000] =	vst v63  }
0x33: {  	_ =	swait.ge [sflag:s20], $0x4000  }
0x34: {  	s28 =	smov.u32 s30;
	[sflag:s20] =	ssyncset.done $0x0  }
0x35: {  	s26 =	sshra.s32 s26, $0x2;
	[sflag:s20] =	ssyncadd.s32 $0xFFFFC000  }
0x36: {  	[tilespmem:s23], [sflag:$0x1] =	stream.indirect.gather [hbm4b:s4+s22], $0x80, s26, s22, $0xb8;
	[tilespmem:$0x1D000] =	vst v63  }
0x37: {  	_ =	swait.ge [sflag:s24], $0x4000  }
0x38: {  	[sflag:s24] =	ssyncset.done $0x0  }
0x39: {  	s26 =	sadd.s32 $0x2800, s26;
	[sflag:s24] =	ssyncadd.s32 $0xFFFFC000  }
0x3a: {  	[spmem:s2] =	stream.indirect.scatter.add.f32 [tilespmem:s23], [sflag:$0x2], $0x80, s26, s22, $0xb8;
	[tilespmem:$0x1D000] =	vst v63  }
0x3b: {  	_ =	swait.ge [sflag:s20], $0x4000  }
0x3c: {  	[sflag:s20] =	ssyncset.done $0x0  }
0x3d: {  	[sflag:s20] =	ssyncadd.s32 $0xFFFFC000  }
0x3e: {  	[bflag:$0x0] =	sbarrier.arrive $0xFFFF  }
0x3f: {  	[tilespmem:s23], [sflag:$0x2] =	stream.linear.gather [spmem:s5], $0x4000, $0x38;
	[tilespmem:$0x1D000] =	vst v63  }
0x40: {  	_ =	swait.ge [sflag:s20], $0x4000  }
0x41: {  	[sflag:s20] =	ssyncset.done $0x0  }
0x42: {  	[sflag:s20] =	ssyncadd.s32 $0xFFFFC000  }
0x43: {  	[hbm4b:s10+s3] =	stream.linear.scatter [tilespmem:s23], [sflag:$0x2], $0x4000, $0x38;
	[tilespmem:$0x1D000] =	vst v63  }
0x44: {  	_ =	swait.ge [sflag:s20], $0x4000  }
0x45: {  	[sflag:s20] =	ssyncset.done $0x0  }
0x46: {  	[sflag:s20] =	ssyncadd.s32 $0xFFFFC000  }
0x47: {  	[tilespmem:s23], [sflag:$0x2] =	stream.linear.gather [spmem:s11], $0x4000, $0x38;
	[tilespmem:$0x1D000] =	vst v63  }
0x48: {  	_ =	swait.ge [sflag:s20], $0x4000  }
0x49: {  	[sflag:s20] =	ssyncset.done $0x0  }
0x4a: {  	[sflag:s20] =	ssyncadd.s32 $0xFFFFC000  }
0x4b: {  	[hbm4b:s12+s3] =	stream.linear.scatter [tilespmem:s23], [sflag:$0x2], $0x4000, $0x38;
	[tilespmem:$0x1D000] =	vst v63  }
0x4c: {  	_ =	swait.ge [sflag:s20], $0x4000  }
0x4d: {  	[sflag:s20] =	ssyncset.done $0x0  }
0x4e: {  	[sflag:s20] =	ssyncadd.s32 $0xFFFFC000  }
0x4f: {  	[tilespmem:s23], [sflag:$0x2] =	stream.linear.gather [spmem:s13], $0x4000, $0x38;
	[tilespmem:$0x1D000] =	vst v63  }
0x50: {  	_ =	swait.ge [sflag:s20], $0x4000  }
0x51: {  	[sflag:s20] =	ssyncset.done $0x0  }
0x52: {  	[sflag:s20] =	ssyncadd.s32 $0xFFFFC000  }
0x53: {  	[hbm4b:s14+s3] =	stream.linear.scatter [tilespmem:s23], [sflag:$0x2], $0x4000, $0x38;
	[tilespmem:$0x1D000] =	vst v63  }
0x54: {  	_ =	swait.ge [sflag:s20], $0x4000  }
0x55: {  	[sflag:s20] =	ssyncset.done $0x0  }
0x56: {  	[sflag:s20] =	ssyncadd.s32 $0xFFFFC000  }
0x57: {  	[tilespmem:s23], [sflag:$0x2] =	stream.linear.gather [spmem:s15], $0x4000, $0x38;
	[tilespmem:$0x1D000] =	vst v63  }
0x58: {  	_ =	swait.ge [sflag:s20], $0x4000  }
0x59: {  	[sflag:s20] =	ssyncset.done $0x0  }
0x5a: {  	[sflag:s20] =	ssyncadd.s32 $0xFFFFC000  }
0x5b: {  	[hbm4b:s16+s3] =	stream.linear.scatter [tilespmem:s23], [sflag:$0x2], $0x4000, $0x38;
	[tilespmem:$0x1D000] =	vst v63  }
0x5c: {  	_ =	swait.ge [sflag:s20], $0x4000  }
0x5d: {  	[sflag:s20] =	ssyncset.done $0x0  }
0x5e: {  	[sflag:s20] =	ssyncadd.s32 $0xFFFFC000  }
0x5f: {  	[tilespmem:s23], [sflag:$0x2] =	stream.linear.gather [spmem:s17], $0x4000, $0x38;
	[tilespmem:$0x1D000] =	vst v63  }
0x60: {  	s25 =	sadd.s32 $0x1, s25;
	_ =	swait.ge [sflag:s20], $0x4000  }
0x61: {  	p0 =	sne.s32 s25, s19;
	[sflag:s20] =	ssyncset.done $0x0  }
.Ltmp1:
0x62: {  	[sflag:s20] =	ssyncadd.s32 $0xFFFFC000;
	(pc) =	sbr.rel @p0 .LBB2_1-.Ltmp1, $4  }
0x63: {  	[hbm4b:s18+s3] =	stream.linear.scatter [tilespmem:s23], [sflag:$0x2], $0x4000, $0x38;
	[tilespmem:$0x1D000] =	vst v63  }
0x64: {  	_ =	swait.ge [sflag:s20], $0x4000  }
0x65: {  	[sflag:s20] =	ssyncset.done $0x0  }
0x66: {  	[sflag:s20] =	ssyncadd.s32 $0xFFFFC000  }
0x67: {  	_ =	sfence.sel $0x180000  }
0x68: {  	[bflag:$0x0] =	sbarrier.arrive $0xFFFF  }
0x69: {  	p0 =	sne.s32 s1, $0x0;
	_ =	strace $0x90000050  }
0x6a: {  	s0 =	sadd.s32 @!p0 $0x100000, s0;
	[bflag:$0x2] =	sbarrier.arrive $0xFFFF  }
0x6b: {  	[sflag:s0] =	ssyncadd.tile.s32 @!p0 $0x1;
	_ =	shalt  }
.Lfunc_end2:
_tile_overlayer_lowered:
.L_overlay_start_2:
0x6c: {  	(tag) =	ssettag $0x2  }
0x6d: {  	s0 =	rddreg [dreg:$0x0];
	s2 =	stileid.u32  }
0x6e: {  	s1 =	rddreg [dreg:$0x1];
	p0 =	sne.s32 s2, $0x0  }
0x6f: {  	s3 =	rddreg [dreg:$0x2];
	[bflag:$0x3] =	sbarrier.arrive $0xFFFF;
	s2 =	simm.s32 @!p0 $0x1C02  }
0x70: {  	[timem:s3], [sflag:s2] =	dma.local @!p0 [hbm:s0], s1  }
0x71: {  	s0 =	simm.s32 @!p0 $0x2  }
0x72: {  	_ =	swait.ge @!p0 [sflag:s0], s1  }
0x73: {  	s1 =	ssub.s32 @!p0 $0x0, s1;
	[sflag:s0] =	ssyncset.done @!p0 $0x0  }
0x74: {  	[sflag:s0] =	ssyncadd.s32 @!p0 s1  }
0x75: {  	[bflag:$0x3] =	sbarrier.arrive $0xFFFF  }
0x76: {  	_ =	shalt  }

</sc_bundles>
